<compile_context>
chip_gen: v7x
topology: tpu7x:2x2x1
jax: 0.10.2.dev20260603
libtpu: 0.0.44.dev20260713+nightly
codegen_flags: <defaults>
</compile_context>

<pallas_src>
import math

import jax
import jax.numpy as jnp
import numpy as np
from jax import lax
from jax.experimental import pallas as pl
from jax.experimental.pallas import tpu as pltpu
from jax.experimental.pallas import tpu_sc as plsc

N_NODES = 10000
E_EDGES = 320000
S_DIM = 128
E_DIM = 16
NPOW = 16
MISC = NPOW + E_DIM
CHUNK = 128
NW = 32
N_CHUNKS = E_EDGES // CHUNK
BASE_CH = N_CHUNKS // NW
REM = N_CHUNKS - BASE_CH * NW
N_PAD = 10240
ROWS_PER_TILE = N_PAD // 16


def _sc_rows_body(mem_hbm, esrc_hbm, edst_hbm, out_hbm,
                  acc, src_idx, dst_idx, rows_v, sem):
    c = lax.axis_index("c")
    s = lax.axis_index("s")
    wid = s * 2 + c
    zero16 = jnp.zeros((16,), jnp.float32)

    def zrow(r, _):
        for g in range(S_DIM // 16):
            rows_v[r, pl.ds(g * 16, 16)] = zero16
        return 0
    lax.fori_loop(0, CHUNK, zrow, 0)

    base = s * ROWS_PER_TILE
    def zcp(j, _):
        pltpu.sync_copy(rows_v, acc.at[pl.ds(base + j * CHUNK, CHUNK)])
        return 0
    lax.fori_loop(0, ROWS_PER_TILE // CHUNK, zcp, 0)
    plsc.subcore_barrier()

    nchunks = BASE_CH + jnp.where(wid < REM, 1, 0)

    def chunk_body(i, _):
        off = (wid + i * NW) * CHUNK
        pltpu.sync_copy(esrc_hbm.at[pl.ds(off, CHUNK)], src_idx)
        pltpu.sync_copy(edst_hbm.at[pl.ds(off, CHUNK)], dst_idx)
        pltpu.async_copy(mem_hbm.at[src_idx], rows_v, sem).wait()
        pltpu.sync_copy(rows_v, acc.at[dst_idx], add=True)
        return 0
    lax.fori_loop(0, nchunks, chunk_body, 0)
    plsc.subcore_barrier()

    def dcp(j, _):
        r0 = base + j * CHUNK
        pltpu.sync_copy(acc.at[pl.ds(r0, CHUNK)], out_hbm.at[c, pl.ds(r0, CHUNK)])
        return 0
    lax.fori_loop(0, ROWS_PER_TILE // CHUNK, dcp, 0)


def _sc_rows(mem, esrc, edst):
    mesh = plsc.VectorSubcoreMesh(core_axis_name="c", subcore_axis_name="s")
    f32 = jnp.float32
    call = pl.kernel(
        _sc_rows_body,
        out_type=jax.ShapeDtypeStruct((2, N_PAD, S_DIM), f32),
        mesh=mesh,
        scratch_types=(
            pltpu.VMEM_SHARED((N_PAD, S_DIM), f32),
            pltpu.VMEM((CHUNK,), jnp.int32),
            pltpu.VMEM((CHUNK,), jnp.int32),
            pltpu.VMEM((CHUNK, S_DIM), f32),
            pltpu.SemaphoreType.DMA,
        ),
    )
    return call(mem, esrc, edst)


def _sc_misc_body(edst_hbm, powe_hbm, out_hbm,
                  acc, dst_idx, misc_v, sem):
    c = lax.axis_index("c")
    s = lax.axis_index("s")
    wid = s * 2 + c
    zero16 = jnp.zeros((16,), jnp.float32)

    def zrow(r, _):
        for g in range(S_DIM // 16):
            misc_v[r, pl.ds(g * 16, 16)] = zero16
        return 0
    lax.fori_loop(0, CHUNK, zrow, 0)

    base = s * ROWS_PER_TILE
    def zcp(j, _):
        pltpu.sync_copy(misc_v, acc.at[pl.ds(base + j * CHUNK, CHUNK)])
        return 0
    lax.fori_loop(0, ROWS_PER_TILE // CHUNK, zcp, 0)
    plsc.subcore_barrier()

    nchunks = BASE_CH + jnp.where(wid < REM, 1, 0)

    def chunk_body(i, _):
        off = (wid + i * NW) * CHUNK
        pltpu.sync_copy(edst_hbm.at[pl.ds(off, CHUNK)], dst_idx)
        pltpu.sync_copy(powe_hbm.at[pl.ds(off, CHUNK)], misc_v)
        pltpu.sync_copy(misc_v, acc.at[dst_idx], add=True)
        return 0
    lax.fori_loop(0, nchunks, chunk_body, 0)
    plsc.subcore_barrier()

    def dcp(j, _):
        r0 = base + j * CHUNK
        pltpu.sync_copy(acc.at[pl.ds(r0, CHUNK)], out_hbm.at[c, pl.ds(r0, CHUNK)])
        return 0
    lax.fori_loop(0, ROWS_PER_TILE // CHUNK, dcp, 0)


def _sc_misc(edst, powe):
    mesh = plsc.VectorSubcoreMesh(core_axis_name="c", subcore_axis_name="s")
    f32 = jnp.float32
    call = pl.kernel(
        _sc_misc_body,
        out_type=jax.ShapeDtypeStruct((2, N_PAD, S_DIM), f32),
        mesh=mesh,
        scratch_types=(
            pltpu.VMEM_SHARED((N_PAD, S_DIM), f32),
            pltpu.VMEM((CHUNK,), jnp.int32),
            pltpu.VMEM((CHUNK, S_DIM), f32),
            pltpu.SemaphoreType.DMA,
        ),
    )
    return call(edst, powe)


def _tc_powe_body(t_ref, e_ref, out_ref):
    t = t_ref[...]
    B = t.shape[0]
    one = jnp.ones((B, NPOW), jnp.float32)
    t1 = t * one
    t2 = t1 * t1
    t4 = t2 * t2
    t8 = t4 * t4
    m = lax.broadcasted_iota(jnp.int32, (B, NPOW), 1)
    pw = (jnp.where((m & 1) > 0, t1, one) * jnp.where((m & 2) > 0, t2, one)
          * jnp.where((m & 4) > 0, t4, one) * jnp.where((m & 8) > 0, t8, one))
    out_ref[...] = jnp.concatenate(
        [pw, e_ref[...], jnp.zeros((B, S_DIM - MISC), jnp.float32)], axis=1)


def _tc_powe(t, e):
    BE = 4000
    grid = (E_EDGES // BE,)
    return pl.pallas_call(
        _tc_powe_body,
        grid=grid,
        in_specs=[
            pl.BlockSpec((BE, 1), lambda i: (i, 0)),
            pl.BlockSpec((BE, E_DIM), lambda i: (i, 0)),
        ],
        out_specs=pl.BlockSpec((BE, S_DIM), lambda i: (i, 0)),
        out_shape=jax.ShapeDtypeStruct((E_EDGES, S_DIM), jnp.float32),
    )(t.reshape(E_EDGES, 1), e)


_INV_FACT = np.array([1.0 / math.factorial(m) for m in range(NPOW)],
                     dtype=np.float32)


def _tc_update_body(acc_src_ref, acc_misc_ref, h_ref,
                    freq_ref, phase_ref, invfact_ref, w_ih_ref, w_hh_ref,
                    b_ih_ref, b_hh_ref, out_ref):
    f32 = jnp.float32
    misc = acc_misc_ref[0] + acc_misc_ref[1]
    S = misc[:, :NPOW]
    cnt = S[:, 0:1]
    inv = 1.0 / jnp.maximum(cnt, 1.0)
    msk = (cnt > 0.0).astype(f32)

    srcp = (acc_src_ref[0] + acc_src_ref[1]) * inv
    ep = misc[:, NPOW:MISC] * inv

    freq = freq_ref[0, :]
    phase = phase_ref[0, :]
    mvec = lax.broadcasted_iota(jnp.int32, (NPOW, 1), 0).astype(f32)
    fm = jnp.exp(mvec * jnp.log(freq)[None, :])
    A = jnp.cos(phase[None, :] + mvec * (np.pi / 2)) * fm \
        * invfact_ref[0, :][:, None]
    tp = jnp.dot(S, A, preferred_element_type=f32) * inv

    h = h_ref[...]
    x = jnp.concatenate([srcp, h * msk, tp, ep], axis=1)

    gi = lax.dot_general(x, w_ih_ref[...], (((1,), (1,)), ((), ())),
                         preferred_element_type=f32) + b_ih_ref[0, :]
    gh = lax.dot_general(h, w_hh_ref[...], (((1,), (1,)), ((), ())),
                         preferred_element_type=f32) + b_hh_ref[0, :]
    r = jax.nn.sigmoid(gi[:, 0:S_DIM] + gh[:, 0:S_DIM])
    z = jax.nn.sigmoid(gi[:, S_DIM:2 * S_DIM] + gh[:, S_DIM:2 * S_DIM])
    n = jnp.tanh(gi[:, 2 * S_DIM:] + r * gh[:, 2 * S_DIM:])
    out_ref[...] = (1.0 - z) * n + z * h


def _tc_update(acc_src, acc_misc, h, freq, phase, w_ih, w_hh, b_ih, b_hh):
    invfact = jnp.asarray(_INV_FACT.reshape(1, NPOW))
    R = 1000
    grid = (N_NODES // R,)
    f32 = jnp.float32
    return pl.pallas_call(
        _tc_update_body,
        grid=grid,
        in_specs=[
            pl.BlockSpec((2, R, S_DIM), lambda i: (0, i, 0)),
            pl.BlockSpec((2, R, S_DIM), lambda i: (0, i, 0)),
            pl.BlockSpec((R, S_DIM), lambda i: (i, 0)),
            pl.BlockSpec((1, S_DIM), lambda i: (0, 0)),
            pl.BlockSpec((1, S_DIM), lambda i: (0, 0)),
            pl.BlockSpec((1, NPOW), lambda i: (0, 0)),
            pl.BlockSpec((3 * S_DIM, 2 * S_DIM + S_DIM + E_DIM),
                         lambda i: (0, 0)),
            pl.BlockSpec((3 * S_DIM, S_DIM), lambda i: (0, 0)),
            pl.BlockSpec((1, 3 * S_DIM), lambda i: (0, 0)),
            pl.BlockSpec((1, 3 * S_DIM), lambda i: (0, 0)),
        ],
        out_specs=pl.BlockSpec((R, S_DIM), lambda i: (i, 0)),
        out_shape=jax.ShapeDtypeStruct((N_NODES, S_DIM), f32),
    )(acc_src, acc_misc, h, freq, phase, invfact, w_ih, w_hh, b_ih, b_hh)


@jax.jit
def kernel(si, sj, si_r, sj_r, t, t_r, e, e_r,
           edge_src, edge_dst, edge_src_r, edge_dst_r,
           basis_freq, phase, W_ih, W_hh, b_ih, b_hh):
    src_g = _sc_rows(si, edge_src, edge_dst)[:, :N_NODES]
    misc_g = _sc_misc(edge_dst, _tc_powe(t, e))[:, :N_NODES]
    src_gr = _sc_rows(si_r, edge_src_r, edge_dst_r)[:, :N_NODES]
    misc_gr = _sc_misc(edge_dst_r, _tc_powe(t_r, e_r))[:, :N_NODES]
    freq2 = basis_freq.reshape(1, -1)
    phase2 = phase.reshape(1, -1)
    bih2 = b_ih.reshape(1, -1)
    bhh2 = b_hh.reshape(1, -1)
    sj_new = _tc_update(src_g, misc_g, sj, freq2, phase2, W_ih, W_hh,
                        bih2, bhh2)
    si_new = _tc_update(src_gr, misc_gr, sj_r, freq2, phase2, W_ih, W_hh,
                        bih2, bhh2)
    return (si_new, sj_new)

# --- scband reference (transcript-rebuilt; emitter-appended) ---
"""Pipeline reference for scband-message-70738111365649 (READ-ONLY COPY).

The authoritative reference and input builder live on the scoring server;
editing this copy changes nothing except your own understanding.
"""

import jax, jax.numpy as jnp
import numpy as np

N_USERS = 10000
N_ITEMS = 10000
E = 320000
S = 128      # in_feats_s (memory / hidden dim)
T_DIM = 128  # in_feats_t (time encoding dim)
E_DIM = 16   # edge feature dim
M = 2 * S + T_DIM + E_DIM  # 400 = in_feats_m (message dim)


def time_encode(ts, basis_freq, phase):
    # TimeEncode.forward: cos(ts * basis_freq + phase)
    map_ts = ts[:, None] * basis_freq[None, :] + phase[None, :]
    return jnp.cos(map_ts)


def gru_step(x, h, W_ih, W_hh, b_ih, b_hh):
    # Single-step torch.nn.GRU (seq_len=1), PyTorch gate layout [r, z, n]
    gi = x @ W_ih.T + b_ih
    gh = h @ W_hh.T + b_hh
    i_r, i_z, i_n = jnp.split(gi, 3, axis=1)
    h_r, h_z, h_n = jnp.split(gh, 3, axis=1)
    r = jax.nn.sigmoid(i_r + h_r)
    z = jax.nn.sigmoid(i_z + h_z)
    n = jnp.tanh(i_n + r * h_n)
    return (1.0 - z) * n + z * h


def setup_inputs(seed: int = 0) -> dict:
    key = jax.random.key(seed)
    ks = jax.random.split(key, 16)
    si = jax.random.normal(ks[0], (N_USERS, S), dtype=jnp.float32)
    sj = jax.random.normal(ks[1], (N_ITEMS, S), dtype=jnp.float32)
    si_r = jax.random.normal(ks[2], (N_ITEMS, S), dtype=jnp.float32)
    sj_r = jax.random.normal(ks[3], (N_USERS, S), dtype=jnp.float32)
    t = jax.random.uniform(ks[4], (E,), dtype=jnp.float32)
    t_r = jax.random.uniform(ks[5], (E,), dtype=jnp.float32)
    e = jax.random.normal(ks[6], (E, E_DIM), dtype=jnp.float32)
    e_r = jax.random.normal(ks[7], (E, E_DIM), dtype=jnp.float32)
    edge_src = jax.random.randint(ks[8], (E,), 0, N_USERS, dtype=jnp.int64) if jax.config.jax_enable_x64 else jax.random.randint(ks[8], (E,), 0, N_USERS).astype(jnp.int32)
    edge_dst = jax.random.randint(ks[9], (E,), 0, N_ITEMS).astype(edge_src.dtype)
    edge_src_r = jax.random.randint(ks[10], (E,), 0, N_ITEMS).astype(edge_src.dtype)
    edge_dst_r = jax.random.randint(ks[11], (E,), 0, N_USERS).astype(edge_src.dtype)
    # TimeEncode params (non-trainable)
    basis_freq = jnp.asarray(1.0 / 10 ** np.linspace(0, 9, T_DIM), dtype=jnp.float32)
    phase = jnp.zeros((T_DIM,), dtype=jnp.float32)
    # GRU params (shared between user and item updates)
    W_ih = jax.random.normal(ks[12], (3 * S, M), dtype=jnp.float32) * 0.02
    W_hh = jax.random.normal(ks[13], (3 * S, S), dtype=jnp.float32) * 0.02
    b_ih = jax.random.normal(ks[14], (3 * S,), dtype=jnp.float32) * 0.02
    b_hh = jax.random.normal(ks[15], (3 * S,), dtype=jnp.float32) * 0.02
    return {"si": si, "sj": sj, "si_r": si_r, "sj_r": sj_r,
            "t": t, "t_r": t_r, "e": e, "e_r": e_r,
            "edge_src": edge_src, "edge_dst": edge_dst,
            "edge_src_r": edge_src_r, "edge_dst_r": edge_dst_r,
            "basis_freq": basis_freq, "phase": phase,
            "W_ih": W_ih, "W_hh": W_hh, "b_ih": b_ih, "b_hh": b_hh}


def _mean_messages(src_mem, dst_mem, t, e, edge_src, edge_dst, n_dst, basis_freq, phase):
    # id_msg_func: concat [src memory, dst memory, time_emb, edge feat] per edge
    time_emb = time_encode(t, basis_freq, phase)
    msg = jnp.concatenate([src_mem[edge_src], dst_mem[edge_dst], time_emb, e], axis=1)
    # mean_reduce_func: mean of mailbox per destination node (0 for isolated nodes)
    sums = jnp.zeros((n_dst, M), dtype=msg.dtype).at[edge_dst].add(msg)
    cnt = jnp.zeros((n_dst,), dtype=msg.dtype).at[edge_dst].add(1.0)
    return sums / jnp.maximum(cnt, 1.0)[:, None]


def reference(si, sj, si_r, sj_r, t, t_r, e, e_r,
              edge_src, edge_dst, edge_src_r, edge_dst_r,
              basis_freq, phase, W_ih, W_hh, b_ih, b_hh):
    # g: users -> items (src memory si, dst memory sj)
    mj = _mean_messages(si, sj, t, e, edge_src, edge_dst, N_ITEMS, basis_freq, phase)
    # g_r: items -> users (src memory si_r, dst memory sj_r)
    mi = _mean_messages(si_r, sj_r, t_r, e_r, edge_src_r, edge_dst_r, N_USERS, basis_freq, phase)
    # GRU updates (dropout=0.0 -> identity)
    si_new = gru_step(mi, sj_r, W_ih, W_hh, b_ih, b_hh)
    sj_new = gru_step(mj, sj, W_ih, W_hh, b_ih, b_hh)
    return (si_new, sj_new)

if __name__ == "__main__":
    import jax
    _d = setup_inputs()
    print(jax.jit(kernel)(*tuple(_d.values())))

</pallas_src>

<mosaic_0001>
#map = affine_map<(d0, d1) -> (0, 0)>
#map1 = affine_map<(d0, d1) -> (0)>
#map2 = affine_map<(d0, d1) -> (0, 0, 0)>
module attributes {stable_mosaic.version = 14 : i64} {
  func.func @_sc_rows_body(%arg0: i32, %arg1: i32, %arg2: memref<10000x128xf32, #tpu.memory_space<hbm>>, %arg3: memref<320000xi32, #tpu.memory_space<hbm>>, %arg4: memref<320000xi32, #tpu.memory_space<hbm>>, %arg5: memref<2x10240x128xf32, #tpu.memory_space<hbm>>, %arg6: memref<10240x128xf32, #tpu.memory_space<vmem_shared>>, %arg7: memref<128xi32, #tpu.memory_space<vmem>>, %arg8: memref<128xi32, #tpu.memory_space<vmem>>, %arg9: memref<128x128xf32, #tpu.memory_space<vmem>>, %arg10: memref<!tpu.dma_semaphore, #tpu.memory_space<semaphore_mem>>) attributes {dimension_semantics = [#tpu.dimension_semantics<core_parallel>, #tpu.dimension_semantics<subcore_parallel>], iteration_bounds = array<i64: 2, 16>, scalar_prefetch = 0 : i64, scratch_operands = 5 : i64, tpu.core_type = #tpu.core_type<sc_vector_subcore>, window_params = [{transform_indices = #map}, {transform_indices = #map1}, {transform_indices = #map1}, {transform_indices = #map2}]} {
    %mul3A = arith.constant 2 : i32
    %mul3A_0 = arith.muli %arg1, %mul3A : i32
    %add3A = arith.addi %mul3A_0, %arg0 : i32
    %broadcast_in_dim3A = arith.constant 0.000000e+00 : f32
    %broadcast_in_dim3A_1 = vector.broadcast %broadcast_in_dim3A : f32 to vector<16xf32>
    %scan3A = arith.constant 0 : i32
    %scan3A_2 = arith.constant 0 : i32
    %scan3A_3 = arith.constant 128 : i32
    %scan3A_4 = arith.addi %scan3A_2, %scan3A_3 : i32
    %scan3A_5 = arith.constant 1 : i32
    %scan3A_6 = scf.for %scan3A_40 = %scan3A_2 to %scan3A_4 step %scan3A_5 iter_args(%scan3A_41 = %scan3A) -> (i32)  : i32 {
      %swap3A = arith.index_cast %scan3A_40 : i32 to index
      %swap3A_42 = arith.constant 0 : index
      %swap3A_43 = tpu.vector_load %arg9[%swap3A, %swap3A_42] {strides = array<i32>} : memref<128x128xf32, #tpu.memory_space<vmem>>, vector<1x16xf32>,
      %swap3A_44 = vector.shape_cast %swap3A_43 : vector<1x16xf32> to vector<16xf32>
      %swap3A_45 = vector.shape_cast %broadcast_in_dim3A_1 : vector<16xf32> to vector<1x16xf32>
      tpu.vector_store %arg9[%swap3A, %swap3A_42], %swap3A_45 {strides = array<i32>} : memref<128x128xf32, #tpu.memory_space<vmem>>, vector<1x16xf32>,
      %swap3A_46 = arith.index_cast %scan3A_40 : i32 to index
      %swap3A_47 = arith.constant 16 : index
      %swap3A_48 = tpu.vector_load %arg9[%swap3A_46, %swap3A_47] {strides = array<i32>} : memref<128x128xf32, #tpu.memory_space<vmem>>, vector<1x16xf32>,
      %swap3A_49 = vector.shape_cast %swap3A_48 : vector<1x16xf32> to vector<16xf32>
      %swap3A_50 = vector.shape_cast %broadcast_in_dim3A_1 : vector<16xf32> to vector<1x16xf32>
      tpu.vector_store %arg9[%swap3A_46, %swap3A_47], %swap3A_50 {strides = array<i32>} : memref<128x128xf32, #tpu.memory_space<vmem>>, vector<1x16xf32>,
      %swap3A_51 = arith.index_cast %scan3A_40 : i32 to index
      %swap3A_52 = arith.constant 32 : index
      %swap3A_53 = tpu.vector_load %arg9[%swap3A_51, %swap3A_52] {strides = array<i32>} : memref<128x128xf32, #tpu.memory_space<vmem>>, vector<1x16xf32>,
      %swap3A_54 = vector.shape_cast %swap3A_53 : vector<1x16xf32> to vector<16xf32>
      %swap3A_55 = vector.shape_cast %broadcast_in_dim3A_1 : vector<16xf32> to vector<1x16xf32>
      tpu.vector_store %arg9[%swap3A_51, %swap3A_52], %swap3A_55 {strides = array<i32>} : memref<128x128xf32, #tpu.memory_space<vmem>>, vector<1x16xf32>,
      %swap3A_56 = arith.index_cast %scan3A_40 : i32 to index
      %swap3A_57 = arith.constant 48 : index
      %swap3A_58 = tpu.vector_load %arg9[%swap3A_56, %swap3A_57] {strides = array<i32>} : memref<128x128xf32, #tpu.memory_space<vmem>>, vector<1x16xf32>,
      %swap3A_59 = vector.shape_cast %swap3A_58 : vector<1x16xf32> to vector<16xf32>
      %swap3A_60 = vector.shape_cast %broadcast_in_dim3A_1 : vector<16xf32> to vector<1x16xf32>
      tpu.vector_store %arg9[%swap3A_56, %swap3A_57], %swap3A_60 {strides = array<i32>} : memref<128x128xf32, #tpu.memory_space<vmem>>, vector<1x16xf32>,
      %swap3A_61 = arith.index_cast %scan3A_40 : i32 to index
      %swap3A_62 = arith.constant 64 : index
      %swap3A_63 = tpu.vector_load %arg9[%swap3A_61, %swap3A_62] {strides = array<i32>} : memref<128x128xf32, #tpu.memory_space<vmem>>, vector<1x16xf32>,
      %swap3A_64 = vector.shape_cast %swap3A_63 : vector<1x16xf32> to vector<16xf32>
      %swap3A_65 = vector.shape_cast %broadcast_in_dim3A_1 : vector<16xf32> to vector<1x16xf32>
      tpu.vector_store %arg9[%swap3A_61, %swap3A_62], %swap3A_65 {strides = array<i32>} : memref<128x128xf32, #tpu.memory_space<vmem>>, vector<1x16xf32>,
      %swap3A_66 = arith.index_cast %scan3A_40 : i32 to index
      %swap3A_67 = arith.constant 80 : index
      %swap3A_68 = tpu.vector_load %arg9[%swap3A_66, %swap3A_67] {strides = array<i32>} : memref<128x128xf32, #tpu.memory_space<vmem>>, vector<1x16xf32>,
      %swap3A_69 = vector.shape_cast %swap3A_68 : vector<1x16xf32> to vector<16xf32>
      %swap3A_70 = vector.shape_cast %broadcast_in_dim3A_1 : vector<16xf32> to vector<1x16xf32>
      tpu.vector_store %arg9[%swap3A_66, %swap3A_67], %swap3A_70 {strides = array<i32>} : memref<128x128xf32, #tpu.memory_space<vmem>>, vector<1x16xf32>,
      %swap3A_71 = arith.index_cast %scan3A_40 : i32 to index
      %swap3A_72 = arith.constant 96 : index
      %swap3A_73 = tpu.vector_load %arg9[%swap3A_71, %swap3A_72] {strides = array<i32>} : memref<128x128xf32, #tpu.memory_space<vmem>>, vector<1x16xf32>,
      %swap3A_74 = vector.shape_cast %swap3A_73 : vector<1x16xf32> to vector<16xf32>
      %swap3A_75 = vector.shape_cast %broadcast_in_dim3A_1 : vector<16xf32> to vector<1x16xf32>
      tpu.vector_store %arg9[%swap3A_71, %swap3A_72], %swap3A_75 {strides = array<i32>} : memref<128x128xf32, #tpu.memory_space<vmem>>, vector<1x16xf32>,
      %swap3A_76 = arith.index_cast %scan3A_40 : i32 to index
      %swap3A_77 = arith.constant 112 : index
      %swap3A_78 = tpu.vector_load %arg9[%swap3A_76, %swap3A_77] {strides = array<i32>} : memref<128x128xf32, #tpu.memory_space<vmem>>, vector<1x16xf32>,
      %swap3A_79 = vector.shape_cast %swap3A_78 : vector<1x16xf32> to vector<16xf32>
      %swap3A_80 = vector.shape_cast %broadcast_in_dim3A_1 : vector<16xf32> to vector<1x16xf32>
      tpu.vector_store %arg9[%swap3A_76, %swap3A_77], %swap3A_80 {strides = array<i32>} : memref<128x128xf32, #tpu.memory_space<vmem>>, vector<1x16xf32>,
      %scan3A_81 = arith.constant 0 : i32
      scf.yield %scan3A_81 : i32
    }
    %scan3A_7 = arith.constant 128 : i32
    %mul3A_8 = arith.constant 640 : i32
    %mul3A_9 = arith.muli %arg1, %mul3A_8 : i32
    %scan3A_10 = arith.constant 0 : i32
    %scan3A_11 = arith.constant 0 : i32
    %scan3A_12 = arith.constant 5 : i32
    %scan3A_13 = arith.addi %scan3A_11, %scan3A_12 : i32
    %scan3A_14 = arith.constant 1 : i32
    %scan3A_15 = scf.for %scan3A_40 = %scan3A_11 to %scan3A_13 step %scan3A_14 iter_args(%scan3A_41 = %scan3A_10) -> (i32)  : i32 {
      %mul3A_42 = arith.constant 128 : i32
      %mul3A_43 = arith.muli %scan3A_40, %mul3A_42 : i32
      %add3A_44 = arith.addi %mul3A_9, %mul3A_43 : i32
      "tpu.region"() ({
        %run_scoped3A = tpu.sem_alloc : memref<!tpu.dma_semaphore, #tpu.memory_space<semaphore_mem>>
        %dma_start3A = arith.constant 0 : i32
        %dma_start3A_46 = tpu.memref_slice %arg6[%add3A_44, %dma_start3A] : memref<10240x128xf32, #tpu.memory_space<vmem_shared>> -> memref<128x128xf32, #tpu.memory_space<vmem_shared>>
        %dma_start3A_47 = arith.constant 0 : i32
        %dma_start3A_48 = tpu.memref_slice %arg6[%add3A_44, %dma_start3A_47] : memref<10240x128xf32, #tpu.memory_space<vmem_shared>> -> memref<128x128xf32, #tpu.memory_space<vmem_shared>>
        tpu.enqueue_dma source(%arg9 : memref<128x128xf32, #tpu.memory_space<vmem>>) target(%dma_start3A_48 : memref<128x128xf32, #tpu.memory_space<vmem_shared>>) target_semaphore(%run_scoped3A : memref<!tpu.dma_semaphore, #tpu.memory_space<semaphore_mem>>)
        %dma_wait3A = arith.constant 0 : i32
        %dma_wait3A_49 = tpu.memref_slice %arg6[%add3A_44, %dma_wait3A] : memref<10240x128xf32, #tpu.memory_space<vmem_shared>> -> memref<128x128xf32, #tpu.memory_space<vmem_shared>>
        %dma_wait3A_50 = arith.constant 0 : i32
        %dma_wait3A_51 = tpu.memref_slice %arg6[%add3A_44, %dma_wait3A_50] : memref<10240x128xf32, #tpu.memory_space<vmem_shared>> -> memref<128x128xf32, #tpu.memory_space<vmem_shared>>
        tpu.wait_dma2 semaphore(%run_scoped3A : memref<!tpu.dma_semaphore, #tpu.memory_space<semaphore_mem>>) src(%arg9 : memref<128x128xf32, #tpu.memory_space<vmem>>) dst(%dma_wait3A_51 : memref<128x128xf32, #tpu.memory_space<vmem_shared>>)
        tpu.yield
      }) : () -> ()
      %scan3A_45 = arith.constant 0 : i32
      scf.yield %scan3A_45 : i32
    }
    %scan3A_16 = arith.constant 5 : i32
    %barrier3A = arith.constant 0 : index
    tpu.barrier barrier_id(%barrier3A)
    %lt3A = arith.constant 4 : i32
    %lt3A_17 = arith.cmpi slt, %add3A, %lt3A : i32
    %jit3A = arith.constant 1 : i32
    %jit3A_18 = arith.constant 0 : i32
    %select_n3A = arith.select %lt3A_17, %jit3A, %jit3A_18 : i32
    %add3A_19 = arith.constant 78 : i32
    %add3A_20 = arith.addi %add3A_19, %select_n3A : i32
    %while3A = arith.constant 0 : i32
    %while3A_21 = arith.constant 0 : i32
    %while3A_22 = arith.subi %add3A_20, %while3A : i32
    %while3A_23 = arith.addi %while3A, %while3A_22 : i32
    %while3A_24 = arith.constant 1 : i32
    %while3A_25 = arith.divsi %while3A_22, %while3A_24 : i32
    %while3A_26 = arith.muli %while3A_25, %while3A_24 : i32
    %while3A_27 = arith.addi %while3A, %while3A_26 : i32
    %while3A_28 = arith.constant 1 : i32
    %while3A_29 = scf.for %while3A_40 = %while3A to %while3A_27 step %while3A_28 iter_args(%while3A_41 = %while3A_21) -> (i32)  : i32 {
      %mul3A_42 = arith.constant 32 : i32
      %mul3A_43 = arith.muli %while3A_40, %mul3A_42 : i32
      %add3A_44 = arith.addi %add3A, %mul3A_43 : i32
      %mul3A_45 = arith.constant 128 : i32
      %mul3A_46 = arith.muli %add3A_44, %mul3A_45 : i32
      "tpu.region"() ({
        %run_scoped3A = tpu.sem_alloc : memref<!tpu.dma_semaphore, #tpu.memory_space<semaphore_mem>>
        %dma_start3A_52 = tpu.memref_slice %arg3[%mul3A_46] : memref<320000xi32, #tpu.memory_space<hbm>> -> memref<128xi32, #tpu.memory_space<hbm>>
        %dma_start3A_53 = tpu.memref_slice %arg3[%mul3A_46] : memref<320000xi32, #tpu.memory_space<hbm>> -> memref<128xi32, #tpu.memory_space<hbm>>
        tpu.enqueue_dma source(%dma_start3A_53 : memref<128xi32, #tpu.memory_space<hbm>>) target(%arg7 : memref<128xi32, #tpu.memory_space<vmem>>) target_semaphore(%run_scoped3A : memref<!tpu.dma_semaphore, #tpu.memory_space<semaphore_mem>>)
        %dma_wait3A_54 = tpu.memref_slice %arg3[%mul3A_46] : memref<320000xi32, #tpu.memory_space<hbm>> -> memref<128xi32, #tpu.memory_space<hbm>>
        %dma_wait3A_55 = tpu.memref_slice %arg3[%mul3A_46] : memref<320000xi32, #tpu.memory_space<hbm>> -> memref<128xi32, #tpu.memory_space<hbm>>
        tpu.wait_dma2 semaphore(%run_scoped3A : memref<!tpu.dma_semaphore, #tpu.memory_space<semaphore_mem>>) src(%dma_wait3A_55 : memref<128xi32, #tpu.memory_space<hbm>>) dst(%arg7 : memref<128xi32, #tpu.memory_space<vmem>>)
        tpu.yield
      }) : () -> ()
      "tpu.region"() ({
        %run_scoped3A = tpu.sem_alloc : memref<!tpu.dma_semaphore, #tpu.memory_space<semaphore_mem>>
        %dma_start3A_52 = tpu.memref_slice %arg4[%mul3A_46] : memref<320000xi32, #tpu.memory_space<hbm>> -> memref<128xi32, #tpu.memory_space<hbm>>
        %dma_start3A_53 = tpu.memref_slice %arg4[%mul3A_46] : memref<320000xi32, #tpu.memory_space<hbm>> -> memref<128xi32, #tpu.memory_space<hbm>>
        tpu.enqueue_dma source(%dma_start3A_53 : memref<128xi32, #tpu.memory_space<hbm>>) target(%arg8 : memref<128xi32, #tpu.memory_space<vmem>>) target_semaphore(%run_scoped3A : memref<!tpu.dma_semaphore, #tpu.memory_space<semaphore_mem>>)
        %dma_wait3A_54 = tpu.memref_slice %arg4[%mul3A_46] : memref<320000xi32, #tpu.memory_space<hbm>> -> memref<128xi32, #tpu.memory_space<hbm>>
        %dma_wait3A_55 = tpu.memref_slice %arg4[%mul3A_46] : memref<320000xi32, #tpu.memory_space<hbm>> -> memref<128xi32, #tpu.memory_space<hbm>>
        tpu.wait_dma2 semaphore(%run_scoped3A : memref<!tpu.dma_semaphore, #tpu.memory_space<semaphore_mem>>) src(%dma_wait3A_55 : memref<128xi32, #tpu.memory_space<hbm>>) dst(%arg8 : memref<128xi32, #tpu.memory_space<vmem>>)
        tpu.yield
      }) : () -> ()
      %dma_start3A = arith.constant 0 : i32
      %dma_start3A_47 = arith.constant 0 : i32
      %dma_start3A_48 = tpu.memref_slice %arg2[%dma_start3A, %dma_start3A_47] : memref<10000x128xf32, #tpu.memory_space<hbm>> -> memref<10000x128xf32, #tpu.memory_space<hbm>>
      tpu.enqueue_indirect_dma source(%dma_start3A_48 : memref<10000x128xf32, #tpu.memory_space<hbm>>) target(%arg9 : memref<128x128xf32, #tpu.memory_space<vmem>>) offsets(%arg7 : memref<128xi32, #tpu.memory_space<vmem>>) semaphore(%arg10 : memref<!tpu.dma_semaphore, #tpu.memory_space<semaphore_mem>>)
      %dma_wait3A = arith.constant 0 : i32
      %dma_wait3A_49 = arith.constant 0 : i32
      %dma_wait3A_50 = tpu.memref_slice %arg2[%dma_wait3A, %dma_wait3A_49] : memref<10000x128xf32, #tpu.memory_space<hbm>> -> memref<10000x128xf32, #tpu.memory_space<hbm>>
      tpu.wait_indirect_dma semaphore(%arg10 : memref<!tpu.dma_semaphore, #tpu.memory_space<semaphore_mem>>) src(%dma_wait3A_50 : memref<10000x128xf32, #tpu.memory_space<hbm>>) dst(%arg9 : memref<128x128xf32, #tpu.memory_space<vmem>>)
      "tpu.region"() ({
        %run_scoped3A = tpu.sem_alloc : memref<!tpu.dma_semaphore, #tpu.memory_space<semaphore_mem>>
        %dma_start3A_52 = arith.constant 0 : i32
        %dma_start3A_53 = arith.constant 0 : i32
        %dma_start3A_54 = tpu.memref_slice %arg6[%dma_start3A_52, %dma_start3A_53] : memref<10240x128xf32, #tpu.memory_space<vmem_shared>> -> memref<10240x128xf32, #tpu.memory_space<vmem_shared>>
        tpu.enqueue_indirect_dma source(%arg9 : memref<128x128xf32, #tpu.memory_space<vmem>>) target(%dma_start3A_54 : memref<10240x128xf32, #tpu.memory_space<vmem_shared>>) offsets(%arg8 : memref<128xi32, #tpu.memory_space<vmem>>) semaphore(%run_scoped3A : memref<!tpu.dma_semaphore, #tpu.memory_space<semaphore_mem>>) {add = true}
        %dma_wait3A_55 = arith.constant 0 : i32
        %dma_wait3A_56 = arith.constant 0 : i32
        %dma_wait3A_57 = tpu.memref_slice %arg6[%dma_wait3A_55, %dma_wait3A_56] : memref<10240x128xf32, #tpu.memory_space<vmem_shared>> -> memref<10240x128xf32, #tpu.memory_space<vmem_shared>>
        tpu.wait_indirect_dma semaphore(%run_scoped3A : memref<!tpu.dma_semaphore, #tpu.memory_space<semaphore_mem>>) src(%arg9 : memref<128x128xf32, #tpu.memory_space<vmem>>) dst(%dma_wait3A_57 : memref<10240x128xf32, #tpu.memory_space<vmem_shared>>)
        tpu.yield
      }) : () -> ()
      %while3A_51 = arith.constant 0 : i32
      scf.yield %while3A_51 : i32
    }
    %while3A_30 = arith.constant 1 : i32
    %while3A_31 = scf.for %while3A_40 = %while3A_27 to %while3A_23 step %while3A_30 iter_args(%while3A_41 = %while3A_29) -> (i32)  : i32 {
      %mul3A_42 = arith.constant 32 : i32
      %mul3A_43 = arith.muli %while3A_40, %mul3A_42 : i32
      %add3A_44 = arith.addi %add3A, %mul3A_43 : i32
      %mul3A_45 = arith.constant 128 : i32
      %mul3A_46 = arith.muli %add3A_44, %mul3A_45 : i32
      "tpu.region"() ({
        %run_scoped3A = tpu.sem_alloc : memref<!tpu.dma_semaphore, #tpu.memory_space<semaphore_mem>>
        %dma_start3A_52 = tpu.memref_slice %arg3[%mul3A_46] : memref<320000xi32, #tpu.memory_space<hbm>> -> memref<128xi32, #tpu.memory_space<hbm>>
        %dma_start3A_53 = tpu.memref_slice %arg3[%mul3A_46] : memref<320000xi32, #tpu.memory_space<hbm>> -> memref<128xi32, #tpu.memory_space<hbm>>
        tpu.enqueue_dma source(%dma_start3A_53 : memref<128xi32, #tpu.memory_space<hbm>>) target(%arg7 : memref<128xi32, #tpu.memory_space<vmem>>) target_semaphore(%run_scoped3A : memref<!tpu.dma_semaphore, #tpu.memory_space<semaphore_mem>>)
        %dma_wait3A_54 = tpu.memref_slice %arg3[%mul3A_46] : memref<320000xi32, #tpu.memory_space<hbm>> -> memref<128xi32, #tpu.memory_space<hbm>>
        %dma_wait3A_55 = tpu.memref_slice %arg3[%mul3A_46] : memref<320000xi32, #tpu.memory_space<hbm>> -> memref<128xi32, #tpu.memory_space<hbm>>
        tpu.wait_dma2 semaphore(%run_scoped3A : memref<!tpu.dma_semaphore, #tpu.memory_space<semaphore_mem>>) src(%dma_wait3A_55 : memref<128xi32, #tpu.memory_space<hbm>>) dst(%arg7 : memref<128xi32, #tpu.memory_space<vmem>>)
        tpu.yield
      }) : () -> ()
      "tpu.region"() ({
        %run_scoped3A = tpu.sem_alloc : memref<!tpu.dma_semaphore, #tpu.memory_space<semaphore_mem>>
        %dma_start3A_52 = tpu.memref_slice %arg4[%mul3A_46] : memref<320000xi32, #tpu.memory_space<hbm>> -> memref<128xi32, #tpu.memory_space<hbm>>
        %dma_start3A_53 = tpu.memref_slice %arg4[%mul3A_46] : memref<320000xi32, #tpu.memory_space<hbm>> -> memref<128xi32, #tpu.memory_space<hbm>>
        tpu.enqueue_dma source(%dma_start3A_53 : memref<128xi32, #tpu.memory_space<hbm>>) target(%arg8 : memref<128xi32, #tpu.memory_space<vmem>>) target_semaphore(%run_scoped3A : memref<!tpu.dma_semaphore, #tpu.memory_space<semaphore_mem>>)
        %dma_wait3A_54 = tpu.memref_slice %arg4[%mul3A_46] : memref<320000xi32, #tpu.memory_space<hbm>> -> memref<128xi32, #tpu.memory_space<hbm>>
        %dma_wait3A_55 = tpu.memref_slice %arg4[%mul3A_46] : memref<320000xi32, #tpu.memory_space<hbm>> -> memref<128xi32, #tpu.memory_space<hbm>>
        tpu.wait_dma2 semaphore(%run_scoped3A : memref<!tpu.dma_semaphore, #tpu.memory_space<semaphore_mem>>) src(%dma_wait3A_55 : memref<128xi32, #tpu.memory_space<hbm>>) dst(%arg8 : memref<128xi32, #tpu.memory_space<vmem>>)
        tpu.yield
      }) : () -> ()
      %dma_start3A = arith.constant 0 : i32
      %dma_start3A_47 = arith.constant 0 : i32
      %dma_start3A_48 = tpu.memref_slice %arg2[%dma_start3A, %dma_start3A_47] : memref<10000x128xf32, #tpu.memory_space<hbm>> -> memref<10000x128xf32, #tpu.memory_space<hbm>>
      tpu.enqueue_indirect_dma source(%dma_start3A_48 : memref<10000x128xf32, #tpu.memory_space<hbm>>) target(%arg9 : memref<128x128xf32, #tpu.memory_space<vmem>>) offsets(%arg7 : memref<128xi32, #tpu.memory_space<vmem>>) semaphore(%arg10 : memref<!tpu.dma_semaphore, #tpu.memory_space<semaphore_mem>>)
      %dma_wait3A = arith.constant 0 : i32
      %dma_wait3A_49 = arith.constant 0 : i32
      %dma_wait3A_50 = tpu.memref_slice %arg2[%dma_wait3A, %dma_wait3A_49] : memref<10000x128xf32, #tpu.memory_space<hbm>> -> memref<10000x128xf32, #tpu.memory_space<hbm>>
      tpu.wait_indirect_dma semaphore(%arg10 : memref<!tpu.dma_semaphore, #tpu.memory_space<semaphore_mem>>) src(%dma_wait3A_50 : memref<10000x128xf32, #tpu.memory_space<hbm>>) dst(%arg9 : memref<128x128xf32, #tpu.memory_space<vmem>>)
      "tpu.region"() ({
        %run_scoped3A = tpu.sem_alloc : memref<!tpu.dma_semaphore, #tpu.memory_space<semaphore_mem>>
        %dma_start3A_52 = arith.constant 0 : i32
        %dma_start3A_53 = arith.constant 0 : i32
        %dma_start3A_54 = tpu.memref_slice %arg6[%dma_start3A_52, %dma_start3A_53] : memref<10240x128xf32, #tpu.memory_space<vmem_shared>> -> memref<10240x128xf32, #tpu.memory_space<vmem_shared>>
        tpu.enqueue_indirect_dma source(%arg9 : memref<128x128xf32, #tpu.memory_space<vmem>>) target(%dma_start3A_54 : memref<10240x128xf32, #tpu.memory_space<vmem_shared>>) offsets(%arg8 : memref<128xi32, #tpu.memory_space<vmem>>) semaphore(%run_scoped3A : memref<!tpu.dma_semaphore, #tpu.memory_space<semaphore_mem>>) {add = true}
        %dma_wait3A_55 = arith.constant 0 : i32
        %dma_wait3A_56 = arith.constant 0 : i32
        %dma_wait3A_57 = tpu.memref_slice %arg6[%dma_wait3A_55, %dma_wait3A_56] : memref<10240x128xf32, #tpu.memory_space<vmem_shared>> -> memref<10240x128xf32, #tpu.memory_space<vmem_shared>>
        tpu.wait_indirect_dma semaphore(%run_scoped3A : memref<!tpu.dma_semaphore, #tpu.memory_space<semaphore_mem>>) src(%arg9 : memref<128x128xf32, #tpu.memory_space<vmem>>) dst(%dma_wait3A_57 : memref<10240x128xf32, #tpu.memory_space<vmem_shared>>)
        tpu.yield
      }) : () -> ()
      %while3A_51 = arith.constant 0 : i32
      scf.yield %while3A_51 : i32
    }
    %barrier3A_32 = arith.constant 0 : index
    tpu.barrier barrier_id(%barrier3A_32)
    %scan3A_33 = arith.constant 0 : i32
    %scan3A_34 = arith.constant 0 : i32
    %scan3A_35 = arith.constant 5 : i32
    %scan3A_36 = arith.addi %scan3A_34, %scan3A_35 : i32
    %scan3A_37 = arith.constant 1 : i32
    %scan3A_38 = scf.for %scan3A_40 = %scan3A_34 to %scan3A_36 step %scan3A_37 iter_args(%scan3A_41 = %scan3A_33) -> (i32)  : i32 {
      %mul3A_42 = arith.constant 128 : i32
      %mul3A_43 = arith.muli %scan3A_40, %mul3A_42 : i32
      %add3A_44 = arith.addi %mul3A_9, %mul3A_43 : i32
      "tpu.region"() ({
        %run_scoped3A = tpu.sem_alloc : memref<!tpu.dma_semaphore, #tpu.memory_space<semaphore_mem>>
        %dma_start3A = arith.constant 0 : i32
        %dma_start3A_46 = tpu.memref_slice %arg5[%arg0, %add3A_44, %dma_start3A] : memref<2x10240x128xf32, #tpu.memory_space<hbm>> -> memref<1x128x128xf32, #tpu.memory_space<hbm>>
        %dma_start3A_47 = tpu.memref_squeeze %dma_start3A_46 : memref<1x128x128xf32, #tpu.memory_space<hbm>> -> memref<128x128xf32, #tpu.memory_space<hbm>>
        %dma_start3A_48 = arith.constant 0 : i32
        %dma_start3A_49 = tpu.memref_slice %arg6[%add3A_44, %dma_start3A_48] : memref<10240x128xf32, #tpu.memory_space<vmem_shared>> -> memref<128x128xf32, #tpu.memory_space<vmem_shared>>
        tpu.enqueue_dma source(%dma_start3A_49 : memref<128x128xf32, #tpu.memory_space<vmem_shared>>) target(%dma_start3A_47 : memref<128x128xf32, #tpu.memory_space<hbm>>) target_semaphore(%run_scoped3A : memref<!tpu.dma_semaphore, #tpu.memory_space<semaphore_mem>>)
        %dma_wait3A = arith.constant 0 : i32
        %dma_wait3A_50 = tpu.memref_slice %arg5[%arg0, %add3A_44, %dma_wait3A] : memref<2x10240x128xf32, #tpu.memory_space<hbm>> -> memref<1x128x128xf32, #tpu.memory_space<hbm>>
        %dma_wait3A_51 = tpu.memref_squeeze %dma_wait3A_50 : memref<1x128x128xf32, #tpu.memory_space<hbm>> -> memref<128x128xf32, #tpu.memory_space<hbm>>
        %dma_wait3A_52 = arith.constant 0 : i32
        %dma_wait3A_53 = tpu.memref_slice %arg6[%add3A_44, %dma_wait3A_52] : memref<10240x128xf32, #tpu.memory_space<vmem_shared>> -> memref<128x128xf32, #tpu.memory_space<vmem_shared>>
        tpu.wait_dma2 semaphore(%run_scoped3A : memref<!tpu.dma_semaphore, #tpu.memory_space<semaphore_mem>>) src(%dma_wait3A_53 : memref<128x128xf32, #tpu.memory_space<vmem_shared>>) dst(%dma_wait3A_51 : memref<128x128xf32, #tpu.memory_space<hbm>>)
        tpu.yield
      }) : () -> ()
      %scan3A_45 = arith.constant 0 : i32
      scf.yield %scan3A_45 : i32
    }
    %scan3A_39 = arith.constant 5 : i32
    return
  }
}

#map = affine_map<(d0, d1) -> (0)>
#map1 = affine_map<(d0, d1) -> (0, 0)>
#map2 = affine_map<(d0, d1) -> (0, 0, 0)>
module attributes {stable_mosaic.version = 14 : i64} {
  func.func @_sc_misc_body(%arg0: i32, %arg1: i32, %arg2: memref<320000xi32, #tpu.memory_space<hbm>>, %arg3: memref<320000x128xf32, #tpu.memory_space<hbm>>, %arg4: memref<2x10240x128xf32, #tpu.memory_space<hbm>>, %arg5: memref<10240x128xf32, #tpu.memory_space<vmem_shared>>, %arg6: memref<128xi32, #tpu.memory_space<vmem>>, %arg7: memref<128x128xf32, #tpu.memory_space<vmem>>, %arg8: memref<!tpu.dma_semaphore, #tpu.memory_space<semaphore_mem>>) attributes {dimension_semantics = [#tpu.dimension_semantics<core_parallel>, #tpu.dimension_semantics<subcore_parallel>], iteration_bounds = array<i64: 2, 16>, scalar_prefetch = 0 : i64, scratch_operands = 4 : i64, tpu.core_type = #tpu.core_type<sc_vector_subcore>, window_params = [{transform_indices = #map}, {transform_indices = #map1}, {transform_indices = #map2}]} {
    %mul3A = arith.constant 2 : i32
    %mul3A_0 = arith.muli %arg1, %mul3A : i32
    %add3A = arith.addi %mul3A_0, %arg0 : i32
    %broadcast_in_dim3A = arith.constant 0.000000e+00 : f32
    %broadcast_in_dim3A_1 = vector.broadcast %broadcast_in_dim3A : f32 to vector<16xf32>
    %scan3A = arith.constant 0 : i32
    %scan3A_2 = arith.constant 0 : i32
    %scan3A_3 = arith.constant 128 : i32
    %scan3A_4 = arith.addi %scan3A_2, %scan3A_3 : i32
    %scan3A_5 = arith.constant 1 : i32
    %scan3A_6 = scf.for %scan3A_40 = %scan3A_2 to %scan3A_4 step %scan3A_5 iter_args(%scan3A_41 = %scan3A) -> (i32)  : i32 {
      %swap3A = arith.index_cast %scan3A_40 : i32 to index
      %swap3A_42 = arith.constant 0 : index
      %swap3A_43 = tpu.vector_load %arg7[%swap3A, %swap3A_42] {strides = array<i32>} : memref<128x128xf32, #tpu.memory_space<vmem>>, vector<1x16xf32>,
      %swap3A_44 = vector.shape_cast %swap3A_43 : vector<1x16xf32> to vector<16xf32>
      %swap3A_45 = vector.shape_cast %broadcast_in_dim3A_1 : vector<16xf32> to vector<1x16xf32>
      tpu.vector_store %arg7[%swap3A, %swap3A_42], %swap3A_45 {strides = array<i32>} : memref<128x128xf32, #tpu.memory_space<vmem>>, vector<1x16xf32>,
      %swap3A_46 = arith.index_cast %scan3A_40 : i32 to index
      %swap3A_47 = arith.constant 16 : index
      %swap3A_48 = tpu.vector_load %arg7[%swap3A_46, %swap3A_47] {strides = array<i32>} : memref<128x128xf32, #tpu.memory_space<vmem>>, vector<1x16xf32>,
      %swap3A_49 = vector.shape_cast %swap3A_48 : vector<1x16xf32> to vector<16xf32>
      %swap3A_50 = vector.shape_cast %broadcast_in_dim3A_1 : vector<16xf32> to vector<1x16xf32>
      tpu.vector_store %arg7[%swap3A_46, %swap3A_47], %swap3A_50 {strides = array<i32>} : memref<128x128xf32, #tpu.memory_space<vmem>>, vector<1x16xf32>,
      %swap3A_51 = arith.index_cast %scan3A_40 : i32 to index
      %swap3A_52 = arith.constant 32 : index
      %swap3A_53 = tpu.vector_load %arg7[%swap3A_51, %swap3A_52] {strides = array<i32>} : memref<128x128xf32, #tpu.memory_space<vmem>>, vector<1x16xf32>,
      %swap3A_54 = vector.shape_cast %swap3A_53 : vector<1x16xf32> to vector<16xf32>
      %swap3A_55 = vector.shape_cast %broadcast_in_dim3A_1 : vector<16xf32> to vector<1x16xf32>
      tpu.vector_store %arg7[%swap3A_51, %swap3A_52], %swap3A_55 {strides = array<i32>} : memref<128x128xf32, #tpu.memory_space<vmem>>, vector<1x16xf32>,
      %swap3A_56 = arith.index_cast %scan3A_40 : i32 to index
      %swap3A_57 = arith.constant 48 : index
      %swap3A_58 = tpu.vector_load %arg7[%swap3A_56, %swap3A_57] {strides = array<i32>} : memref<128x128xf32, #tpu.memory_space<vmem>>, vector<1x16xf32>,
      %swap3A_59 = vector.shape_cast %swap3A_58 : vector<1x16xf32> to vector<16xf32>
      %swap3A_60 = vector.shape_cast %broadcast_in_dim3A_1 : vector<16xf32> to vector<1x16xf32>
      tpu.vector_store %arg7[%swap3A_56, %swap3A_57], %swap3A_60 {strides = array<i32>} : memref<128x128xf32, #tpu.memory_space<vmem>>, vector<1x16xf32>,
      %swap3A_61 = arith.index_cast %scan3A_40 : i32 to index
      %swap3A_62 = arith.constant 64 : index
      %swap3A_63 = tpu.vector_load %arg7[%swap3A_61, %swap3A_62] {strides = array<i32>} : memref<128x128xf32, #tpu.memory_space<vmem>>, vector<1x16xf32>,
      %swap3A_64 = vector.shape_cast %swap3A_63 : vector<1x16xf32> to vector<16xf32>
      %swap3A_65 = vector.shape_cast %broadcast_in_dim3A_1 : vector<16xf32> to vector<1x16xf32>
      tpu.vector_store %arg7[%swap3A_61, %swap3A_62], %swap3A_65 {strides = array<i32>} : memref<128x128xf32, #tpu.memory_space<vmem>>, vector<1x16xf32>,
      %swap3A_66 = arith.index_cast %scan3A_40 : i32 to index
      %swap3A_67 = arith.constant 80 : index
      %swap3A_68 = tpu.vector_load %arg7[%swap3A_66, %swap3A_67] {strides = array<i32>} : memref<128x128xf32, #tpu.memory_space<vmem>>, vector<1x16xf32>,
      %swap3A_69 = vector.shape_cast %swap3A_68 : vector<1x16xf32> to vector<16xf32>
      %swap3A_70 = vector.shape_cast %broadcast_in_dim3A_1 : vector<16xf32> to vector<1x16xf32>
      tpu.vector_store %arg7[%swap3A_66, %swap3A_67], %swap3A_70 {strides = array<i32>} : memref<128x128xf32, #tpu.memory_space<vmem>>, vector<1x16xf32>,
      %swap3A_71 = arith.index_cast %scan3A_40 : i32 to index
      %swap3A_72 = arith.constant 96 : index
      %swap3A_73 = tpu.vector_load %arg7[%swap3A_71, %swap3A_72] {strides = array<i32>} : memref<128x128xf32, #tpu.memory_space<vmem>>, vector<1x16xf32>,
      %swap3A_74 = vector.shape_cast %swap3A_73 : vector<1x16xf32> to vector<16xf32>
      %swap3A_75 = vector.shape_cast %broadcast_in_dim3A_1 : vector<16xf32> to vector<1x16xf32>
      tpu.vector_store %arg7[%swap3A_71, %swap3A_72], %swap3A_75 {strides = array<i32>} : memref<128x128xf32, #tpu.memory_space<vmem>>, vector<1x16xf32>,
      %swap3A_76 = arith.index_cast %scan3A_40 : i32 to index
      %swap3A_77 = arith.constant 112 : index
      %swap3A_78 = tpu.vector_load %arg7[%swap3A_76, %swap3A_77] {strides = array<i32>} : memref<128x128xf32, #tpu.memory_space<vmem>>, vector<1x16xf32>,
      %swap3A_79 = vector.shape_cast %swap3A_78 : vector<1x16xf32> to vector<16xf32>
      %swap3A_80 = vector.shape_cast %broadcast_in_dim3A_1 : vector<16xf32> to vector<1x16xf32>
      tpu.vector_store %arg7[%swap3A_76, %swap3A_77], %swap3A_80 {strides = array<i32>} : memref<128x128xf32, #tpu.memory_space<vmem>>, vector<1x16xf32>,
      %scan3A_81 = arith.constant 0 : i32
      scf.yield %scan3A_81 : i32
    }
    %scan3A_7 = arith.constant 128 : i32
    %mul3A_8 = arith.constant 640 : i32
    %mul3A_9 = arith.muli %arg1, %mul3A_8 : i32
    %scan3A_10 = arith.constant 0 : i32
    %scan3A_11 = arith.constant 0 : i32
    %scan3A_12 = arith.constant 5 : i32
    %scan3A_13 = arith.addi %scan3A_11, %scan3A_12 : i32
    %scan3A_14 = arith.constant 1 : i32
    %scan3A_15 = scf.for %scan3A_40 = %scan3A_11 to %scan3A_13 step %scan3A_14 iter_args(%scan3A_41 = %scan3A_10) -> (i32)  : i32 {
      %mul3A_42 = arith.constant 128 : i32
      %mul3A_43 = arith.muli %scan3A_40, %mul3A_42 : i32
      %add3A_44 = arith.addi %mul3A_9, %mul3A_43 : i32
      "tpu.region"() ({
        %run_scoped3A = tpu.sem_alloc : memref<!tpu.dma_semaphore, #tpu.memory_space<semaphore_mem>>
        %dma_start3A = arith.constant 0 : i32
        %dma_start3A_46 = tpu.memref_slice %arg5[%add3A_44, %dma_start3A] : memref<10240x128xf32, #tpu.memory_space<vmem_shared>> -> memref<128x128xf32, #tpu.memory_space<vmem_shared>>
        %dma_start3A_47 = arith.constant 0 : i32
        %dma_start3A_48 = tpu.memref_slice %arg5[%add3A_44, %dma_start3A_47] : memref<10240x128xf32, #tpu.memory_space<vmem_shared>> -> memref<128x128xf32, #tpu.memory_space<vmem_shared>>
        tpu.enqueue_dma source(%arg7 : memref<128x128xf32, #tpu.memory_space<vmem>>) target(%dma_start3A_48 : memref<128x128xf32, #tpu.memory_space<vmem_shared>>) target_semaphore(%run_scoped3A : memref<!tpu.dma_semaphore, #tpu.memory_space<semaphore_mem>>)
        %dma_wait3A = arith.constant 0 : i32
        %dma_wait3A_49 = tpu.memref_slice %arg5[%add3A_44, %dma_wait3A] : memref<10240x128xf32, #tpu.memory_space<vmem_shared>> -> memref<128x128xf32, #tpu.memory_space<vmem_shared>>
        %dma_wait3A_50 = arith.constant 0 : i32
        %dma_wait3A_51 = tpu.memref_slice %arg5[%add3A_44, %dma_wait3A_50] : memref<10240x128xf32, #tpu.memory_space<vmem_shared>> -> memref<128x128xf32, #tpu.memory_space<vmem_shared>>
        tpu.wait_dma2 semaphore(%run_scoped3A : memref<!tpu.dma_semaphore, #tpu.memory_space<semaphore_mem>>) src(%arg7 : memref<128x128xf32, #tpu.memory_space<vmem>>) dst(%dma_wait3A_51 : memref<128x128xf32, #tpu.memory_space<vmem_shared>>)
        tpu.yield
      }) : () -> ()
      %scan3A_45 = arith.constant 0 : i32
      scf.yield %scan3A_45 : i32
    }
    %scan3A_16 = arith.constant 5 : i32
    %barrier3A = arith.constant 0 : index
    tpu.barrier barrier_id(%barrier3A)
    %lt3A = arith.constant 4 : i32
    %lt3A_17 = arith.cmpi slt, %add3A, %lt3A : i32
    %jit3A = arith.constant 1 : i32
    %jit3A_18 = arith.constant 0 : i32
    %select_n3A = arith.select %lt3A_17, %jit3A, %jit3A_18 : i32
    %add3A_19 = arith.constant 78 : i32
    %add3A_20 = arith.addi %add3A_19, %select_n3A : i32
    %while3A = arith.constant 0 : i32
    %while3A_21 = arith.constant 0 : i32
    %while3A_22 = arith.subi %add3A_20, %while3A : i32
    %while3A_23 = arith.addi %while3A, %while3A_22 : i32
    %while3A_24 = arith.constant 1 : i32
    %while3A_25 = arith.divsi %while3A_22, %while3A_24 : i32
    %while3A_26 = arith.muli %while3A_25, %while3A_24 : i32
    %while3A_27 = arith.addi %while3A, %while3A_26 : i32
    %while3A_28 = arith.constant 1 : i32
    %while3A_29 = scf.for %while3A_40 = %while3A to %while3A_27 step %while3A_28 iter_args(%while3A_41 = %while3A_21) -> (i32)  : i32 {
      %mul3A_42 = arith.constant 32 : i32
      %mul3A_43 = arith.muli %while3A_40, %mul3A_42 : i32
      %add3A_44 = arith.addi %add3A, %mul3A_43 : i32
      %mul3A_45 = arith.constant 128 : i32
      %mul3A_46 = arith.muli %add3A_44, %mul3A_45 : i32
      "tpu.region"() ({
        %run_scoped3A = tpu.sem_alloc : memref<!tpu.dma_semaphore, #tpu.memory_space<semaphore_mem>>
        %dma_start3A = tpu.memref_slice %arg2[%mul3A_46] : memref<320000xi32, #tpu.memory_space<hbm>> -> memref<128xi32, #tpu.memory_space<hbm>>
        %dma_start3A_48 = tpu.memref_slice %arg2[%mul3A_46] : memref<320000xi32, #tpu.memory_space<hbm>> -> memref<128xi32, #tpu.memory_space<hbm>>
        tpu.enqueue_dma source(%dma_start3A_48 : memref<128xi32, #tpu.memory_space<hbm>>) target(%arg6 : memref<128xi32, #tpu.memory_space<vmem>>) target_semaphore(%run_scoped3A : memref<!tpu.dma_semaphore, #tpu.memory_space<semaphore_mem>>)
        %dma_wait3A = tpu.memref_slice %arg2[%mul3A_46] : memref<320000xi32, #tpu.memory_space<hbm>> -> memref<128xi32, #tpu.memory_space<hbm>>
        %dma_wait3A_49 = tpu.memref_slice %arg2[%mul3A_46] : memref<320000xi32, #tpu.memory_space<hbm>> -> memref<128xi32, #tpu.memory_space<hbm>>
        tpu.wait_dma2 semaphore(%run_scoped3A : memref<!tpu.dma_semaphore, #tpu.memory_space<semaphore_mem>>) src(%dma_wait3A_49 : memref<128xi32, #tpu.memory_space<hbm>>) dst(%arg6 : memref<128xi32, #tpu.memory_space<vmem>>)
        tpu.yield
      }) : () -> ()
      "tpu.region"() ({
        %run_scoped3A = tpu.sem_alloc : memref<!tpu.dma_semaphore, #tpu.memory_space<semaphore_mem>>
        %dma_start3A = arith.constant 0 : i32
        %dma_start3A_48 = tpu.memref_slice %arg3[%mul3A_46, %dma_start3A] : memref<320000x128xf32, #tpu.memory_space<hbm>> -> memref<128x128xf32, #tpu.memory_space<hbm>>
        %dma_start3A_49 = arith.constant 0 : i32
        %dma_start3A_50 = tpu.memref_slice %arg3[%mul3A_46, %dma_start3A_49] : memref<320000x128xf32, #tpu.memory_space<hbm>> -> memref<128x128xf32, #tpu.memory_space<hbm>>
        tpu.enqueue_dma source(%dma_start3A_50 : memref<128x128xf32, #tpu.memory_space<hbm>>) target(%arg7 : memref<128x128xf32, #tpu.memory_space<vmem>>) target_semaphore(%run_scoped3A : memref<!tpu.dma_semaphore, #tpu.memory_space<semaphore_mem>>)
        %dma_wait3A = arith.constant 0 : i32
        %dma_wait3A_51 = tpu.memref_slice %arg3[%mul3A_46, %dma_wait3A] : memref<320000x128xf32, #tpu.memory_space<hbm>> -> memref<128x128xf32, #tpu.memory_space<hbm>>
        %dma_wait3A_52 = arith.constant 0 : i32
        %dma_wait3A_53 = tpu.memref_slice %arg3[%mul3A_46, %dma_wait3A_52] : memref<320000x128xf32, #tpu.memory_space<hbm>> -> memref<128x128xf32, #tpu.memory_space<hbm>>
        tpu.wait_dma2 semaphore(%run_scoped3A : memref<!tpu.dma_semaphore, #tpu.memory_space<semaphore_mem>>) src(%dma_wait3A_53 : memref<128x128xf32, #tpu.memory_space<hbm>>) dst(%arg7 : memref<128x128xf32, #tpu.memory_space<vmem>>)
        tpu.yield
      }) : () -> ()
      "tpu.region"() ({
        %run_scoped3A = tpu.sem_alloc : memref<!tpu.dma_semaphore, #tpu.memory_space<semaphore_mem>>
        %dma_start3A = arith.constant 0 : i32
        %dma_start3A_48 = arith.constant 0 : i32
        %dma_start3A_49 = tpu.memref_slice %arg5[%dma_start3A, %dma_start3A_48] : memref<10240x128xf32, #tpu.memory_space<vmem_shared>> -> memref<10240x128xf32, #tpu.memory_space<vmem_shared>>
        tpu.enqueue_indirect_dma source(%arg7 : memref<128x128xf32, #tpu.memory_space<vmem>>) target(%dma_start3A_49 : memref<10240x128xf32, #tpu.memory_space<vmem_shared>>) offsets(%arg6 : memref<128xi32, #tpu.memory_space<vmem>>) semaphore(%run_scoped3A : memref<!tpu.dma_semaphore, #tpu.memory_space<semaphore_mem>>) {add = true}
        %dma_wait3A = arith.constant 0 : i32
        %dma_wait3A_50 = arith.constant 0 : i32
        %dma_wait3A_51 = tpu.memref_slice %arg5[%dma_wait3A, %dma_wait3A_50] : memref<10240x128xf32, #tpu.memory_space<vmem_shared>> -> memref<10240x128xf32, #tpu.memory_space<vmem_shared>>
        tpu.wait_indirect_dma semaphore(%run_scoped3A : memref<!tpu.dma_semaphore, #tpu.memory_space<semaphore_mem>>) src(%arg7 : memref<128x128xf32, #tpu.memory_space<vmem>>) dst(%dma_wait3A_51 : memref<10240x128xf32, #tpu.memory_space<vmem_shared>>)
        tpu.yield
      }) : () -> ()
      %while3A_47 = arith.constant 0 : i32
      scf.yield %while3A_47 : i32
    }
    %while3A_30 = arith.constant 1 : i32
    %while3A_31 = scf.for %while3A_40 = %while3A_27 to %while3A_23 step %while3A_30 iter_args(%while3A_41 = %while3A_29) -> (i32)  : i32 {
      %mul3A_42 = arith.constant 32 : i32
      %mul3A_43 = arith.muli %while3A_40, %mul3A_42 : i32
      %add3A_44 = arith.addi %add3A, %mul3A_43 : i32
      %mul3A_45 = arith.constant 128 : i32
      %mul3A_46 = arith.muli %add3A_44, %mul3A_45 : i32
      "tpu.region"() ({
        %run_scoped3A = tpu.sem_alloc : memref<!tpu.dma_semaphore, #tpu.memory_space<semaphore_mem>>
        %dma_start3A = tpu.memref_slice %arg2[%mul3A_46] : memref<320000xi32, #tpu.memory_space<hbm>> -> memref<128xi32, #tpu.memory_space<hbm>>
        %dma_start3A_48 = tpu.memref_slice %arg2[%mul3A_46] : memref<320000xi32, #tpu.memory_space<hbm>> -> memref<128xi32, #tpu.memory_space<hbm>>
        tpu.enqueue_dma source(%dma_start3A_48 : memref<128xi32, #tpu.memory_space<hbm>>) target(%arg6 : memref<128xi32, #tpu.memory_space<vmem>>) target_semaphore(%run_scoped3A : memref<!tpu.dma_semaphore, #tpu.memory_space<semaphore_mem>>)
        %dma_wait3A = tpu.memref_slice %arg2[%mul3A_46] : memref<320000xi32, #tpu.memory_space<hbm>> -> memref<128xi32, #tpu.memory_space<hbm>>
        %dma_wait3A_49 = tpu.memref_slice %arg2[%mul3A_46] : memref<320000xi32, #tpu.memory_space<hbm>> -> memref<128xi32, #tpu.memory_space<hbm>>
        tpu.wait_dma2 semaphore(%run_scoped3A : memref<!tpu.dma_semaphore, #tpu.memory_space<semaphore_mem>>) src(%dma_wait3A_49 : memref<128xi32, #tpu.memory_space<hbm>>) dst(%arg6 : memref<128xi32, #tpu.memory_space<vmem>>)
        tpu.yield
      }) : () -> ()
      "tpu.region"() ({
        %run_scoped3A = tpu.sem_alloc : memref<!tpu.dma_semaphore, #tpu.memory_space<semaphore_mem>>
        %dma_start3A = arith.constant 0 : i32
        %dma_start3A_48 = tpu.memref_slice %arg3[%mul3A_46, %dma_start3A] : memref<320000x128xf32, #tpu.memory_space<hbm>> -> memref<128x128xf32, #tpu.memory_space<hbm>>
        %dma_start3A_49 = arith.constant 0 : i32
        %dma_start3A_50 = tpu.memref_slice %arg3[%mul3A_46, %dma_start3A_49] : memref<320000x128xf32, #tpu.memory_space<hbm>> -> memref<128x128xf32, #tpu.memory_space<hbm>>
        tpu.enqueue_dma source(%dma_start3A_50 : memref<128x128xf32, #tpu.memory_space<hbm>>) target(%arg7 : memref<128x128xf32, #tpu.memory_space<vmem>>) target_semaphore(%run_scoped3A : memref<!tpu.dma_semaphore, #tpu.memory_space<semaphore_mem>>)
        %dma_wait3A = arith.constant 0 : i32
        %dma_wait3A_51 = tpu.memref_slice %arg3[%mul3A_46, %dma_wait3A] : memref<320000x128xf32, #tpu.memory_space<hbm>> -> memref<128x128xf32, #tpu.memory_space<hbm>>
        %dma_wait3A_52 = arith.constant 0 : i32
        %dma_wait3A_53 = tpu.memref_slice %arg3[%mul3A_46, %dma_wait3A_52] : memref<320000x128xf32, #tpu.memory_space<hbm>> -> memref<128x128xf32, #tpu.memory_space<hbm>>
        tpu.wait_dma2 semaphore(%run_scoped3A : memref<!tpu.dma_semaphore, #tpu.memory_space<semaphore_mem>>) src(%dma_wait3A_53 : memref<128x128xf32, #tpu.memory_space<hbm>>) dst(%arg7 : memref<128x128xf32, #tpu.memory_space<vmem>>)
        tpu.yield
      }) : () -> ()
      "tpu.region"() ({
        %run_scoped3A = tpu.sem_alloc : memref<!tpu.dma_semaphore, #tpu.memory_space<semaphore_mem>>
        %dma_start3A = arith.constant 0 : i32
        %dma_start3A_48 = arith.constant 0 : i32
        %dma_start3A_49 = tpu.memref_slice %arg5[%dma_start3A, %dma_start3A_48] : memref<10240x128xf32, #tpu.memory_space<vmem_shared>> -> memref<10240x128xf32, #tpu.memory_space<vmem_shared>>
        tpu.enqueue_indirect_dma source(%arg7 : memref<128x128xf32, #tpu.memory_space<vmem>>) target(%dma_start3A_49 : memref<10240x128xf32, #tpu.memory_space<vmem_shared>>) offsets(%arg6 : memref<128xi32, #tpu.memory_space<vmem>>) semaphore(%run_scoped3A : memref<!tpu.dma_semaphore, #tpu.memory_space<semaphore_mem>>) {add = true}
        %dma_wait3A = arith.constant 0 : i32
        %dma_wait3A_50 = arith.constant 0 : i32
        %dma_wait3A_51 = tpu.memref_slice %arg5[%dma_wait3A, %dma_wait3A_50] : memref<10240x128xf32, #tpu.memory_space<vmem_shared>> -> memref<10240x128xf32, #tpu.memory_space<vmem_shared>>
        tpu.wait_indirect_dma semaphore(%run_scoped3A : memref<!tpu.dma_semaphore, #tpu.memory_space<semaphore_mem>>) src(%arg7 : memref<128x128xf32, #tpu.memory_space<vmem>>) dst(%dma_wait3A_51 : memref<10240x128xf32, #tpu.memory_space<vmem_shared>>)
        tpu.yield
      }) : () -> ()
      %while3A_47 = arith.constant 0 : i32
      scf.yield %while3A_47 : i32
    }
    %barrier3A_32 = arith.constant 0 : index
    tpu.barrier barrier_id(%barrier3A_32)
    %scan3A_33 = arith.constant 0 : i32
    %scan3A_34 = arith.constant 0 : i32
    %scan3A_35 = arith.constant 5 : i32
    %scan3A_36 = arith.addi %scan3A_34, %scan3A_35 : i32
    %scan3A_37 = arith.constant 1 : i32
    %scan3A_38 = scf.for %scan3A_40 = %scan3A_34 to %scan3A_36 step %scan3A_37 iter_args(%scan3A_41 = %scan3A_33) -> (i32)  : i32 {
      %mul3A_42 = arith.constant 128 : i32
      %mul3A_43 = arith.muli %scan3A_40, %mul3A_42 : i32
      %add3A_44 = arith.addi %mul3A_9, %mul3A_43 : i32
      "tpu.region"() ({
        %run_scoped3A = tpu.sem_alloc : memref<!tpu.dma_semaphore, #tpu.memory_space<semaphore_mem>>
        %dma_start3A = arith.constant 0 : i32
        %dma_start3A_46 = tpu.memref_slice %arg4[%arg0, %add3A_44, %dma_start3A] : memref<2x10240x128xf32, #tpu.memory_space<hbm>> -> memref<1x128x128xf32, #tpu.memory_space<hbm>>
        %dma_start3A_47 = tpu.memref_squeeze %dma_start3A_46 : memref<1x128x128xf32, #tpu.memory_space<hbm>> -> memref<128x128xf32, #tpu.memory_space<hbm>>
        %dma_start3A_48 = arith.constant 0 : i32
        %dma_start3A_49 = tpu.memref_slice %arg5[%add3A_44, %dma_start3A_48] : memref<10240x128xf32, #tpu.memory_space<vmem_shared>> -> memref<128x128xf32, #tpu.memory_space<vmem_shared>>
        tpu.enqueue_dma source(%dma_start3A_49 : memref<128x128xf32, #tpu.memory_space<vmem_shared>>) target(%dma_start3A_47 : memref<128x128xf32, #tpu.memory_space<hbm>>) target_semaphore(%run_scoped3A : memref<!tpu.dma_semaphore, #tpu.memory_space<semaphore_mem>>)
        %dma_wait3A = arith.constant 0 : i32
        %dma_wait3A_50 = tpu.memref_slice %arg4[%arg0, %add3A_44, %dma_wait3A] : memref<2x10240x128xf32, #tpu.memory_space<hbm>> -> memref<1x128x128xf32, #tpu.memory_space<hbm>>
        %dma_wait3A_51 = tpu.memref_squeeze %dma_wait3A_50 : memref<1x128x128xf32, #tpu.memory_space<hbm>> -> memref<128x128xf32, #tpu.memory_space<hbm>>
        %dma_wait3A_52 = arith.constant 0 : i32
        %dma_wait3A_53 = tpu.memref_slice %arg5[%add3A_44, %dma_wait3A_52] : memref<10240x128xf32, #tpu.memory_space<vmem_shared>> -> memref<128x128xf32, #tpu.memory_space<vmem_shared>>
        tpu.wait_dma2 semaphore(%run_scoped3A : memref<!tpu.dma_semaphore, #tpu.memory_space<semaphore_mem>>) src(%dma_wait3A_53 : memref<128x128xf32, #tpu.memory_space<vmem_shared>>) dst(%dma_wait3A_51 : memref<128x128xf32, #tpu.memory_space<hbm>>)
        tpu.yield
      }) : () -> ()
      %scan3A_45 = arith.constant 0 : i32
      scf.yield %scan3A_45 : i32
    }
    %scan3A_39 = arith.constant 5 : i32
    return
  }
}

#map = affine_map<(d0, d1) -> (0, 0)>
#map1 = affine_map<(d0, d1) -> (0)>
#map2 = affine_map<(d0, d1) -> (0, 0, 0)>
module attributes {stable_mosaic.version = 14 : i64} {
  func.func @_sc_rows_body(%arg0: i32, %arg1: i32, %arg2: memref<10000x128xf32, #tpu.memory_space<hbm>>, %arg3: memref<320000xi32, #tpu.memory_space<hbm>>, %arg4: memref<320000xi32, #tpu.memory_space<hbm>>, %arg5: memref<2x10240x128xf32, #tpu.memory_space<hbm>>, %arg6: memref<10240x128xf32, #tpu.memory_space<vmem_shared>>, %arg7: memref<128xi32, #tpu.memory_space<vmem>>, %arg8: memref<128xi32, #tpu.memory_space<vmem>>, %arg9: memref<128x128xf32, #tpu.memory_space<vmem>>, %arg10: memref<!tpu.dma_semaphore, #tpu.memory_space<semaphore_mem>>) attributes {dimension_semantics = [#tpu.dimension_semantics<core_parallel>, #tpu.dimension_semantics<subcore_parallel>], iteration_bounds = array<i64: 2, 16>, scalar_prefetch = 0 : i64, scratch_operands = 5 : i64, tpu.core_type = #tpu.core_type<sc_vector_subcore>, window_params = [{transform_indices = #map}, {transform_indices = #map1}, {transform_indices = #map1}, {transform_indices = #map2}]} {
    %mul3A = arith.constant 2 : i32
    %mul3A_0 = arith.muli %arg1, %mul3A : i32
    %add3A = arith.addi %mul3A_0, %arg0 : i32
    %broadcast_in_dim3A = arith.constant 0.000000e+00 : f32
    %broadcast_in_dim3A_1 = vector.broadcast %broadcast_in_dim3A : f32 to vector<16xf32>
    %scan3A = arith.constant 0 : i32
    %scan3A_2 = arith.constant 0 : i32
    %scan3A_3 = arith.constant 128 : i32
    %scan3A_4 = arith.addi %scan3A_2, %scan3A_3 : i32
    %scan3A_5 = arith.constant 1 : i32
    %scan3A_6 = scf.for %scan3A_40 = %scan3A_2 to %scan3A_4 step %scan3A_5 iter_args(%scan3A_41 = %scan3A) -> (i32)  : i32 {
      %swap3A = arith.index_cast %scan3A_40 : i32 to index
      %swap3A_42 = arith.constant 0 : index
      %swap3A_43 = tpu.vector_load %arg9[%swap3A, %swap3A_42] {strides = array<i32>} : memref<128x128xf32, #tpu.memory_space<vmem>>, vector<1x16xf32>,
      %swap3A_44 = vector.shape_cast %swap3A_43 : vector<1x16xf32> to vector<16xf32>
      %swap3A_45 = vector.shape_cast %broadcast_in_dim3A_1 : vector<16xf32> to vector<1x16xf32>
      tpu.vector_store %arg9[%swap3A, %swap3A_42], %swap3A_45 {strides = array<i32>} : memref<128x128xf32, #tpu.memory_space<vmem>>, vector<1x16xf32>,
      %swap3A_46 = arith.index_cast %scan3A_40 : i32 to index
      %swap3A_47 = arith.constant 16 : index
      %swap3A_48 = tpu.vector_load %arg9[%swap3A_46, %swap3A_47] {strides = array<i32>} : memref<128x128xf32, #tpu.memory_space<vmem>>, vector<1x16xf32>,
      %swap3A_49 = vector.shape_cast %swap3A_48 : vector<1x16xf32> to vector<16xf32>
      %swap3A_50 = vector.shape_cast %broadcast_in_dim3A_1 : vector<16xf32> to vector<1x16xf32>
      tpu.vector_store %arg9[%swap3A_46, %swap3A_47], %swap3A_50 {strides = array<i32>} : memref<128x128xf32, #tpu.memory_space<vmem>>, vector<1x16xf32>,
      %swap3A_51 = arith.index_cast %scan3A_40 : i32 to index
      %swap3A_52 = arith.constant 32 : index
      %swap3A_53 = tpu.vector_load %arg9[%swap3A_51, %swap3A_52] {strides = array<i32>} : memref<128x128xf32, #tpu.memory_space<vmem>>, vector<1x16xf32>,
      %swap3A_54 = vector.shape_cast %swap3A_53 : vector<1x16xf32> to vector<16xf32>
      %swap3A_55 = vector.shape_cast %broadcast_in_dim3A_1 : vector<16xf32> to vector<1x16xf32>
      tpu.vector_store %arg9[%swap3A_51, %swap3A_52], %swap3A_55 {strides = array<i32>} : memref<128x128xf32, #tpu.memory_space<vmem>>, vector<1x16xf32>,
      %swap3A_56 = arith.index_cast %scan3A_40 : i32 to index
      %swap3A_57 = arith.constant 48 : index
      %swap3A_58 = tpu.vector_load %arg9[%swap3A_56, %swap3A_57] {strides = array<i32>} : memref<128x128xf32, #tpu.memory_space<vmem>>, vector<1x16xf32>,
      %swap3A_59 = vector.shape_cast %swap3A_58 : vector<1x16xf32> to vector<16xf32>
      %swap3A_60 = vector.shape_cast %broadcast_in_dim3A_1 : vector<16xf32> to vector<1x16xf32>
      tpu.vector_store %arg9[%swap3A_56, %swap3A_57], %swap3A_60 {strides = array<i32>} : memref<128x128xf32, #tpu.memory_space<vmem>>, vector<1x16xf32>,
      %swap3A_61 = arith.index_cast %scan3A_40 : i32 to index
      %swap3A_62 = arith.constant 64 : index
      %swap3A_63 = tpu.vector_load %arg9[%swap3A_61, %swap3A_62] {strides = array<i32>} : memref<128x128xf32, #tpu.memory_space<vmem>>, vector<1x16xf32>,
      %swap3A_64 = vector.shape_cast %swap3A_63 : vector<1x16xf32> to vector<16xf32>
      %swap3A_65 = vector.shape_cast %broadcast_in_dim3A_1 : vector<16xf32> to vector<1x16xf32>
      tpu.vector_store %arg9[%swap3A_61, %swap3A_62], %swap3A_65 {strides = array<i32>} : memref<128x128xf32, #tpu.memory_space<vmem>>, vector<1x16xf32>,
      %swap3A_66 = arith.index_cast %scan3A_40 : i32 to index
      %swap3A_67 = arith.constant 80 : index
      %swap3A_68 = tpu.vector_load %arg9[%swap3A_66, %swap3A_67] {strides = array<i32>} : memref<128x128xf32, #tpu.memory_space<vmem>>, vector<1x16xf32>,
      %swap3A_69 = vector.shape_cast %swap3A_68 : vector<1x16xf32> to vector<16xf32>
      %swap3A_70 = vector.shape_cast %broadcast_in_dim3A_1 : vector<16xf32> to vector<1x16xf32>
      tpu.vector_store %arg9[%swap3A_66, %swap3A_67], %swap3A_70 {strides = array<i32>} : memref<128x128xf32, #tpu.memory_space<vmem>>, vector<1x16xf32>,
      %swap3A_71 = arith.index_cast %scan3A_40 : i32 to index
      %swap3A_72 = arith.constant 96 : index
      %swap3A_73 = tpu.vector_load %arg9[%swap3A_71, %swap3A_72] {strides = array<i32>} : memref<128x128xf32, #tpu.memory_space<vmem>>, vector<1x16xf32>,
      %swap3A_74 = vector.shape_cast %swap3A_73 : vector<1x16xf32> to vector<16xf32>
      %swap3A_75 = vector.shape_cast %broadcast_in_dim3A_1 : vector<16xf32> to vector<1x16xf32>
      tpu.vector_store %arg9[%swap3A_71, %swap3A_72], %swap3A_75 {strides = array<i32>} : memref<128x128xf32, #tpu.memory_space<vmem>>, vector<1x16xf32>,
      %swap3A_76 = arith.index_cast %scan3A_40 : i32 to index
      %swap3A_77 = arith.constant 112 : index
      %swap3A_78 = tpu.vector_load %arg9[%swap3A_76, %swap3A_77] {strides = array<i32>} : memref<128x128xf32, #tpu.memory_space<vmem>>, vector<1x16xf32>,
      %swap3A_79 = vector.shape_cast %swap3A_78 : vector<1x16xf32> to vector<16xf32>
      %swap3A_80 = vector.shape_cast %broadcast_in_dim3A_1 : vector<16xf32> to vector<1x16xf32>
      tpu.vector_store %arg9[%swap3A_76, %swap3A_77], %swap3A_80 {strides = array<i32>} : memref<128x128xf32, #tpu.memory_space<vmem>>, vector<1x16xf32>,
      %scan3A_81 = arith.constant 0 : i32
      scf.yield %scan3A_81 : i32
    }
    %scan3A_7 = arith.constant 128 : i32
    %mul3A_8 = arith.constant 640 : i32
    %mul3A_9 = arith.muli %arg1, %mul3A_8 : i32
    %scan3A_10 = arith.constant 0 : i32
    %scan3A_11 = arith.constant 0 : i32
    %scan3A_12 = arith.constant 5 : i32
    %scan3A_13 = arith.addi %scan3A_11, %scan3A_12 : i32
    %scan3A_14 = arith.constant 1 : i32
    %scan3A_15 = scf.for %scan3A_40 = %scan3A_11 to %scan3A_13 step %scan3A_14 iter_args(%scan3A_41 = %scan3A_10) -> (i32)  : i32 {
      %mul3A_42 = arith.constant 128 : i32
      %mul3A_43 = arith.muli %scan3A_40, %mul3A_42 : i32
      %add3A_44 = arith.addi %mul3A_9, %mul3A_43 : i32
      "tpu.region"() ({
        %run_scoped3A = tpu.sem_alloc : memref<!tpu.dma_semaphore, #tpu.memory_space<semaphore_mem>>
        %dma_start3A = arith.constant 0 : i32
        %dma_start3A_46 = tpu.memref_slice %arg6[%add3A_44, %dma_start3A] : memref<10240x128xf32, #tpu.memory_space<vmem_shared>> -> memref<128x128xf32, #tpu.memory_space<vmem_shared>>
        %dma_start3A_47 = arith.constant 0 : i32
        %dma_start3A_48 = tpu.memref_slice %arg6[%add3A_44, %dma_start3A_47] : memref<10240x128xf32, #tpu.memory_space<vmem_shared>> -> memref<128x128xf32, #tpu.memory_space<vmem_shared>>
        tpu.enqueue_dma source(%arg9 : memref<128x128xf32, #tpu.memory_space<vmem>>) target(%dma_start3A_48 : memref<128x128xf32, #tpu.memory_space<vmem_shared>>) target_semaphore(%run_scoped3A : memref<!tpu.dma_semaphore, #tpu.memory_space<semaphore_mem>>)
        %dma_wait3A = arith.constant 0 : i32
        %dma_wait3A_49 = tpu.memref_slice %arg6[%add3A_44, %dma_wait3A] : memref<10240x128xf32, #tpu.memory_space<vmem_shared>> -> memref<128x128xf32, #tpu.memory_space<vmem_shared>>
        %dma_wait3A_50 = arith.constant 0 : i32
        %dma_wait3A_51 = tpu.memref_slice %arg6[%add3A_44, %dma_wait3A_50] : memref<10240x128xf32, #tpu.memory_space<vmem_shared>> -> memref<128x128xf32, #tpu.memory_space<vmem_shared>>
        tpu.wait_dma2 semaphore(%run_scoped3A : memref<!tpu.dma_semaphore, #tpu.memory_space<semaphore_mem>>) src(%arg9 : memref<128x128xf32, #tpu.memory_space<vmem>>) dst(%dma_wait3A_51 : memref<128x128xf32, #tpu.memory_space<vmem_shared>>)
        tpu.yield
      }) : () -> ()
      %scan3A_45 = arith.constant 0 : i32
      scf.yield %scan3A_45 : i32
    }
    %scan3A_16 = arith.constant 5 : i32
    %barrier3A = arith.constant 0 : index
    tpu.barrier barrier_id(%barrier3A)
    %lt3A = arith.constant 4 : i32
    %lt3A_17 = arith.cmpi slt, %add3A, %lt3A : i32
    %jit3A = arith.constant 1 : i32
    %jit3A_18 = arith.constant 0 : i32
    %select_n3A = arith.select %lt3A_17, %jit3A, %jit3A_18 : i32
    %add3A_19 = arith.constant 78 : i32
    %add3A_20 = arith.addi %add3A_19, %select_n3A : i32
    %while3A = arith.constant 0 : i32
    %while3A_21 = arith.constant 0 : i32
    %while3A_22 = arith.subi %add3A_20, %while3A : i32
    %while3A_23 = arith.addi %while3A, %while3A_22 : i32
    %while3A_24 = arith.constant 1 : i32
    %while3A_25 = arith.divsi %while3A_22, %while3A_24 : i32
    %while3A_26 = arith.muli %while3A_25, %while3A_24 : i32
    %while3A_27 = arith.addi %while3A, %while3A_26 : i32
    %while3A_28 = arith.constant 1 : i32
    %while3A_29 = scf.for %while3A_40 = %while3A to %while3A_27 step %while3A_28 iter_args(%while3A_41 = %while3A_21) -> (i32)  : i32 {
      %mul3A_42 = arith.constant 32 : i32
      %mul3A_43 = arith.muli %while3A_40, %mul3A_42 : i32
      %add3A_44 = arith.addi %add3A, %mul3A_43 : i32
      %mul3A_45 = arith.constant 128 : i32
      %mul3A_46 = arith.muli %add3A_44, %mul3A_45 : i32
      "tpu.region"() ({
        %run_scoped3A = tpu.sem_alloc : memref<!tpu.dma_semaphore, #tpu.memory_space<semaphore_mem>>
        %dma_start3A_52 = tpu.memref_slice %arg3[%mul3A_46] : memref<320000xi32, #tpu.memory_space<hbm>> -> memref<128xi32, #tpu.memory_space<hbm>>
        %dma_start3A_53 = tpu.memref_slice %arg3[%mul3A_46] : memref<320000xi32, #tpu.memory_space<hbm>> -> memref<128xi32, #tpu.memory_space<hbm>>
        tpu.enqueue_dma source(%dma_start3A_53 : memref<128xi32, #tpu.memory_space<hbm>>) target(%arg7 : memref<128xi32, #tpu.memory_space<vmem>>) target_semaphore(%run_scoped3A : memref<!tpu.dma_semaphore, #tpu.memory_space<semaphore_mem>>)
        %dma_wait3A_54 = tpu.memref_slice %arg3[%mul3A_46] : memref<320000xi32, #tpu.memory_space<hbm>> -> memref<128xi32, #tpu.memory_space<hbm>>
        %dma_wait3A_55 = tpu.memref_slice %arg3[%mul3A_46] : memref<320000xi32, #tpu.memory_space<hbm>> -> memref<128xi32, #tpu.memory_space<hbm>>
        tpu.wait_dma2 semaphore(%run_scoped3A : memref<!tpu.dma_semaphore, #tpu.memory_space<semaphore_mem>>) src(%dma_wait3A_55 : memref<128xi32, #tpu.memory_space<hbm>>) dst(%arg7 : memref<128xi32, #tpu.memory_space<vmem>>)
        tpu.yield
      }) : () -> ()
      "tpu.region"() ({
        %run_scoped3A = tpu.sem_alloc : memref<!tpu.dma_semaphore, #tpu.memory_space<semaphore_mem>>
        %dma_start3A_52 = tpu.memref_slice %arg4[%mul3A_46] : memref<320000xi32, #tpu.memory_space<hbm>> -> memref<128xi32, #tpu.memory_space<hbm>>
        %dma_start3A_53 = tpu.memref_slice %arg4[%mul3A_46] : memref<320000xi32, #tpu.memory_space<hbm>> -> memref<128xi32, #tpu.memory_space<hbm>>
        tpu.enqueue_dma source(%dma_start3A_53 : memref<128xi32, #tpu.memory_space<hbm>>) target(%arg8 : memref<128xi32, #tpu.memory_space<vmem>>) target_semaphore(%run_scoped3A : memref<!tpu.dma_semaphore, #tpu.memory_space<semaphore_mem>>)
        %dma_wait3A_54 = tpu.memref_slice %arg4[%mul3A_46] : memref<320000xi32, #tpu.memory_space<hbm>> -> memref<128xi32, #tpu.memory_space<hbm>>
        %dma_wait3A_55 = tpu.memref_slice %arg4[%mul3A_46] : memref<320000xi32, #tpu.memory_space<hbm>> -> memref<128xi32, #tpu.memory_space<hbm>>
        tpu.wait_dma2 semaphore(%run_scoped3A : memref<!tpu.dma_semaphore, #tpu.memory_space<semaphore_mem>>) src(%dma_wait3A_55 : memref<128xi32, #tpu.memory_space<hbm>>) dst(%arg8 : memref<128xi32, #tpu.memory_space<vmem>>)
        tpu.yield
      }) : () -> ()
      %dma_start3A = arith.constant 0 : i32
      %dma_start3A_47 = arith.constant 0 : i32
      %dma_start3A_48 = tpu.memref_slice %arg2[%dma_start3A, %dma_start3A_47] : memref<10000x128xf32, #tpu.memory_space<hbm>> -> memref<10000x128xf32, #tpu.memory_space<hbm>>
      tpu.enqueue_indirect_dma source(%dma_start3A_48 : memref<10000x128xf32, #tpu.memory_space<hbm>>) target(%arg9 : memref<128x128xf32, #tpu.memory_space<vmem>>) offsets(%arg7 : memref<128xi32, #tpu.memory_space<vmem>>) semaphore(%arg10 : memref<!tpu.dma_semaphore, #tpu.memory_space<semaphore_mem>>)
      %dma_wait3A = arith.constant 0 : i32
      %dma_wait3A_49 = arith.constant 0 : i32
      %dma_wait3A_50 = tpu.memref_slice %arg2[%dma_wait3A, %dma_wait3A_49] : memref<10000x128xf32, #tpu.memory_space<hbm>> -> memref<10000x128xf32, #tpu.memory_space<hbm>>
      tpu.wait_indirect_dma semaphore(%arg10 : memref<!tpu.dma_semaphore, #tpu.memory_space<semaphore_mem>>) src(%dma_wait3A_50 : memref<10000x128xf32, #tpu.memory_space<hbm>>) dst(%arg9 : memref<128x128xf32, #tpu.memory_space<vmem>>)
      "tpu.region"() ({
        %run_scoped3A = tpu.sem_alloc : memref<!tpu.dma_semaphore, #tpu.memory_space<semaphore_mem>>
        %dma_start3A_52 = arith.constant 0 : i32
        %dma_start3A_53 = arith.constant 0 : i32
        %dma_start3A_54 = tpu.memref_slice %arg6[%dma_start3A_52, %dma_start3A_53] : memref<10240x128xf32, #tpu.memory_space<vmem_shared>> -> memref<10240x128xf32, #tpu.memory_space<vmem_shared>>
        tpu.enqueue_indirect_dma source(%arg9 : memref<128x128xf32, #tpu.memory_space<vmem>>) target(%dma_start3A_54 : memref<10240x128xf32, #tpu.memory_space<vmem_shared>>) offsets(%arg8 : memref<128xi32, #tpu.memory_space<vmem>>) semaphore(%run_scoped3A : memref<!tpu.dma_semaphore, #tpu.memory_space<semaphore_mem>>) {add = true}
        %dma_wait3A_55 = arith.constant 0 : i32
        %dma_wait3A_56 = arith.constant 0 : i32
        %dma_wait3A_57 = tpu.memref_slice %arg6[%dma_wait3A_55, %dma_wait3A_56] : memref<10240x128xf32, #tpu.memory_space<vmem_shared>> -> memref<10240x128xf32, #tpu.memory_space<vmem_shared>>
        tpu.wait_indirect_dma semaphore(%run_scoped3A : memref<!tpu.dma_semaphore, #tpu.memory_space<semaphore_mem>>) src(%arg9 : memref<128x128xf32, #tpu.memory_space<vmem>>) dst(%dma_wait3A_57 : memref<10240x128xf32, #tpu.memory_space<vmem_shared>>)
        tpu.yield
      }) : () -> ()
      %while3A_51 = arith.constant 0 : i32
      scf.yield %while3A_51 : i32
    }
    %while3A_30 = arith.constant 1 : i32
    %while3A_31 = scf.for %while3A_40 = %while3A_27 to %while3A_23 step %while3A_30 iter_args(%while3A_41 = %while3A_29) -> (i32)  : i32 {
      %mul3A_42 = arith.constant 32 : i32
      %mul3A_43 = arith.muli %while3A_40, %mul3A_42 : i32
      %add3A_44 = arith.addi %add3A, %mul3A_43 : i32
      %mul3A_45 = arith.constant 128 : i32
      %mul3A_46 = arith.muli %add3A_44, %mul3A_45 : i32
      "tpu.region"() ({
        %run_scoped3A = tpu.sem_alloc : memref<!tpu.dma_semaphore, #tpu.memory_space<semaphore_mem>>
        %dma_start3A_52 = tpu.memref_slice %arg3[%mul3A_46] : memref<320000xi32, #tpu.memory_space<hbm>> -> memref<128xi32, #tpu.memory_space<hbm>>
        %dma_start3A_53 = tpu.memref_slice %arg3[%mul3A_46] : memref<320000xi32, #tpu.memory_space<hbm>> -> memref<128xi32, #tpu.memory_space<hbm>>
        tpu.enqueue_dma source(%dma_start3A_53 : memref<128xi32, #tpu.memory_space<hbm>>) target(%arg7 : memref<128xi32, #tpu.memory_space<vmem>>) target_semaphore(%run_scoped3A : memref<!tpu.dma_semaphore, #tpu.memory_space<semaphore_mem>>)
        %dma_wait3A_54 = tpu.memref_slice %arg3[%mul3A_46] : memref<320000xi32, #tpu.memory_space<hbm>> -> memref<128xi32, #tpu.memory_space<hbm>>
        %dma_wait3A_55 = tpu.memref_slice %arg3[%mul3A_46] : memref<320000xi32, #tpu.memory_space<hbm>> -> memref<128xi32, #tpu.memory_space<hbm>>
        tpu.wait_dma2 semaphore(%run_scoped3A : memref<!tpu.dma_semaphore, #tpu.memory_space<semaphore_mem>>) src(%dma_wait3A_55 : memref<128xi32, #tpu.memory_space<hbm>>) dst(%arg7 : memref<128xi32, #tpu.memory_space<vmem>>)
        tpu.yield
      }) : () -> ()
      "tpu.region"() ({
        %run_scoped3A = tpu.sem_alloc : memref<!tpu.dma_semaphore, #tpu.memory_space<semaphore_mem>>
        %dma_start3A_52 = tpu.memref_slice %arg4[%mul3A_46] : memref<320000xi32, #tpu.memory_space<hbm>> -> memref<128xi32, #tpu.memory_space<hbm>>
        %dma_start3A_53 = tpu.memref_slice %arg4[%mul3A_46] : memref<320000xi32, #tpu.memory_space<hbm>> -> memref<128xi32, #tpu.memory_space<hbm>>
        tpu.enqueue_dma source(%dma_start3A_53 : memref<128xi32, #tpu.memory_space<hbm>>) target(%arg8 : memref<128xi32, #tpu.memory_space<vmem>>) target_semaphore(%run_scoped3A : memref<!tpu.dma_semaphore, #tpu.memory_space<semaphore_mem>>)
        %dma_wait3A_54 = tpu.memref_slice %arg4[%mul3A_46] : memref<320000xi32, #tpu.memory_space<hbm>> -> memref<128xi32, #tpu.memory_space<hbm>>
        %dma_wait3A_55 = tpu.memref_slice %arg4[%mul3A_46] : memref<320000xi32, #tpu.memory_space<hbm>> -> memref<128xi32, #tpu.memory_space<hbm>>
        tpu.wait_dma2 semaphore(%run_scoped3A : memref<!tpu.dma_semaphore, #tpu.memory_space<semaphore_mem>>) src(%dma_wait3A_55 : memref<128xi32, #tpu.memory_space<hbm>>) dst(%arg8 : memref<128xi32, #tpu.memory_space<vmem>>)
        tpu.yield
      }) : () -> ()
      %dma_start3A = arith.constant 0 : i32
      %dma_start3A_47 = arith.constant 0 : i32
      %dma_start3A_48 = tpu.memref_slice %arg2[%dma_start3A, %dma_start3A_47] : memref<10000x128xf32, #tpu.memory_space<hbm>> -> memref<10000x128xf32, #tpu.memory_space<hbm>>
      tpu.enqueue_indirect_dma source(%dma_start3A_48 : memref<10000x128xf32, #tpu.memory_space<hbm>>) target(%arg9 : memref<128x128xf32, #tpu.memory_space<vmem>>) offsets(%arg7 : memref<128xi32, #tpu.memory_space<vmem>>) semaphore(%arg10 : memref<!tpu.dma_semaphore, #tpu.memory_space<semaphore_mem>>)
      %dma_wait3A = arith.constant 0 : i32
      %dma_wait3A_49 = arith.constant 0 : i32
      %dma_wait3A_50 = tpu.memref_slice %arg2[%dma_wait3A, %dma_wait3A_49] : memref<10000x128xf32, #tpu.memory_space<hbm>> -> memref<10000x128xf32, #tpu.memory_space<hbm>>
      tpu.wait_indirect_dma semaphore(%arg10 : memref<!tpu.dma_semaphore, #tpu.memory_space<semaphore_mem>>) src(%dma_wait3A_50 : memref<10000x128xf32, #tpu.memory_space<hbm>>) dst(%arg9 : memref<128x128xf32, #tpu.memory_space<vmem>>)
      "tpu.region"() ({
        %run_scoped3A = tpu.sem_alloc : memref<!tpu.dma_semaphore, #tpu.memory_space<semaphore_mem>>
        %dma_start3A_52 = arith.constant 0 : i32
        %dma_start3A_53 = arith.constant 0 : i32
        %dma_start3A_54 = tpu.memref_slice %arg6[%dma_start3A_52, %dma_start3A_53] : memref<10240x128xf32, #tpu.memory_space<vmem_shared>> -> memref<10240x128xf32, #tpu.memory_space<vmem_shared>>
        tpu.enqueue_indirect_dma source(%arg9 : memref<128x128xf32, #tpu.memory_space<vmem>>) target(%dma_start3A_54 : memref<10240x128xf32, #tpu.memory_space<vmem_shared>>) offsets(%arg8 : memref<128xi32, #tpu.memory_space<vmem>>) semaphore(%run_scoped3A : memref<!tpu.dma_semaphore, #tpu.memory_space<semaphore_mem>>) {add = true}
        %dma_wait3A_55 = arith.constant 0 : i32
        %dma_wait3A_56 = arith.constant 0 : i32
        %dma_wait3A_57 = tpu.memref_slice %arg6[%dma_wait3A_55, %dma_wait3A_56] : memref<10240x128xf32, #tpu.memory_space<vmem_shared>> -> memref<10240x128xf32, #tpu.memory_space<vmem_shared>>
        tpu.wait_indirect_dma semaphore(%run_scoped3A : memref<!tpu.dma_semaphore, #tpu.memory_space<semaphore_mem>>) src(%arg9 : memref<128x128xf32, #tpu.memory_space<vmem>>) dst(%dma_wait3A_57 : memref<10240x128xf32, #tpu.memory_space<vmem_shared>>)
        tpu.yield
      }) : () -> ()
      %while3A_51 = arith.constant 0 : i32
      scf.yield %while3A_51 : i32
    }
    %barrier3A_32 = arith.constant 0 : index
    tpu.barrier barrier_id(%barrier3A_32)
    %scan3A_33 = arith.constant 0 : i32
    %scan3A_34 = arith.constant 0 : i32
    %scan3A_35 = arith.constant 5 : i32
    %scan3A_36 = arith.addi %scan3A_34, %scan3A_35 : i32
    %scan3A_37 = arith.constant 1 : i32
    %scan3A_38 = scf.for %scan3A_40 = %scan3A_34 to %scan3A_36 step %scan3A_37 iter_args(%scan3A_41 = %scan3A_33) -> (i32)  : i32 {
      %mul3A_42 = arith.constant 128 : i32
      %mul3A_43 = arith.muli %scan3A_40, %mul3A_42 : i32
      %add3A_44 = arith.addi %mul3A_9, %mul3A_43 : i32
      "tpu.region"() ({
        %run_scoped3A = tpu.sem_alloc : memref<!tpu.dma_semaphore, #tpu.memory_space<semaphore_mem>>
        %dma_start3A = arith.constant 0 : i32
        %dma_start3A_46 = tpu.memref_slice %arg5[%arg0, %add3A_44, %dma_start3A] : memref<2x10240x128xf32, #tpu.memory_space<hbm>> -> memref<1x128x128xf32, #tpu.memory_space<hbm>>
        %dma_start3A_47 = tpu.memref_squeeze %dma_start3A_46 : memref<1x128x128xf32, #tpu.memory_space<hbm>> -> memref<128x128xf32, #tpu.memory_space<hbm>>
        %dma_start3A_48 = arith.constant 0 : i32
        %dma_start3A_49 = tpu.memref_slice %arg6[%add3A_44, %dma_start3A_48] : memref<10240x128xf32, #tpu.memory_space<vmem_shared>> -> memref<128x128xf32, #tpu.memory_space<vmem_shared>>
        tpu.enqueue_dma source(%dma_start3A_49 : memref<128x128xf32, #tpu.memory_space<vmem_shared>>) target(%dma_start3A_47 : memref<128x128xf32, #tpu.memory_space<hbm>>) target_semaphore(%run_scoped3A : memref<!tpu.dma_semaphore, #tpu.memory_space<semaphore_mem>>)
        %dma_wait3A = arith.constant 0 : i32
        %dma_wait3A_50 = tpu.memref_slice %arg5[%arg0, %add3A_44, %dma_wait3A] : memref<2x10240x128xf32, #tpu.memory_space<hbm>> -> memref<1x128x128xf32, #tpu.memory_space<hbm>>
        %dma_wait3A_51 = tpu.memref_squeeze %dma_wait3A_50 : memref<1x128x128xf32, #tpu.memory_space<hbm>> -> memref<128x128xf32, #tpu.memory_space<hbm>>
        %dma_wait3A_52 = arith.constant 0 : i32
        %dma_wait3A_53 = tpu.memref_slice %arg6[%add3A_44, %dma_wait3A_52] : memref<10240x128xf32, #tpu.memory_space<vmem_shared>> -> memref<128x128xf32, #tpu.memory_space<vmem_shared>>
        tpu.wait_dma2 semaphore(%run_scoped3A : memref<!tpu.dma_semaphore, #tpu.memory_space<semaphore_mem>>) src(%dma_wait3A_53 : memref<128x128xf32, #tpu.memory_space<vmem_shared>>) dst(%dma_wait3A_51 : memref<128x128xf32, #tpu.memory_space<hbm>>)
        tpu.yield
      }) : () -> ()
      %scan3A_45 = arith.constant 0 : i32
      scf.yield %scan3A_45 : i32
    }
    %scan3A_39 = arith.constant 5 : i32
    return
  }
}

#map = affine_map<(d0, d1) -> (0)>
#map1 = affine_map<(d0, d1) -> (0, 0)>
#map2 = affine_map<(d0, d1) -> (0, 0, 0)>
module attributes {stable_mosaic.version = 14 : i64} {
  func.func @_sc_misc_body(%arg0: i32, %arg1: i32, %arg2: memref<320000xi32, #tpu.memory_space<hbm>>, %arg3: memref<320000x128xf32, #tpu.memory_space<hbm>>, %arg4: memref<2x10240x128xf32, #tpu.memory_space<hbm>>, %arg5: memref<10240x128xf32, #tpu.memory_space<vmem_shared>>, %arg6: memref<128xi32, #tpu.memory_space<vmem>>, %arg7: memref<128x128xf32, #tpu.memory_space<vmem>>, %arg8: memref<!tpu.dma_semaphore, #tpu.memory_space<semaphore_mem>>) attributes {dimension_semantics = [#tpu.dimension_semantics<core_parallel>, #tpu.dimension_semantics<subcore_parallel>], iteration_bounds = array<i64: 2, 16>, scalar_prefetch = 0 : i64, scratch_operands = 4 : i64, tpu.core_type = #tpu.core_type<sc_vector_subcore>, window_params = [{transform_indices = #map}, {transform_indices = #map1}, {transform_indices = #map2}]} {
    %mul3A = arith.constant 2 : i32
    %mul3A_0 = arith.muli %arg1, %mul3A : i32
    %add3A = arith.addi %mul3A_0, %arg0 : i32
    %broadcast_in_dim3A = arith.constant 0.000000e+00 : f32
    %broadcast_in_dim3A_1 = vector.broadcast %broadcast_in_dim3A : f32 to vector<16xf32>
    %scan3A = arith.constant 0 : i32
    %scan3A_2 = arith.constant 0 : i32
    %scan3A_3 = arith.constant 128 : i32
    %scan3A_4 = arith.addi %scan3A_2, %scan3A_3 : i32
    %scan3A_5 = arith.constant 1 : i32
    %scan3A_6 = scf.for %scan3A_40 = %scan3A_2 to %scan3A_4 step %scan3A_5 iter_args(%scan3A_41 = %scan3A) -> (i32)  : i32 {
      %swap3A = arith.index_cast %scan3A_40 : i32 to index
      %swap3A_42 = arith.constant 0 : index
      %swap3A_43 = tpu.vector_load %arg7[%swap3A, %swap3A_42] {strides = array<i32>} : memref<128x128xf32, #tpu.memory_space<vmem>>, vector<1x16xf32>,
      %swap3A_44 = vector.shape_cast %swap3A_43 : vector<1x16xf32> to vector<16xf32>
      %swap3A_45 = vector.shape_cast %broadcast_in_dim3A_1 : vector<16xf32> to vector<1x16xf32>
      tpu.vector_store %arg7[%swap3A, %swap3A_42], %swap3A_45 {strides = array<i32>} : memref<128x128xf32, #tpu.memory_space<vmem>>, vector<1x16xf32>,
      %swap3A_46 = arith.index_cast %scan3A_40 : i32 to index
      %swap3A_47 = arith.constant 16 : index
      %swap3A_48 = tpu.vector_load %arg7[%swap3A_46, %swap3A_47] {strides = array<i32>} : memref<128x128xf32, #tpu.memory_space<vmem>>, vector<1x16xf32>,
      %swap3A_49 = vector.shape_cast %swap3A_48 : vector<1x16xf32> to vector<16xf32>
      %swap3A_50 = vector.shape_cast %broadcast_in_dim3A_1 : vector<16xf32> to vector<1x16xf32>
      tpu.vector_store %arg7[%swap3A_46, %swap3A_47], %swap3A_50 {strides = array<i32>} : memref<128x128xf32, #tpu.memory_space<vmem>>, vector<1x16xf32>,
      %swap3A_51 = arith.index_cast %scan3A_40 : i32 to index
      %swap3A_52 = arith.constant 32 : index
      %swap3A_53 = tpu.vector_load %arg7[%swap3A_51, %swap3A_52] {strides = array<i32>} : memref<128x128xf32, #tpu.memory_space<vmem>>, vector<1x16xf32>,
      %swap3A_54 = vector.shape_cast %swap3A_53 : vector<1x16xf32> to vector<16xf32>
      %swap3A_55 = vector.shape_cast %broadcast_in_dim3A_1 : vector<16xf32> to vector<1x16xf32>
      tpu.vector_store %arg7[%swap3A_51, %swap3A_52], %swap3A_55 {strides = array<i32>} : memref<128x128xf32, #tpu.memory_space<vmem>>, vector<1x16xf32>,
      %swap3A_56 = arith.index_cast %scan3A_40 : i32 to index
      %swap3A_57 = arith.constant 48 : index
      %swap3A_58 = tpu.vector_load %arg7[%swap3A_56, %swap3A_57] {strides = array<i32>} : memref<128x128xf32, #tpu.memory_space<vmem>>, vector<1x16xf32>,
      %swap3A_59 = vector.shape_cast %swap3A_58 : vector<1x16xf32> to vector<16xf32>
      %swap3A_60 = vector.shape_cast %broadcast_in_dim3A_1 : vector<16xf32> to vector<1x16xf32>
      tpu.vector_store %arg7[%swap3A_56, %swap3A_57], %swap3A_60 {strides = array<i32>} : memref<128x128xf32, #tpu.memory_space<vmem>>, vector<1x16xf32>,
      %swap3A_61 = arith.index_cast %scan3A_40 : i32 to index
      %swap3A_62 = arith.constant 64 : index
      %swap3A_63 = tpu.vector_load %arg7[%swap3A_61, %swap3A_62] {strides = array<i32>} : memref<128x128xf32, #tpu.memory_space<vmem>>, vector<1x16xf32>,
      %swap3A_64 = vector.shape_cast %swap3A_63 : vector<1x16xf32> to vector<16xf32>
      %swap3A_65 = vector.shape_cast %broadcast_in_dim3A_1 : vector<16xf32> to vector<1x16xf32>
      tpu.vector_store %arg7[%swap3A_61, %swap3A_62], %swap3A_65 {strides = array<i32>} : memref<128x128xf32, #tpu.memory_space<vmem>>, vector<1x16xf32>,
      %swap3A_66 = arith.index_cast %scan3A_40 : i32 to index
      %swap3A_67 = arith.constant 80 : index
      %swap3A_68 = tpu.vector_load %arg7[%swap3A_66, %swap3A_67] {strides = array<i32>} : memref<128x128xf32, #tpu.memory_space<vmem>>, vector<1x16xf32>,
      %swap3A_69 = vector.shape_cast %swap3A_68 : vector<1x16xf32> to vector<16xf32>
      %swap3A_70 = vector.shape_cast %broadcast_in_dim3A_1 : vector<16xf32> to vector<1x16xf32>
      tpu.vector_store %arg7[%swap3A_66, %swap3A_67], %swap3A_70 {strides = array<i32>} : memref<128x128xf32, #tpu.memory_space<vmem>>, vector<1x16xf32>,
      %swap3A_71 = arith.index_cast %scan3A_40 : i32 to index
      %swap3A_72 = arith.constant 96 : index
      %swap3A_73 = tpu.vector_load %arg7[%swap3A_71, %swap3A_72] {strides = array<i32>} : memref<128x128xf32, #tpu.memory_space<vmem>>, vector<1x16xf32>,
      %swap3A_74 = vector.shape_cast %swap3A_73 : vector<1x16xf32> to vector<16xf32>
      %swap3A_75 = vector.shape_cast %broadcast_in_dim3A_1 : vector<16xf32> to vector<1x16xf32>
      tpu.vector_store %arg7[%swap3A_71, %swap3A_72], %swap3A_75 {strides = array<i32>} : memref<128x128xf32, #tpu.memory_space<vmem>>, vector<1x16xf32>,
      %swap3A_76 = arith.index_cast %scan3A_40 : i32 to index
      %swap3A_77 = arith.constant 112 : index
      %swap3A_78 = tpu.vector_load %arg7[%swap3A_76, %swap3A_77] {strides = array<i32>} : memref<128x128xf32, #tpu.memory_space<vmem>>, vector<1x16xf32>,
      %swap3A_79 = vector.shape_cast %swap3A_78 : vector<1x16xf32> to vector<16xf32>
      %swap3A_80 = vector.shape_cast %broadcast_in_dim3A_1 : vector<16xf32> to vector<1x16xf32>
      tpu.vector_store %arg7[%swap3A_76, %swap3A_77], %swap3A_80 {strides = array<i32>} : memref<128x128xf32, #tpu.memory_space<vmem>>, vector<1x16xf32>,
      %scan3A_81 = arith.constant 0 : i32
      scf.yield %scan3A_81 : i32
    }
    %scan3A_7 = arith.constant 128 : i32
    %mul3A_8 = arith.constant 640 : i32
    %mul3A_9 = arith.muli %arg1, %mul3A_8 : i32
    %scan3A_10 = arith.constant 0 : i32
    %scan3A_11 = arith.constant 0 : i32
    %scan3A_12 = arith.constant 5 : i32
    %scan3A_13 = arith.addi %scan3A_11, %scan3A_12 : i32
    %scan3A_14 = arith.constant 1 : i32
    %scan3A_15 = scf.for %scan3A_40 = %scan3A_11 to %scan3A_13 step %scan3A_14 iter_args(%scan3A_41 = %scan3A_10) -> (i32)  : i32 {
      %mul3A_42 = arith.constant 128 : i32
      %mul3A_43 = arith.muli %scan3A_40, %mul3A_42 : i32
      %add3A_44 = arith.addi %mul3A_9, %mul3A_43 : i32
      "tpu.region"() ({
        %run_scoped3A = tpu.sem_alloc : memref<!tpu.dma_semaphore, #tpu.memory_space<semaphore_mem>>
        %dma_start3A = arith.constant 0 : i32
        %dma_start3A_46 = tpu.memref_slice %arg5[%add3A_44, %dma_start3A] : memref<10240x128xf32, #tpu.memory_space<vmem_shared>> -> memref<128x128xf32, #tpu.memory_space<vmem_shared>>
        %dma_start3A_47 = arith.constant 0 : i32
        %dma_start3A_48 = tpu.memref_slice %arg5[%add3A_44, %dma_start3A_47] : memref<10240x128xf32, #tpu.memory_space<vmem_shared>> -> memref<128x128xf32, #tpu.memory_space<vmem_shared>>
        tpu.enqueue_dma source(%arg7 : memref<128x128xf32, #tpu.memory_space<vmem>>) target(%dma_start3A_48 : memref<128x128xf32, #tpu.memory_space<vmem_shared>>) target_semaphore(%run_scoped3A : memref<!tpu.dma_semaphore, #tpu.memory_space<semaphore_mem>>)
        %dma_wait3A = arith.constant 0 : i32
        %dma_wait3A_49 = tpu.memref_slice %arg5[%add3A_44, %dma_wait3A] : memref<10240x128xf32, #tpu.memory_space<vmem_shared>> -> memref<128x128xf32, #tpu.memory_space<vmem_shared>>
        %dma_wait3A_50 = arith.constant 0 : i32
        %dma_wait3A_51 = tpu.memref_slice %arg5[%add3A_44, %dma_wait3A_50] : memref<10240x128xf32, #tpu.memory_space<vmem_shared>> -> memref<128x128xf32, #tpu.memory_space<vmem_shared>>
        tpu.wait_dma2 semaphore(%run_scoped3A : memref<!tpu.dma_semaphore, #tpu.memory_space<semaphore_mem>>) src(%arg7 : memref<128x128xf32, #tpu.memory_space<vmem>>) dst(%dma_wait3A_51 : memref<128x128xf32, #tpu.memory_space<vmem_shared>>)
        tpu.yield
      }) : () -> ()
      %scan3A_45 = arith.constant 0 : i32
      scf.yield %scan3A_45 : i32
    }
    %scan3A_16 = arith.constant 5 : i32
    %barrier3A = arith.constant 0 : index
    tpu.barrier barrier_id(%barrier3A)
    %lt3A = arith.constant 4 : i32
    %lt3A_17 = arith.cmpi slt, %add3A, %lt3A : i32
    %jit3A = arith.constant 1 : i32
    %jit3A_18 = arith.constant 0 : i32
    %select_n3A = arith.select %lt3A_17, %jit3A, %jit3A_18 : i32
    %add3A_19 = arith.constant 78 : i32
    %add3A_20 = arith.addi %add3A_19, %select_n3A : i32
    %while3A = arith.constant 0 : i32
    %while3A_21 = arith.constant 0 : i32
    %while3A_22 = arith.subi %add3A_20, %while3A : i32
    %while3A_23 = arith.addi %while3A, %while3A_22 : i32
    %while3A_24 = arith.constant 1 : i32
    %while3A_25 = arith.divsi %while3A_22, %while3A_24 : i32
    %while3A_26 = arith.muli %while3A_25, %while3A_24 : i32
    %while3A_27 = arith.addi %while3A, %while3A_26 : i32
    %while3A_28 = arith.constant 1 : i32
    %while3A_29 = scf.for %while3A_40 = %while3A to %while3A_27 step %while3A_28 iter_args(%while3A_41 = %while3A_21) -> (i32)  : i32 {
      %mul3A_42 = arith.constant 32 : i32
      %mul3A_43 = arith.muli %while3A_40, %mul3A_42 : i32
      %add3A_44 = arith.addi %add3A, %mul3A_43 : i32
      %mul3A_45 = arith.constant 128 : i32
      %mul3A_46 = arith.muli %add3A_44, %mul3A_45 : i32
      "tpu.region"() ({
        %run_scoped3A = tpu.sem_alloc : memref<!tpu.dma_semaphore, #tpu.memory_space<semaphore_mem>>
        %dma_start3A = tpu.memref_slice %arg2[%mul3A_46] : memref<320000xi32, #tpu.memory_space<hbm>> -> memref<128xi32, #tpu.memory_space<hbm>>
        %dma_start3A_48 = tpu.memref_slice %arg2[%mul3A_46] : memref<320000xi32, #tpu.memory_space<hbm>> -> memref<128xi32, #tpu.memory_space<hbm>>
        tpu.enqueue_dma source(%dma_start3A_48 : memref<128xi32, #tpu.memory_space<hbm>>) target(%arg6 : memref<128xi32, #tpu.memory_space<vmem>>) target_semaphore(%run_scoped3A : memref<!tpu.dma_semaphore, #tpu.memory_space<semaphore_mem>>)
        %dma_wait3A = tpu.memref_slice %arg2[%mul3A_46] : memref<320000xi32, #tpu.memory_space<hbm>> -> memref<128xi32, #tpu.memory_space<hbm>>
        %dma_wait3A_49 = tpu.memref_slice %arg2[%mul3A_46] : memref<320000xi32, #tpu.memory_space<hbm>> -> memref<128xi32, #tpu.memory_space<hbm>>
        tpu.wait_dma2 semaphore(%run_scoped3A : memref<!tpu.dma_semaphore, #tpu.memory_space<semaphore_mem>>) src(%dma_wait3A_49 : memref<128xi32, #tpu.memory_space<hbm>>) dst(%arg6 : memref<128xi32, #tpu.memory_space<vmem>>)
        tpu.yield
      }) : () -> ()
      "tpu.region"() ({
        %run_scoped3A = tpu.sem_alloc : memref<!tpu.dma_semaphore, #tpu.memory_space<semaphore_mem>>
        %dma_start3A = arith.constant 0 : i32
        %dma_start3A_48 = tpu.memref_slice %arg3[%mul3A_46, %dma_start3A] : memref<320000x128xf32, #tpu.memory_space<hbm>> -> memref<128x128xf32, #tpu.memory_space<hbm>>
        %dma_start3A_49 = arith.constant 0 : i32
        %dma_start3A_50 = tpu.memref_slice %arg3[%mul3A_46, %dma_start3A_49] : memref<320000x128xf32, #tpu.memory_space<hbm>> -> memref<128x128xf32, #tpu.memory_space<hbm>>
        tpu.enqueue_dma source(%dma_start3A_50 : memref<128x128xf32, #tpu.memory_space<hbm>>) target(%arg7 : memref<128x128xf32, #tpu.memory_space<vmem>>) target_semaphore(%run_scoped3A : memref<!tpu.dma_semaphore, #tpu.memory_space<semaphore_mem>>)
        %dma_wait3A = arith.constant 0 : i32
        %dma_wait3A_51 = tpu.memref_slice %arg3[%mul3A_46, %dma_wait3A] : memref<320000x128xf32, #tpu.memory_space<hbm>> -> memref<128x128xf32, #tpu.memory_space<hbm>>
        %dma_wait3A_52 = arith.constant 0 : i32
        %dma_wait3A_53 = tpu.memref_slice %arg3[%mul3A_46, %dma_wait3A_52] : memref<320000x128xf32, #tpu.memory_space<hbm>> -> memref<128x128xf32, #tpu.memory_space<hbm>>
        tpu.wait_dma2 semaphore(%run_scoped3A : memref<!tpu.dma_semaphore, #tpu.memory_space<semaphore_mem>>) src(%dma_wait3A_53 : memref<128x128xf32, #tpu.memory_space<hbm>>) dst(%arg7 : memref<128x128xf32, #tpu.memory_space<vmem>>)
        tpu.yield
      }) : () -> ()
      "tpu.region"() ({
        %run_scoped3A = tpu.sem_alloc : memref<!tpu.dma_semaphore, #tpu.memory_space<semaphore_mem>>
        %dma_start3A = arith.constant 0 : i32
        %dma_start3A_48 = arith.constant 0 : i32
        %dma_start3A_49 = tpu.memref_slice %arg5[%dma_start3A, %dma_start3A_48] : memref<10240x128xf32, #tpu.memory_space<vmem_shared>> -> memref<10240x128xf32, #tpu.memory_space<vmem_shared>>
        tpu.enqueue_indirect_dma source(%arg7 : memref<128x128xf32, #tpu.memory_space<vmem>>) target(%dma_start3A_49 : memref<10240x128xf32, #tpu.memory_space<vmem_shared>>) offsets(%arg6 : memref<128xi32, #tpu.memory_space<vmem>>) semaphore(%run_scoped3A : memref<!tpu.dma_semaphore, #tpu.memory_space<semaphore_mem>>) {add = true}
        %dma_wait3A = arith.constant 0 : i32
        %dma_wait3A_50 = arith.constant 0 : i32
        %dma_wait3A_51 = tpu.memref_slice %arg5[%dma_wait3A, %dma_wait3A_50] : memref<10240x128xf32, #tpu.memory_space<vmem_shared>> -> memref<10240x128xf32, #tpu.memory_space<vmem_shared>>
        tpu.wait_indirect_dma semaphore(%run_scoped3A : memref<!tpu.dma_semaphore, #tpu.memory_space<semaphore_mem>>) src(%arg7 : memref<128x128xf32, #tpu.memory_space<vmem>>) dst(%dma_wait3A_51 : memref<10240x128xf32, #tpu.memory_space<vmem_shared>>)
        tpu.yield
      }) : () -> ()
      %while3A_47 = arith.constant 0 : i32
      scf.yield %while3A_47 : i32
    }
    %while3A_30 = arith.constant 1 : i32
    %while3A_31 = scf.for %while3A_40 = %while3A_27 to %while3A_23 step %while3A_30 iter_args(%while3A_41 = %while3A_29) -> (i32)  : i32 {
      %mul3A_42 = arith.constant 32 : i32
      %mul3A_43 = arith.muli %while3A_40, %mul3A_42 : i32
      %add3A_44 = arith.addi %add3A, %mul3A_43 : i32
      %mul3A_45 = arith.constant 128 : i32
      %mul3A_46 = arith.muli %add3A_44, %mul3A_45 : i32
      "tpu.region"() ({
        %run_scoped3A = tpu.sem_alloc : memref<!tpu.dma_semaphore, #tpu.memory_space<semaphore_mem>>
        %dma_start3A = tpu.memref_slice %arg2[%mul3A_46] : memref<320000xi32, #tpu.memory_space<hbm>> -> memref<128xi32, #tpu.memory_space<hbm>>
        %dma_start3A_48 = tpu.memref_slice %arg2[%mul3A_46] : memref<320000xi32, #tpu.memory_space<hbm>> -> memref<128xi32, #tpu.memory_space<hbm>>
        tpu.enqueue_dma source(%dma_start3A_48 : memref<128xi32, #tpu.memory_space<hbm>>) target(%arg6 : memref<128xi32, #tpu.memory_space<vmem>>) target_semaphore(%run_scoped3A : memref<!tpu.dma_semaphore, #tpu.memory_space<semaphore_mem>>)
        %dma_wait3A = tpu.memref_slice %arg2[%mul3A_46] : memref<320000xi32, #tpu.memory_space<hbm>> -> memref<128xi32, #tpu.memory_space<hbm>>
        %dma_wait3A_49 = tpu.memref_slice %arg2[%mul3A_46] : memref<320000xi32, #tpu.memory_space<hbm>> -> memref<128xi32, #tpu.memory_space<hbm>>
        tpu.wait_dma2 semaphore(%run_scoped3A : memref<!tpu.dma_semaphore, #tpu.memory_space<semaphore_mem>>) src(%dma_wait3A_49 : memref<128xi32, #tpu.memory_space<hbm>>) dst(%arg6 : memref<128xi32, #tpu.memory_space<vmem>>)
        tpu.yield
      }) : () -> ()
      "tpu.region"() ({
        %run_scoped3A = tpu.sem_alloc : memref<!tpu.dma_semaphore, #tpu.memory_space<semaphore_mem>>
        %dma_start3A = arith.constant 0 : i32
        %dma_start3A_48 = tpu.memref_slice %arg3[%mul3A_46, %dma_start3A] : memref<320000x128xf32, #tpu.memory_space<hbm>> -> memref<128x128xf32, #tpu.memory_space<hbm>>
        %dma_start3A_49 = arith.constant 0 : i32
        %dma_start3A_50 = tpu.memref_slice %arg3[%mul3A_46, %dma_start3A_49] : memref<320000x128xf32, #tpu.memory_space<hbm>> -> memref<128x128xf32, #tpu.memory_space<hbm>>
        tpu.enqueue_dma source(%dma_start3A_50 : memref<128x128xf32, #tpu.memory_space<hbm>>) target(%arg7 : memref<128x128xf32, #tpu.memory_space<vmem>>) target_semaphore(%run_scoped3A : memref<!tpu.dma_semaphore, #tpu.memory_space<semaphore_mem>>)
        %dma_wait3A = arith.constant 0 : i32
        %dma_wait3A_51 = tpu.memref_slice %arg3[%mul3A_46, %dma_wait3A] : memref<320000x128xf32, #tpu.memory_space<hbm>> -> memref<128x128xf32, #tpu.memory_space<hbm>>
        %dma_wait3A_52 = arith.constant 0 : i32
        %dma_wait3A_53 = tpu.memref_slice %arg3[%mul3A_46, %dma_wait3A_52] : memref<320000x128xf32, #tpu.memory_space<hbm>> -> memref<128x128xf32, #tpu.memory_space<hbm>>
        tpu.wait_dma2 semaphore(%run_scoped3A : memref<!tpu.dma_semaphore, #tpu.memory_space<semaphore_mem>>) src(%dma_wait3A_53 : memref<128x128xf32, #tpu.memory_space<hbm>>) dst(%arg7 : memref<128x128xf32, #tpu.memory_space<vmem>>)
        tpu.yield
      }) : () -> ()
      "tpu.region"() ({
        %run_scoped3A = tpu.sem_alloc : memref<!tpu.dma_semaphore, #tpu.memory_space<semaphore_mem>>
        %dma_start3A = arith.constant 0 : i32
        %dma_start3A_48 = arith.constant 0 : i32
        %dma_start3A_49 = tpu.memref_slice %arg5[%dma_start3A, %dma_start3A_48] : memref<10240x128xf32, #tpu.memory_space<vmem_shared>> -> memref<10240x128xf32, #tpu.memory_space<vmem_shared>>
        tpu.enqueue_indirect_dma source(%arg7 : memref<128x128xf32, #tpu.memory_space<vmem>>) target(%dma_start3A_49 : memref<10240x128xf32, #tpu.memory_space<vmem_shared>>) offsets(%arg6 : memref<128xi32, #tpu.memory_space<vmem>>) semaphore(%run_scoped3A : memref<!tpu.dma_semaphore, #tpu.memory_space<semaphore_mem>>) {add = true}
        %dma_wait3A = arith.constant 0 : i32
        %dma_wait3A_50 = arith.constant 0 : i32
        %dma_wait3A_51 = tpu.memref_slice %arg5[%dma_wait3A, %dma_wait3A_50] : memref<10240x128xf32, #tpu.memory_space<vmem_shared>> -> memref<10240x128xf32, #tpu.memory_space<vmem_shared>>
        tpu.wait_indirect_dma semaphore(%run_scoped3A : memref<!tpu.dma_semaphore, #tpu.memory_space<semaphore_mem>>) src(%arg7 : memref<128x128xf32, #tpu.memory_space<vmem>>) dst(%dma_wait3A_51 : memref<10240x128xf32, #tpu.memory_space<vmem_shared>>)
        tpu.yield
      }) : () -> ()
      %while3A_47 = arith.constant 0 : i32
      scf.yield %while3A_47 : i32
    }
    %barrier3A_32 = arith.constant 0 : index
    tpu.barrier barrier_id(%barrier3A_32)
    %scan3A_33 = arith.constant 0 : i32
    %scan3A_34 = arith.constant 0 : i32
    %scan3A_35 = arith.constant 5 : i32
    %scan3A_36 = arith.addi %scan3A_34, %scan3A_35 : i32
    %scan3A_37 = arith.constant 1 : i32
    %scan3A_38 = scf.for %scan3A_40 = %scan3A_34 to %scan3A_36 step %scan3A_37 iter_args(%scan3A_41 = %scan3A_33) -> (i32)  : i32 {
      %mul3A_42 = arith.constant 128 : i32
      %mul3A_43 = arith.muli %scan3A_40, %mul3A_42 : i32
      %add3A_44 = arith.addi %mul3A_9, %mul3A_43 : i32
      "tpu.region"() ({
        %run_scoped3A = tpu.sem_alloc : memref<!tpu.dma_semaphore, #tpu.memory_space<semaphore_mem>>
        %dma_start3A = arith.constant 0 : i32
        %dma_start3A_46 = tpu.memref_slice %arg4[%arg0, %add3A_44, %dma_start3A] : memref<2x10240x128xf32, #tpu.memory_space<hbm>> -> memref<1x128x128xf32, #tpu.memory_space<hbm>>
        %dma_start3A_47 = tpu.memref_squeeze %dma_start3A_46 : memref<1x128x128xf32, #tpu.memory_space<hbm>> -> memref<128x128xf32, #tpu.memory_space<hbm>>
        %dma_start3A_48 = arith.constant 0 : i32
        %dma_start3A_49 = tpu.memref_slice %arg5[%add3A_44, %dma_start3A_48] : memref<10240x128xf32, #tpu.memory_space<vmem_shared>> -> memref<128x128xf32, #tpu.memory_space<vmem_shared>>
        tpu.enqueue_dma source(%dma_start3A_49 : memref<128x128xf32, #tpu.memory_space<vmem_shared>>) target(%dma_start3A_47 : memref<128x128xf32, #tpu.memory_space<hbm>>) target_semaphore(%run_scoped3A : memref<!tpu.dma_semaphore, #tpu.memory_space<semaphore_mem>>)
        %dma_wait3A = arith.constant 0 : i32
        %dma_wait3A_50 = tpu.memref_slice %arg4[%arg0, %add3A_44, %dma_wait3A] : memref<2x10240x128xf32, #tpu.memory_space<hbm>> -> memref<1x128x128xf32, #tpu.memory_space<hbm>>
        %dma_wait3A_51 = tpu.memref_squeeze %dma_wait3A_50 : memref<1x128x128xf32, #tpu.memory_space<hbm>> -> memref<128x128xf32, #tpu.memory_space<hbm>>
        %dma_wait3A_52 = arith.constant 0 : i32
        %dma_wait3A_53 = tpu.memref_slice %arg5[%add3A_44, %dma_wait3A_52] : memref<10240x128xf32, #tpu.memory_space<vmem_shared>> -> memref<128x128xf32, #tpu.memory_space<vmem_shared>>
        tpu.wait_dma2 semaphore(%run_scoped3A : memref<!tpu.dma_semaphore, #tpu.memory_space<semaphore_mem>>) src(%dma_wait3A_53 : memref<128x128xf32, #tpu.memory_space<vmem_shared>>) dst(%dma_wait3A_51 : memref<128x128xf32, #tpu.memory_space<hbm>>)
        tpu.yield
      }) : () -> ()
      %scan3A_45 = arith.constant 0 : i32
      scf.yield %scan3A_45 : i32
    }
    %scan3A_39 = arith.constant 5 : i32
    return
  }
}

module attributes {stable_mosaic.version = 14 : i64} {
  func.func @_tc_powe_body(%arg0: i32, %arg1: memref<4000x1xf32, #tpu.memory_space<vmem>>, %arg2: memref<4000x16xf32, #tpu.memory_space<vmem>>, %arg3: memref<4000x128xf32, #tpu.memory_space<vmem>>) attributes {dimension_semantics = [#tpu.dimension_semantics<arbitrary>], iteration_bounds = array<i64: 80>, scalar_prefetch = 0 : i64, scratch_operands = 0 : i64, tpu.core_type = #tpu.core_type<tc>, window_params = [{transform_indices = @transform_0, window_bounds = array<i64: 4000, 1>}, {transform_indices = @transform_1, window_bounds = array<i64: 4000, 16>}, {transform_indices = @transform_2, window_bounds = array<i64: 4000, 128>}]} {
    %get3A = arith.constant 0 : index
    %get3A_0 = arith.constant 0 : index
    %get3A_1 = vector.load %arg1[%get3A, %get3A_0] : memref<4000x1xf32, #tpu.memory_space<vmem>>, vector<4000x1xf32>
    %broadcast_in_dim3A = arith.constant 1.000000e+00 : f32
    %broadcast_in_dim3A_2 = vector.broadcast %broadcast_in_dim3A : f32 to vector<4000x16xf32>
    %mul3A = vector.broadcast %get3A_1 : vector<4000x1xf32> to vector<4000x16xf32>
    %mul3A_3 = arith.mulf %mul3A, %broadcast_in_dim3A_2 : vector<4000x16xf32>
    %mul3A_4 = arith.mulf %mul3A_3, %mul3A_3 : vector<4000x16xf32>
    %mul3A_5 = arith.mulf %mul3A_4, %mul3A_4 : vector<4000x16xf32>
    %mul3A_6 = arith.mulf %mul3A_5, %mul3A_5 : vector<4000x16xf32>
    %iota3A = tpu.iota {dimensions = array<i32: 1>} : vector<4000x16xi32>
    %and3A = arith.constant 1 : i32
    %and3A_7 = vector.broadcast %and3A : i32 to vector<4000x16xi32>
    %and3A_8 = arith.andi %iota3A, %and3A_7 : vector<4000x16xi32>
    %gt3A = arith.constant 0 : i32
    %gt3A_9 = vector.broadcast %gt3A : i32 to vector<4000x16xi32>
    %gt3A_10 = arith.cmpi sgt, %and3A_8, %gt3A_9 : vector<4000x16xi32>
    %select_n3A = arith.select %gt3A_10, %mul3A_3, %broadcast_in_dim3A_2 : vector<4000x16xi1>, vector<4000x16xf32>
    %and3A_11 = arith.constant 2 : i32
    %and3A_12 = vector.broadcast %and3A_11 : i32 to vector<4000x16xi32>
    %and3A_13 = arith.andi %iota3A, %and3A_12 : vector<4000x16xi32>
    %gt3A_14 = arith.constant 0 : i32
    %gt3A_15 = vector.broadcast %gt3A_14 : i32 to vector<4000x16xi32>
    %gt3A_16 = arith.cmpi sgt, %and3A_13, %gt3A_15 : vector<4000x16xi32>
    %select_n3A_17 = arith.select %gt3A_16, %mul3A_4, %broadcast_in_dim3A_2 : vector<4000x16xi1>, vector<4000x16xf32>
    %mul3A_18 = arith.mulf %select_n3A, %select_n3A_17 : vector<4000x16xf32>
    %and3A_19 = arith.constant 4 : i32
    %and3A_20 = vector.broadcast %and3A_19 : i32 to vector<4000x16xi32>
    %and3A_21 = arith.andi %iota3A, %and3A_20 : vector<4000x16xi32>
    %gt3A_22 = arith.constant 0 : i32
    %gt3A_23 = vector.broadcast %gt3A_22 : i32 to vector<4000x16xi32>
    %gt3A_24 = arith.cmpi sgt, %and3A_21, %gt3A_23 : vector<4000x16xi32>
    %select_n3A_25 = arith.select %gt3A_24, %mul3A_5, %broadcast_in_dim3A_2 : vector<4000x16xi1>, vector<4000x16xf32>
    %mul3A_26 = arith.mulf %mul3A_18, %select_n3A_25 : vector<4000x16xf32>
    %and3A_27 = arith.constant 8 : i32
    %and3A_28 = vector.broadcast %and3A_27 : i32 to vector<4000x16xi32>
    %and3A_29 = arith.andi %iota3A, %and3A_28 : vector<4000x16xi32>
    %gt3A_30 = arith.constant 0 : i32
    %gt3A_31 = vector.broadcast %gt3A_30 : i32 to vector<4000x16xi32>
    %gt3A_32 = arith.cmpi sgt, %and3A_29, %gt3A_31 : vector<4000x16xi32>
    %select_n3A_33 = arith.select %gt3A_32, %mul3A_6, %broadcast_in_dim3A_2 : vector<4000x16xi1>, vector<4000x16xf32>
    %mul3A_34 = arith.mulf %mul3A_26, %select_n3A_33 : vector<4000x16xf32>
    %get3A_35 = arith.constant 0 : index
    %get3A_36 = arith.constant 0 : index
    %get3A_37 = vector.load %arg2[%get3A_35, %get3A_36] : memref<4000x16xf32, #tpu.memory_space<vmem>>, vector<4000x16xf32>
    %broadcast_in_dim3A_38 = arith.constant 0.000000e+00 : f32
    %broadcast_in_dim3A_39 = vector.broadcast %broadcast_in_dim3A_38 : f32 to vector<4000x96xf32>
    %concatenate3A = tpu.concatenate %mul3A_34, %get3A_37, %broadcast_in_dim3A_39 in 1 : vector<4000x16xf32>, vector<4000x16xf32>, vector<4000x96xf32> -> vector<4000x128xf32>
    %swap3A = arith.constant 0 : index
    %swap3A_40 = arith.constant 0 : index
    %swap3A_41 = vector.load %arg3[%swap3A, %swap3A_40] : memref<4000x128xf32, #tpu.memory_space<vmem>>, vector<4000x128xf32>
    tpu.vector_store %arg3[%swap3A, %swap3A_40], %concatenate3A {strides = array<i32>} : memref<4000x128xf32, #tpu.memory_space<vmem>>, vector<4000x128xf32>,
    return
  }
  func.func @transform_0(%arg0: i32) -> (i32, i32) {
    %c0_i32 = arith.constant 0 : i32
    %c0_i32_0 = arith.constant 0 : i32
    return %arg0, %c0_i32 : i32, i32
  }
  func.func @transform_1(%arg0: i32) -> (i32, i32) {
    %c0_i32 = arith.constant 0 : i32
    %c0_i32_0 = arith.constant 0 : i32
    return %arg0, %c0_i32 : i32, i32
  }
  func.func @transform_2(%arg0: i32) -> (i32, i32) {
    %c0_i32 = arith.constant 0 : i32
    %c0_i32_0 = arith.constant 0 : i32
    return %arg0, %c0_i32 : i32, i32
  }
}

module attributes {stable_mosaic.version = 14 : i64} {
  func.func @_tc_update_body(%arg0: i32, %arg1: memref<2x1000x128xf32, #tpu.memory_space<vmem>>, %arg2: memref<2x1000x128xf32, #tpu.memory_space<vmem>>, %arg3: memref<1000x128xf32, #tpu.memory_space<vmem>>, %arg4: memref<1x128xf32, #tpu.memory_space<vmem>>, %arg5: memref<1x128xf32, #tpu.memory_space<vmem>>, %arg6: memref<1x16xf32, #tpu.memory_space<vmem>>, %arg7: memref<384x400xf32, #tpu.memory_space<vmem>>, %arg8: memref<384x128xf32, #tpu.memory_space<vmem>>, %arg9: memref<1x384xf32, #tpu.memory_space<vmem>>, %arg10: memref<1x384xf32, #tpu.memory_space<vmem>>, %arg11: memref<1000x128xf32, #tpu.memory_space<vmem>>) attributes {dimension_semantics = [#tpu.dimension_semantics<arbitrary>], iteration_bounds = array<i64: 10>, scalar_prefetch = 0 : i64, scratch_operands = 0 : i64, tpu.core_type = #tpu.core_type<tc>, window_params = [{transform_indices = @transform_0, window_bounds = array<i64: 2, 1000, 128>}, {transform_indices = @transform_1, window_bounds = array<i64: 2, 1000, 128>}, {transform_indices = @transform_2, window_bounds = array<i64: 1000, 128>}, {pipeline_mode = #tpu.pipeline_mode<synchronous>, transform_indices = @transform_3, window_bounds = array<i64: 1, 128>}, {pipeline_mode = #tpu.pipeline_mode<synchronous>, transform_indices = @transform_4, window_bounds = array<i64: 1, 128>}, {pipeline_mode = #tpu.pipeline_mode<synchronous>, transform_indices = @transform_5, window_bounds = array<i64: 1, 16>}, {pipeline_mode = #tpu.pipeline_mode<synchronous>, transform_indices = @transform_6, window_bounds = array<i64: 384, 400>}, {pipeline_mode = #tpu.pipeline_mode<synchronous>, transform_indices = @transform_7, window_bounds = array<i64: 384, 128>}, {pipeline_mode = #tpu.pipeline_mode<synchronous>, transform_indices = @transform_8, window_bounds = array<i64: 1, 384>}, {pipeline_mode = #tpu.pipeline_mode<synchronous>, transform_indices = @transform_9, window_bounds = array<i64: 1, 384>}, {transform_indices = @transform_10, window_bounds = array<i64: 1000, 128>}]} {
    %get3A = arith.constant 0 : index
    %get3A_0 = arith.constant 0 : index
    %get3A_1 = arith.constant 0 : index
    %get3A_2 = vector.load %arg2[%get3A, %get3A_0, %get3A_1] : memref<2x1000x128xf32, #tpu.memory_space<vmem>>, vector<1x1000x128xf32>
    %get3A_3 = vector.shape_cast %get3A_2 : vector<1x1000x128xf32> to vector<1000x128xf32>
    %get3A_4 = arith.constant 1 : index
    %get3A_5 = arith.constant 0 : index
    %get3A_6 = arith.constant 0 : index
    %get3A_7 = vector.load %arg2[%get3A_4, %get3A_5, %get3A_6] : memref<2x1000x128xf32, #tpu.memory_space<vmem>>, vector<1x1000x128xf32>
    %get3A_8 = vector.shape_cast %get3A_7 : vector<1x1000x128xf32> to vector<1000x128xf32>
    %add3A = arith.addf %get3A_3, %get3A_8 : vector<1000x128xf32>
    %slice3A = vector.extract_strided_slice %add3A {offsets = [0, 0], sizes = [1000, 16], strides = [1, 1]} : vector<1000x128xf32> to vector<1000x16xf32>
    %slice3A_9 = vector.extract_strided_slice %slice3A {offsets = [0, 0], sizes = [1000, 1], strides = [1, 1]} : vector<1000x16xf32> to vector<1000x1xf32>
    %max3A = arith.constant 1.000000e+00 : f32
    %max3A_10 = vector.broadcast %max3A : f32 to vector<1000x1xf32>
    %max3A_11 = arith.maximumf %slice3A_9, %max3A_10 : vector<1000x1xf32>
    %div3A = arith.constant 1.000000e+00 : f32
    %div3A_12 = vector.broadcast %div3A : f32 to vector<1000x1xf32>
    %div3A_13 = arith.divf %div3A_12, %max3A_11 : vector<1000x1xf32>
    %gt3A = arith.constant 0.000000e+00 : f32
    %gt3A_14 = vector.broadcast %gt3A : f32 to vector<1000x1xf32>
    %gt3A_15 = arith.cmpf ogt, %slice3A_9, %gt3A_14 : vector<1000x1xf32>
    %convert_element_type3A = arith.extui %gt3A_15 : vector<1000x1xi1> to vector<1000x1xi32>
    %convert_element_type3A_16 = arith.sitofp %convert_element_type3A : vector<1000x1xi32> to vector<1000x1xf32>
    %get3A_17 = arith.constant 0 : index
    %get3A_18 = arith.constant 0 : index
    %get3A_19 = arith.constant 0 : index
    %get3A_20 = vector.load %arg1[%get3A_17, %get3A_18, %get3A_19] : memref<2x1000x128xf32, #tpu.memory_space<vmem>>, vector<1x1000x128xf32>
    %get3A_21 = vector.shape_cast %get3A_20 : vector<1x1000x128xf32> to vector<1000x128xf32>
    %get3A_22 = arith.constant 1 : index
    %get3A_23 = arith.constant 0 : index
    %get3A_24 = arith.constant 0 : index
    %get3A_25 = vector.load %arg1[%get3A_22, %get3A_23, %get3A_24] : memref<2x1000x128xf32, #tpu.memory_space<vmem>>, vector<1x1000x128xf32>
    %get3A_26 = vector.shape_cast %get3A_25 : vector<1x1000x128xf32> to vector<1000x128xf32>
    %add3A_27 = arith.addf %get3A_21, %get3A_26 : vector<1000x128xf32>
    %mul3A = vector.broadcast %div3A_13 : vector<1000x1xf32> to vector<1000x128xf32>
    %mul3A_28 = arith.mulf %add3A_27, %mul3A : vector<1000x128xf32>
    %slice3A_29 = vector.extract_strided_slice %add3A {offsets = [0, 16], sizes = [1000, 16], strides = [1, 1]} : vector<1000x128xf32> to vector<1000x16xf32>
    %mul3A_30 = vector.broadcast %div3A_13 : vector<1000x1xf32> to vector<1000x16xf32>
    %mul3A_31 = arith.mulf %slice3A_29, %mul3A_30 : vector<1000x16xf32>
    %get3A_32 = arith.constant 0 : index
    %get3A_33 = arith.constant 0 : index
    %get3A_34 = vector.load %arg4[%get3A_32, %get3A_33] : memref<1x128xf32, #tpu.memory_space<vmem>>, vector<1x128xf32>
    %get3A_35 = vector.shape_cast %get3A_34 : vector<1x128xf32> to vector<128xf32>
    %get3A_36 = arith.constant 0 : index
    %get3A_37 = arith.constant 0 : index
    %get3A_38 = vector.load %arg5[%get3A_36, %get3A_37] : memref<1x128xf32, #tpu.memory_space<vmem>>, vector<1x128xf32>
    %get3A_39 = vector.shape_cast %get3A_38 : vector<1x128xf32> to vector<128xf32>
    %iota3A = tpu.iota {dimensions = array<i32: 0>} : vector<16x1xi32>
    %convert_element_type3A_40 = arith.sitofp %iota3A : vector<16x1xi32> to vector<16x1xf32>
    %log3A = math.log %get3A_35 : vector<128xf32>
    %broadcast_in_dim3A = vector.shape_cast %log3A : vector<128xf32> to vector<1x128xf32>
    %mul3A_41 = vector.broadcast %convert_element_type3A_40 : vector<16x1xf32> to vector<16x128xf32>
    %mul3A_42 = vector.broadcast %broadcast_in_dim3A : vector<1x128xf32> to vector<16x128xf32>
    %mul3A_43 = arith.mulf %mul3A_41, %mul3A_42 : vector<16x128xf32>
    %exp3A = math.exp %mul3A_43 : vector<16x128xf32>
    %broadcast_in_dim3A_44 = vector.shape_cast %get3A_39 : vector<128xf32> to vector<1x128xf32>
    %mul3A_45 = arith.constant 1.57079637 : f32
    %mul3A_46 = vector.broadcast %mul3A_45 : f32 to vector<16x1xf32>
    %mul3A_47 = arith.mulf %convert_element_type3A_40, %mul3A_46 : vector<16x1xf32>
    %add3A_48 = vector.broadcast %broadcast_in_dim3A_44 : vector<1x128xf32> to vector<16x128xf32>
    %add3A_49 = vector.broadcast %mul3A_47 : vector<16x1xf32> to vector<16x128xf32>
    %add3A_50 = arith.addf %add3A_48, %add3A_49 : vector<16x128xf32>
    %cos3A = math.cos %add3A_50 : vector<16x128xf32>
    %mul3A_51 = arith.mulf %cos3A, %exp3A : vector<16x128xf32>
    %get3A_52 = arith.constant 0 : index
    %get3A_53 = arith.constant 0 : index
    %get3A_54 = vector.load %arg6[%get3A_52, %get3A_53] : memref<1x16xf32, #tpu.memory_space<vmem>>, vector<1x16xf32>
    %get3A_55 = vector.shape_cast %get3A_54 : vector<1x16xf32> to vector<16xf32>
    %broadcast_in_dim3A_56 = vector.shape_cast %get3A_55 : vector<16xf32> to vector<16x1xf32>
    %mul3A_57 = vector.broadcast %broadcast_in_dim3A_56 : vector<16x1xf32> to vector<16x128xf32>
    %mul3A_58 = arith.mulf %mul3A_51, %mul3A_57 : vector<16x128xf32>
    %dot_general3A = arith.constant dense<0.000000e+00> : vector<1000x128xf32>
    %dot_general3A_59 = tpu.matmul %slice3A, %mul3A_58, %dot_general3A {dimension_numbers = #tpu.dot_dimension_numbers<[1], [0], [0], [1], [0, 0, 1, 1], [], []>, transpose_lhs_hint = false} : vector<1000x16xf32>, vector<16x128xf32>, vector<1000x128xf32> -> vector<1000x128xf32>
    %mul3A_60 = vector.broadcast %div3A_13 : vector<1000x1xf32> to vector<1000x128xf32>
    %mul3A_61 = arith.mulf %dot_general3A_59, %mul3A_60 : vector<1000x128xf32>
    %get3A_62 = arith.constant 0 : index
    %get3A_63 = arith.constant 0 : index
    %get3A_64 = vector.load %arg3[%get3A_62, %get3A_63] : memref<1000x128xf32, #tpu.memory_space<vmem>>, vector<1000x128xf32>
    %mul3A_65 = vector.broadcast %convert_element_type3A_16 : vector<1000x1xf32> to vector<1000x128xf32>
    %mul3A_66 = arith.mulf %get3A_64, %mul3A_65 : vector<1000x128xf32>
    %concatenate3A = tpu.concatenate %mul3A_28, %mul3A_66, %mul3A_61, %mul3A_31 in 1 : vector<1000x128xf32>, vector<1000x128xf32>, vector<1000x128xf32>, vector<1000x16xf32> -> vector<1000x400xf32>
    %get3A_67 = arith.constant 0 : index
    %get3A_68 = arith.constant 0 : index
    %get3A_69 = vector.load %arg7[%get3A_67, %get3A_68] : memref<384x400xf32, #tpu.memory_space<vmem>>, vector<384x400xf32>
    %dot_general3A_70 = arith.constant dense<0.000000e+00> : vector<1000x384xf32>
    %dot_general3A_71 = tpu.matmul %concatenate3A, %get3A_69, %dot_general3A_70 {dimension_numbers = #tpu.dot_dimension_numbers<[1], [1], [0], [0], [0, 0, 1, 0], [], []>, transpose_lhs_hint = false} : vector<1000x400xf32>, vector<384x400xf32>, vector<1000x384xf32> -> vector<1000x384xf32>
    %get3A_72 = arith.constant 0 : index
    %get3A_73 = arith.constant 0 : index
    %get3A_74 = vector.load %arg9[%get3A_72, %get3A_73] : memref<1x384xf32, #tpu.memory_space<vmem>>, vector<1x384xf32>
    %get3A_75 = vector.shape_cast %get3A_74 : vector<1x384xf32> to vector<384xf32>
    %broadcast_in_dim3A_76 = vector.shape_cast %get3A_75 : vector<384xf32> to vector<1x384xf32>
    %add3A_77 = vector.broadcast %broadcast_in_dim3A_76 : vector<1x384xf32> to vector<1000x384xf32>
    %add3A_78 = arith.addf %dot_general3A_71, %add3A_77 : vector<1000x384xf32>
    %get3A_79 = arith.constant 0 : index
    %get3A_80 = arith.constant 0 : index
    %get3A_81 = vector.load %arg8[%get3A_79, %get3A_80] : memref<384x128xf32, #tpu.memory_space<vmem>>, vector<384x128xf32>
    %dot_general3A_82 = arith.constant dense<0.000000e+00> : vector<1000x384xf32>
    %dot_general3A_83 = tpu.matmul %get3A_64, %get3A_81, %dot_general3A_82 {dimension_numbers = #tpu.dot_dimension_numbers<[1], [1], [0], [0], [0, 0, 1, 0], [], []>, transpose_lhs_hint = false} : vector<1000x128xf32>, vector<384x128xf32>, vector<1000x384xf32> -> vector<1000x384xf32>
    %get3A_84 = arith.constant 0 : index
    %get3A_85 = arith.constant 0 : index
    %get3A_86 = vector.load %arg10[%get3A_84, %get3A_85] : memref<1x384xf32, #tpu.memory_space<vmem>>, vector<1x384xf32>
    %get3A_87 = vector.shape_cast %get3A_86 : vector<1x384xf32> to vector<384xf32>
    %broadcast_in_dim3A_88 = vector.shape_cast %get3A_87 : vector<384xf32> to vector<1x384xf32>
    %add3A_89 = vector.broadcast %broadcast_in_dim3A_88 : vector<1x384xf32> to vector<1000x384xf32>
    %add3A_90 = arith.addf %dot_general3A_83, %add3A_89 : vector<1000x384xf32>
    %slice3A_91 = vector.extract_strided_slice %add3A_78 {offsets = [0, 0], sizes = [1000, 128], strides = [1, 1]} : vector<1000x384xf32> to vector<1000x128xf32>
    %slice3A_92 = vector.extract_strided_slice %add3A_90 {offsets = [0, 0], sizes = [1000, 128], strides = [1, 1]} : vector<1000x384xf32> to vector<1000x128xf32>
    %add3A_93 = arith.addf %slice3A_91, %slice3A_92 : vector<1000x128xf32>
    %logistic3A = arith.negf %add3A_93 : vector<1000x128xf32>
    %logistic3A_94 = math.exp %logistic3A : vector<1000x128xf32>
    %logistic3A_95 = arith.constant 1.000000e+00 : f32
    %logistic3A_96 = vector.broadcast %logistic3A_95 : f32 to vector<1000x128xf32>
    %logistic3A_97 = arith.addf %logistic3A_96, %logistic3A_94 : vector<1000x128xf32>
    %logistic3A_98 = arith.divf %logistic3A_96, %logistic3A_97 : vector<1000x128xf32>
    %slice3A_99 = vector.extract_strided_slice %add3A_78 {offsets = [0, 128], sizes = [1000, 128], strides = [1, 1]} : vector<1000x384xf32> to vector<1000x128xf32>
    %slice3A_100 = vector.extract_strided_slice %add3A_90 {offsets = [0, 128], sizes = [1000, 128], strides = [1, 1]} : vector<1000x384xf32> to vector<1000x128xf32>
    %add3A_101 = arith.addf %slice3A_99, %slice3A_100 : vector<1000x128xf32>
    %logistic3A_102 = arith.negf %add3A_101 : vector<1000x128xf32>
    %logistic3A_103 = math.exp %logistic3A_102 : vector<1000x128xf32>
    %logistic3A_104 = arith.constant 1.000000e+00 : f32
    %logistic3A_105 = vector.broadcast %logistic3A_104 : f32 to vector<1000x128xf32>
    %logistic3A_106 = arith.addf %logistic3A_105, %logistic3A_103 : vector<1000x128xf32>
    %logistic3A_107 = arith.divf %logistic3A_105, %logistic3A_106 : vector<1000x128xf32>
    %slice3A_108 = vector.extract_strided_slice %add3A_78 {offsets = [0, 256], sizes = [1000, 128], strides = [1, 1]} : vector<1000x384xf32> to vector<1000x128xf32>
    %slice3A_109 = vector.extract_strided_slice %add3A_90 {offsets = [0, 256], sizes = [1000, 128], strides = [1, 1]} : vector<1000x384xf32> to vector<1000x128xf32>
    %mul3A_110 = arith.mulf %logistic3A_98, %slice3A_109 : vector<1000x128xf32>
    %add3A_111 = arith.addf %slice3A_108, %mul3A_110 : vector<1000x128xf32>
    %tanh3A = math.tanh %add3A_111 : vector<1000x128xf32>
    %sub3A = arith.constant 1.000000e+00 : f32
    %sub3A_112 = vector.broadcast %sub3A : f32 to vector<1000x128xf32>
    %sub3A_113 = arith.subf %sub3A_112, %logistic3A_107 : vector<1000x128xf32>
    %mul3A_114 = arith.mulf %sub3A_113, %tanh3A : vector<1000x128xf32>
    %mul3A_115 = arith.mulf %logistic3A_107, %get3A_64 : vector<1000x128xf32>
    %add3A_116 = arith.addf %mul3A_114, %mul3A_115 : vector<1000x128xf32>
    %swap3A = arith.constant 0 : index
    %swap3A_117 = arith.constant 0 : index
    %swap3A_118 = vector.load %arg11[%swap3A, %swap3A_117] : memref<1000x128xf32, #tpu.memory_space<vmem>>, vector<1000x128xf32>
    tpu.vector_store %arg11[%swap3A, %swap3A_117], %add3A_116 {strides = array<i32>} : memref<1000x128xf32, #tpu.memory_space<vmem>>, vector<1000x128xf32>,
    return
  }
  func.func @transform_0(%arg0: i32) -> (i32, i32, i32) {
    %c0_i32 = arith.constant 0 : i32
    %c0_i32_0 = arith.constant 0 : i32
    %c0_i32_1 = arith.constant 0 : i32
    return %c0_i32, %arg0, %c0_i32_0 : i32, i32, i32
  }
  func.func @transform_1(%arg0: i32) -> (i32, i32, i32) {
    %c0_i32 = arith.constant 0 : i32
    %c0_i32_0 = arith.constant 0 : i32
    %c0_i32_1 = arith.constant 0 : i32
    return %c0_i32, %arg0, %c0_i32_0 : i32, i32, i32
  }
  func.func @transform_2(%arg0: i32) -> (i32, i32) {
    %c0_i32 = arith.constant 0 : i32
    %c0_i32_0 = arith.constant 0 : i32
    return %arg0, %c0_i32 : i32, i32
  }
  func.func @transform_3(%arg0: i32) -> (i32, i32) {
    %c0_i32 = arith.constant 0 : i32
    %c0_i32_0 = arith.constant 0 : i32
    %c0_i32_1 = arith.constant 0 : i32
    return %c0_i32, %c0_i32_0 : i32, i32
  }
  func.func @transform_4(%arg0: i32) -> (i32, i32) {
    %c0_i32 = arith.constant 0 : i32
    %c0_i32_0 = arith.constant 0 : i32
    %c0_i32_1 = arith.constant 0 : i32
    return %c0_i32, %c0_i32_0 : i32, i32
  }
  func.func @transform_5(%arg0: i32) -> (i32, i32) {
    %c0_i32 = arith.constant 0 : i32
    %c0_i32_0 = arith.constant 0 : i32
    %c0_i32_1 = arith.constant 0 : i32
    return %c0_i32, %c0_i32_0 : i32, i32
  }
  func.func @transform_6(%arg0: i32) -> (i32, i32) {
    %c0_i32 = arith.constant 0 : i32
    %c0_i32_0 = arith.constant 0 : i32
    %c0_i32_1 = arith.constant 0 : i32
    return %c0_i32, %c0_i32_0 : i32, i32
  }
  func.func @transform_7(%arg0: i32) -> (i32, i32) {
    %c0_i32 = arith.constant 0 : i32
    %c0_i32_0 = arith.constant 0 : i32
    %c0_i32_1 = arith.constant 0 : i32
    return %c0_i32, %c0_i32_0 : i32, i32
  }
  func.func @transform_8(%arg0: i32) -> (i32, i32) {
    %c0_i32 = arith.constant 0 : i32
    %c0_i32_0 = arith.constant 0 : i32
    %c0_i32_1 = arith.constant 0 : i32
    return %c0_i32, %c0_i32_0 : i32, i32
  }
  func.func @transform_9(%arg0: i32) -> (i32, i32) {
    %c0_i32 = arith.constant 0 : i32
    %c0_i32_0 = arith.constant 0 : i32
    %c0_i32_1 = arith.constant 0 : i32
    return %c0_i32, %c0_i32_0 : i32, i32
  }
  func.func @transform_10(%arg0: i32) -> (i32, i32) {
    %c0_i32 = arith.constant 0 : i32
    %c0_i32_0 = arith.constant 0 : i32
    return %arg0, %c0_i32 : i32, i32
  }
}

</mosaic_0001>

<sc_bundles>
// kernel: kernel.10.cloned.1.call-start
scs
__scs_entry_jumppad:
0x0: {  	(pc) =	sbr.rel $0x88, $3  }
0x1: {  	(tag) =	ssettag $0x0;
	lr =	simm.s32 $0x1  }
0x2: {  	[smem:$0x3F8F] =	sst lr;
	_ =	strace $0xD0000000  }
0x3: {  	_ = 	snop  }
0x4: {  	_ = 	snop  }
0x5: {  	_ = 	snop  }
0x6: {  	_ = 	snop  }
0x7: {  	_ = 	snop  }
__scs_overlays_trampoline_lowered:
0x8: {  	[smem:$0x3F9E] =	sst s0  }
0x9: {  	[smem:$0x3F9F] =	sst s1  }
0xa: {  	[smem:$0x3FA0] =	sst s2  }
0xb: {  	[smem:$0x3FA1] =	sst s3  }
0xc: {  	[smem:$0x3FA2] =	sst s4  }
0xd: {  	[smem:$0x3FA3] =	sst s5  }
0xe: {  	[smem:$0x3FA4] =	sst s6  }
0xf: {  	[smem:$0x3FA5] =	sst s7  }
0x10: {  	[smem:$0x3FA6] =	sst s8  }
0x11: {  	[smem:$0x3FA7] =	sst s9;
	s0 =	simm.s32 @!p0 $0x0  }
0x12: {  	s1 =	sld [smem:$0x3F8D];
	s0 =	simm.s32 @p0 $0x1  }
0x13: {  	[smem:$0x3FA8] =	sst s0;
	s0 =	simm.s32 @!p1 $0x0  }
0x14: {  	s2 =	sld [smem:$0x3F8C];
	s0 =	simm.s32 @p1 $0x1  }
0x15: {  	[smem:$0x3FA9] =	sst s0;
	s0 =	simm.s32 @!p2 $0x0  }
0x16: {  	s3 =	sld [smem:$0x3FDB];
	s0 =	simm.s32 @p2 $0x1  }
0x17: {  	s4 =	simm.s32 $0x1BF5;
	[smem:$0x3FAB] =	sst s0  }
0x18: {  	s0 =	sld [smem:$0x3F8E];
	_ =	swait.ge [sflag:s4], $0x0  }
0x19: {  	s7 =	sld [smem:$0x3F8F]  }
0x1a: {  	s8 =	sadd.s32 $0xFFFFE003, lr  }
0x1b: {  	s9 =	sadd.s32 $0xFFFFFEF7, lr;
	s5 =	simm.s32 $0xFFFFFFFF;
	p2 =	slt.u32 s8, $0xFFFFF086  }
0x1c: {  	p1 =	slt.u32 s9, $0xF7A;
	s5 =	simm.s32 @!p2 $0x0  }
0x1d: {  	s5 =	simm.s32 @p1 $0x1;
	p0 =	seq.s32 s7, s2  }
0x1e: {  	s7 =	smul.u32 @!p0 $0xF7A, s2;
	p2 =	seq.s32 @!p0 s5, $0x0  }
0x1f: {  	s9 =	smul.u32 $0xF7A, s1;
	s8 =	simm.s32 @!p0 $0x1BF5;
	p2 =	por !p2, p0  }
0x20: {  	[sflag:s8] =	ssyncset.s32 @!p0 $0xFFFFF086;
	s6 =	sadd.s32 @!p0 s3, s7;
	s7 =	simm.s32 @!p0 $0x108  }
0x21: {  	s3 =	sadd.s32 s3, s9;
	s6 =	sadd.s32 @!p0 $0x88, s6;
	s7 =	simm.s32 @p2 $0x1082  }
0x22: {  	[simem:s7], [sflag:s8] =	dma.local @!p0 [hbm:s6], $0xF7A  }
0x23: {  	s9 =	sor.u32 $0xD0000000, s2;
	s6 =	simm.s32 $0x108;
	_ =	swait.ge @!p0 [sflag:s8], $0x0  }
0x24: {  	s3 =	sadd.s32 $0x88, s3;
	s6 =	simm.s32 @!p1 $0x1082;
	[sflag:s4] =	ssyncset.s32 $0xFFFFF086  }
0x25: {  	[simem:s6], [sflag:s4] =	dma.local [hbm:s3], $0xF7A  }
0x26: {  	[smem:$0x3F8F] =	sst s1;
	(tag) =	ssettag s2;
	_ =	strace s9  }
0x27: {  	s1 =	sld [smem:$0x3F9F]  }
0x28: {  	s2 =	sld [smem:$0x3FA0]  }
0x29: {  	s4 =	sld [smem:$0x3FA2]  }
0x2a: {  	p0 =	seq.s32 s5, $0x0;
	s5 =	sld [smem:$0x3FA3]  }
0x2b: {  	s6 =	sld [smem:$0x3FA4]  }
0x2c: {  	s7 =	sld [smem:$0x3FA5]  }
0x2d: {  	s3 =	simm.s32 $0x108;
	s8 =	sld [smem:$0x3FA6]  }
0x2e: {  	s3 =	simm.s32 @!p0 $0x1082;
	s9 =	sld [smem:$0x3FA7]  }
0x2f: {  	lr =	sadd.s32 s0, s3;
	s0 =	sld [smem:$0x3F9E]  }
0x30: {  	s3 =	sld [smem:$0x3FA1]  }
0x31: {  	[smem:$0x3FAA] =	sst s10  }
0x32: {  	s10 =	sld [smem:$0x3FA8];
	_ =	sdelay $0x3  }
0x33: {  	p0 =	seq.s32 s10, $0x1;
	s10 =	sld [smem:$0x3FAA];
	_ =	sdelay $0x3  }
0x34: {  	[smem:$0x3FAA] =	sst s10  }
0x35: {  	s10 =	sld [smem:$0x3FA9];
	_ =	sdelay $0x3  }
0x36: {  	p1 =	seq.s32 s10, $0x1;
	s10 =	sld [smem:$0x3FAA];
	_ =	sdelay $0x3  }
0x37: {  	[smem:$0x3FAA] =	sst s10  }
0x38: {  	s10 =	sld [smem:$0x3FAB]  }
0x39: {  	_ = 	snop;
	(pc) =	sbr.ind lr, $3  }
0x3a: {  	_ = 	snop  }
0x3b: {  	_ = 	snop  }
0x3c: {  	p2 =	seq.s32 s10, $0x1;
	s10 =	sld [smem:$0x3FAA]  }
0x3d: {  	_ =	shalt  }
0x3e: {  	_ =	shalt  }
0x3f: {  	_ =	shalt  }
0x40: {  	_ =	shalt  }
0x41: {  	_ =	shalt  }
0x42: {  	_ =	shalt  }
0x43: {  	_ =	shalt  }
0x44: {  	_ =	shalt  }
0x45: {  	_ =	shalt  }
0x46: {  	_ =	shalt  }
0x47: {  	_ =	shalt  }
0x48: {  	_ =	shalt  }
0x49: {  	_ =	shalt  }
0x4a: {  	_ =	shalt  }
0x4b: {  	_ =	shalt  }
0x4c: {  	_ =	shalt  }
0x4d: {  	_ =	shalt  }
0x4e: {  	_ =	shalt  }
0x4f: {  	_ =	shalt  }
0x50: {  	_ =	shalt  }
0x51: {  	_ =	shalt  }
0x52: {  	_ =	shalt  }
0x53: {  	_ =	shalt  }
0x54: {  	_ =	shalt  }
0x55: {  	_ =	shalt  }
0x56: {  	_ =	shalt  }
0x57: {  	_ =	shalt  }
0x58: {  	_ =	shalt  }
0x59: {  	_ =	shalt  }
0x5a: {  	_ =	shalt  }
0x5b: {  	_ =	shalt  }
0x5c: {  	_ =	shalt  }
0x5d: {  	_ =	shalt  }
0x5e: {  	_ =	shalt  }
0x5f: {  	_ =	shalt  }
0x60: {  	_ =	shalt  }
0x61: {  	_ =	shalt  }
0x62: {  	_ =	shalt  }
0x63: {  	_ =	shalt  }
0x64: {  	_ =	shalt  }
0x65: {  	_ =	shalt  }
0x66: {  	_ =	shalt  }
0x67: {  	_ =	shalt  }
0x68: {  	_ =	shalt  }
0x69: {  	_ =	shalt  }
0x6a: {  	_ =	shalt  }
0x6b: {  	_ =	shalt  }
0x6c: {  	_ =	shalt  }
0x6d: {  	_ =	shalt  }
0x6e: {  	_ =	shalt  }
0x6f: {  	_ =	shalt  }
0x70: {  	_ =	shalt  }
0x71: {  	_ =	shalt  }
0x72: {  	_ =	shalt  }
0x73: {  	_ =	shalt  }
0x74: {  	_ =	shalt  }
0x75: {  	_ =	shalt  }
0x76: {  	_ =	shalt  }
0x77: {  	_ =	shalt  }
0x78: {  	_ =	shalt  }
0x79: {  	_ =	shalt  }
0x7a: {  	_ =	shalt  }
0x7b: {  	_ =	shalt  }
0x7c: {  	_ =	shalt  }
0x7d: {  	_ =	shalt  }
0x7e: {  	_ =	shalt  }
0x7f: {  	_ =	shalt  }
0x80: {  	_ =	shalt  }
0x81: {  	_ =	shalt  }
0x82: {  	_ =	shalt  }
0x83: {  	_ =	shalt  }
0x84: {  	_ =	shalt  }
0x85: {  	_ =	shalt  }
0x86: {  	_ =	shalt  }
0x87: {  	_ =	shalt  }
.Lfunc_end0:
.L_simem_size_0:
called_computation_lowered:
.L_overlay_start_0:
0x88: {  	s2 =	sld [smem:$0x3FD9]  }
0x89: {  	s3 =	sld [smem:$0x3FFE];
	_ =	sdelay $0x1  }
0x8a: {  	s1 =	srdreg.scid  }
0x8b: {  	s0 =	sand.u32 $0x1, s1  }
0x8c: {  	s17 =	sshll.u32 s0, $0xA;
	s2 =	sadd.s32 s3, s2  }
0x8d: {  	s2 =	sadd.s32 s2, s17  }
0x8e: {  	[smem:$0x3FB6] =	sst s2  }
0x8f: {  	_ = 	snop  }
0x90: {  	s18 =	sld [smem:$0x3FC9]  }
0x91: {  	s4 =	sld [smem:$0x3FC1]  }
0x92: {  	s5 =	sld [smem:$0x3FC0];
	(tm) =	ssettm $0x1  }
0x93: {  	s19 =	sld [smem:$0x3FFB];
	_ =	sdelay $0x3  }
0x94: {  	_ =	strace s19  }
0x95: {  	s2 =	sld [smem:$0x3FFC];
	_ =	sdelay $0x3  }
0x96: {  	_ =	strace s2  }
0x97: {  	s2 =	sld [smem:$0x3FFD];
	_ =	sdelay $0x3  }
0x98: {  	_ =	strace s2  }
0x99: {  	_ =	strace $0x8FFFFFFF  }
0x9a: {  	s20 =	sld [smem:$0x3FDB];
	_ =	sdelay $0x1  }
0x9b: {  	s6 =	simm.s32 $_scs_section_size  }
0x9c: {  	s7 =	simm.s32 $_size__tile_overlayer_lowered;
	s8 =	simm.s32 $_tile_overlayer_lowered  }
0x9d: {  	s9 =	simm.s32 $0x1BFF;
	s21 =	sshll.u32 s8, $0x1;
	s6 =	sadd.s32 s6, s20  }
0x9e: {  	s22 =	simm.s32 $0x0;
	s7 =	sshll.u32 s7, $0x1;
	s8 =	sadd.s32 s21, s6  }
0x9f: {  	[timem:s22], [sflag:s9] =	dma.local [hbm:s8], s7  }
0xa0: {  	_ =	swait.ge [sflag:s9], s7  }
0xa1: {  	s7 =	ssub.s32 $0x0, s7;
	[sflag:s9] =	ssyncset.done $0x0  }
0xa2: {  	[sflag:s9] =	ssyncadd.s32 s7;
	_ =	sdelay $0x1  }
0xa3: {  	s23 =	simm.s32 $0x1B8B  }
0xa4: {  	_ =	swait.ge [sflag:s23], $0x1  }
0xa5: {  	[sflag:s23] =	ssyncset.done $0x0  }
0xa6: {  	[sflag:s23] =	ssyncadd.s32 $0xFFFFFFFF  }
0xa7: {  	s7 =	sld [smem:$0x0]  }
0xa8: {  	s8 =	sand.u32 $0xFFFFFFFE, s1  }
0xa9: {  	p0 =	sne.s32 s1, s8  }
0xaa: {  	s8 =	sshll.u32 @p0 s8, $0xE  }
0xab: {  	s8 =	sadd.s32 @p0 $0x11B8D, s8;
	s9 =	sshll.u32 @p0 s7, $0x11  }
0xac: {  	s8 =	sor.u32 @p0 s9, s8  }
0xad: {  	[sflag:s8] =	ssyncadd.remote.s32 @p0 $0x1;
	_ =	sdelay $0x1  }
0xae: {  	s8 =	simm.s32 @p0 $0x1B8D  }
0xaf: {  	_ =	swait.eq @p0 [sflag:s8], $0x1  }
0xb0: {  	[sflag:s8] =	ssyncadd.s32 @p0 $0xFFFFFFFF  }
0xb1: {  	s9 =	sshll.u32 @!p0 s1, $0xE  }
0xb2: {  	s9 =	sor.u32 @!p0 $0x4000, s9;
	s8 =	simm.s32 @!p0 $0x1B8D  }
0xb3: {  	s7 =	sshll.u32 @!p0 s7, $0x11;
	s9 =	sadd.s32 @!p0 $0x11B8D, s9;
	_ =	swait.eq @!p0 [sflag:s8], $0x1  }
0xb4: {  	s7 =	sor.u32 @!p0 s7, s9;
	[sflag:s8] =	ssyncadd.s32 @!p0 $0xFFFFFFFF  }
0xb5: {  	s25 =	simm.s32 $0x1B8E;
	s24 =	sld [smem:$0x3FFE];
	[sflag:s7] =	ssyncadd.remote.s32 @!p0 $0x1  }
0xb6: {  	s26 =	simm.s32 $execute0_lowered;
	[smem:$0x3FD2] =	sst s25  }
0xb7: {  	s8 =	sshll.u32 s26, $0x1;
	_ =	strace $0x80000049;
	[dreg:$0x1] =	wrdreg $0xFFFFFFFF  }
0xb8: {  	s28 =	simm.s32 $_size_execute0_lowered;
	s6 =	sadd.s32 s6, s8;
	[dreg:$0x0] =	wrdreg $0x0  }
0xb9: {  	s8 =	sshll.u32 s28, $0x1;
	[dreg:$0x2] =	wrdreg s6  }
0xba: {  	[dreg:$0x3] =	wrdreg s8  }
0xbb: {  	[dreg:$0x4] =	wrdreg $0xC0  }
0xbc: {  	_ =	task [dreg:s22], $0x5FFFF  }
0xbd: {  	[dreg:$0x1] =	wrdreg $0xFFFFFFFF  }
0xbe: {  	[dreg:$0x0] =	wrdreg $0x60  }
0xbf: {  	[dreg:$0x2] =	wrdreg s18  }
0xc0: {  	[dreg:$0x3] =	wrdreg s4  }
0xc1: {  	[dreg:$0x4] =	wrdreg s5  }
0xc2: {  	[dreg:$0x5] =	wrdreg s24  }
0xc3: {  	[dreg:$0x6] =	wrdreg $0x0  }
0xc4: {  	[dreg:$0x7] =	wrdreg $0x9  }
0xc5: {  	_ =	task.clear_ibuf [dreg:s22], $0x8FFFF;
	_ =	strace $0x90000049  }
0xc6: {  	s29 =	simm.s32 $0x9;
	_ =	strace $0x8000004B  }
0xc7: {  	_ =	swait.ge [sflag:s29], $0x1  }
0xc8: {  	[sflag:s29] =	ssyncadd.s32 $0xFFFFFFFF  }
0xc9: {  	_ =	strace $0x9000004B  }
0xca: {  	_ =	sfence  }
0xcb: {  	s30 =	sld [smem:$0x0];
	_ =	sdelay $0x2  }
0xcc: {  	s31 =	sshll.u32 s1, $0xD;
	s1 =	sshrl.u32 s1, $0x2  }
0xcd: {  	s4 =	sand.u32 $0x4000, s31;
	s1 =	sadd.s32 s1, s30  }
0xce: {  	s0 =	sor.u32 s4, s0;
	s1 =	sshll.u32 s1, $0x11  }
0xcf: {  	s0 =	sor.u32 s1, s0  }
0xd0: {  	s0 =	sadd.s32 $0x8F2B, s0  }
0xd1: {  	[sflag:s0] =	ssyncadd.remote.s32 $0x1  }
0xd2: {  	_ =	sfence.sel $0xFFFF  }
0xd3: {  	[dreg:$0x0] =	wrdreg $0xFFFFFFFF;
	(pc) =	sbr.abs _section_cstart, $3  }
0xd4: {  	[dreg:$0x1] =	wrdreg $0xFFFFFFFF  }
0xd5: {  	_ =	task.clear_ibuf [dreg:s22], $0x2FFFF;
	_ =	strace $0x9FFFFFFF  }
0xd6: {  	(tm) =	ssettm $0x7FFFFFFF  }
0xd7: {  	_ =	shalt  }
tec
execute0_lowered:
.L_overlay_start_1:
0x0: {  	(tag) =	ssettag $0x1  }
0x1: {  	s1 =	rddreg [dreg:$0x0]  }
0x2: {  	s2 =	rddreg [dreg:$0x1]  }
0x3: {  	s0 =	rddreg [dreg:$0x2]  }
0x4: {  	s5 =	rddreg [dreg:$0x3]  }
0x5: {  	s3 =	rddreg [dreg:$0x4]  }
0x6: {  	s4 =	simm.s32 $0x0;
	s6 =	srdreg.scid;
	s10 =	stileid.u32  }
0x7: {  	s28 =	simm.s32 $0x80;
	s29 =	simm.s32 $0x1;
	s30 =	simm.s32 $0x0  }
0x8: {  	[smem:$0x7FF] =	sst s4;
	s7 =	sand.u32 $0x1, s6;
	s25 =	smul.u32 $0x50000, s10  }
0x9: {  	s15 =	smul.u32 $0x14000, s10;
	s17 =	sadd.s32 $0x53400, s5;
	p0 =	slt.u32 s10, $0x2  }
0xa: {  	s18 =	sshll.u32 s10, $0x8;
	_ =	strace $0x8000004A;
	s8 =	ssub.s32 $0x2, s7  }
0xb: {  	s16 =	smul.u32 $0x140000, s7;
	s19 =	sshll.u32 s7, $0x7;
	s9 =	sshrl.u32 s8, $0x1  }
0xc: {  	s6 =	sshrl.u32 s25, $0x2;
	s14 =	sadd.s32 $0x4000, s15;
	s20 =	sadd.s32 $0x8000, s15  }
0xd: {  	s22 =	sadd.s32 $0xC000, s15;
	s18 =	sor.u32 s19, s18;
	s19 =	simm.s32 $0x14100  }
0xe: {  	s8 =	ssub.s32 s8, s9;
	s5 =	sadd.s32 s6, s3;
	s6 =	simm.s32 $0x4F  }
0xf: {  	s26 =	sadd.s32 s16, s15;
	s13 =	sadd.s32 s16, s14;
	s21 =	sadd.s32 s16, s20  }
0x10: {  	s23 =	sadd.s32 s14, s3;
	s31 =	sadd.s32 s16, s22;
	s24 =	sadd.s32 s20, s3  }
0x11: {  	s18 =	sshrl.u32 s18, $0x3;
	s20 =	simm.s32 $0x2;
	s6 =	simm.s32 @!p0 $0x4E  }
0x12: {  	s9 =	sshrl.u32 s26, $0x3;
	s8 =	smax.u32 s8, $0x1;
	s10 =	sadd.s32 $0x8000, s5  }
0x13: {  	s11 =	sadd.s32 $0xC000, s5;
	s12 =	sadd.s32 $0x10000, s5;
	s13 =	sshrl.u32 s13, $0x3  }
0x14: {  	s21 =	sshrl.u32 s21, $0x3;
	s25 =	sshrl.u32 s31, $0x3;
	s26 =	sadd.s32 $0x10000, s15  }
0x15: {  	s0 =	sadd.s32 s18, s0;
	s2 =	sadd.s32 s18, s2;
	s7 =	sadd.s32 s17, s9  }
0x16: {  	s9 =	sadd.s32 $0x4000, s5;
	s13 =	sadd.s32 s17, s13;
	s14 =	sadd.s32 s17, s21  }
0x17: {  	s15 =	sadd.s32 s17, s25;
	s16 =	sadd.s32 s16, s26;
	s25 =	sadd.s32 s22, s3  }
0x18: {  	s31 =	sadd.s32 s26, s3;
	s21 =	simm.s32 $0x14000;
	s22 =	sshrl.u32 s23, $0x3  }
0x19: {  	s23 =	sshrl.u32 s24, $0x3;
	s26 =	simm.s32 $0x14080;
	s16 =	sshrl.u32 s16, $0x3  }
0x1a: {  	v0 =	vimm.f32 $0.0e+00;
	s24 =	sshrl.u32 s25, $0x3;
	s25 =	sshrl.u32 s31, $0x3;
	s16 =	sadd.s32 s17, s16  }
.LBB2_1:
0x1b: {  	s17 =	simm.s32 $0x0;
	s18 =	simm.s32 $0x200  }
.LBB2_2:
0x1c: {  	p0 =	sne.s32 s18, $0xFE00;
	[tilespmem:s17+$0x14170] =	vst v0  }
0x1d: {  	[tilespmem:s17+$0x14100] =	vst v0  }
0x1e: {  	[tilespmem:s17+$0x14110] =	vst v0  }
.Ltmp0:
0x1f: {  	[tilespmem:s17+$0x14120] =	vst v0;
	(pc) =	sbr.rel @p0 .LBB2_2-.Ltmp0, $4  }
0x20: {  	[tilespmem:s17+$0x14130] =	vst v0  }
0x21: {  	[tilespmem:s17+$0x14140] =	vst v0  }
0x22: {  	[tilespmem:s17+$0x14150] =	vst v0  }
0x23: {  	[tilespmem:s17+$0x14160] =	vst v0;
	s17 =	sshra.s32 s18, $0x2;
	s18 =	sadd.s32 $0x200, s18  }
0x24: {  	[tilespmem:s17+$0x14170] =	vst v0  }
0x25: {  	[tilespmem:s17+$0x14100] =	vst v0  }
0x26: {  	[tilespmem:s17+$0x14110] =	vst v0  }
0x27: {  	[tilespmem:s17+$0x14120] =	vst v0  }
0x28: {  	[tilespmem:s17+$0x14130] =	vst v0  }
0x29: {  	[tilespmem:s17+$0x14140] =	vst v0  }
0x2a: {  	[tilespmem:s17+$0x14150] =	vst v0  }
0x2b: {  	[tilespmem:s17+$0x14160] =	vst v0  }
0x2c: {  	[spmem:s5] =	stream.linear.scatter [tilespmem:s19], [sflag:$0x2], $0x4000, $0x38;
	[tilespmem:$0x18100] =	vst v63  }
0x2d: {  	_ =	swait.ge [sflag:s20], $0x4000  }
0x2e: {  	[sflag:s20] =	ssyncset.done $0x0  }
0x2f: {  	[sflag:s20] =	ssyncadd.s32 $0xFFFFC000  }
0x30: {  	[spmem:s9] =	stream.linear.scatter [tilespmem:s19], [sflag:$0x2], $0x4000, $0x38;
	[tilespmem:$0x18100] =	vst v63  }
0x31: {  	_ =	swait.ge [sflag:s20], $0x4000  }
0x32: {  	[sflag:s20] =	ssyncset.done $0x0  }
0x33: {  	[sflag:s20] =	ssyncadd.s32 $0xFFFFC000  }
0x34: {  	[spmem:s10] =	stream.linear.scatter [tilespmem:s19], [sflag:$0x2], $0x4000, $0x38;
	[tilespmem:$0x18100] =	vst v63  }
0x35: {  	_ =	swait.ge [sflag:s20], $0x4000  }
0x36: {  	[sflag:s20] =	ssyncset.done $0x0  }
0x37: {  	[sflag:s20] =	ssyncadd.s32 $0xFFFFC000  }
0x38: {  	[spmem:s11] =	stream.linear.scatter [tilespmem:s19], [sflag:$0x2], $0x4000, $0x38;
	[tilespmem:$0x18100] =	vst v63  }
0x39: {  	_ =	swait.ge [sflag:s20], $0x4000  }
0x3a: {  	[sflag:s20] =	ssyncset.done $0x0  }
0x3b: {  	[sflag:s20] =	ssyncadd.s32 $0xFFFFC000  }
0x3c: {  	[spmem:s12] =	stream.linear.scatter [tilespmem:s19], [sflag:$0x2], $0x4000, $0x38;
	[tilespmem:$0x18100] =	vst v63  }
0x3d: {  	_ =	swait.ge [sflag:s20], $0x4000  }
0x3e: {  	[sflag:s20] =	ssyncset.done $0x0  }
0x3f: {  	[sflag:s20] =	ssyncadd.s32 $0xFFFFC000  }
0x40: {  	[bflag:$0x0] =	sbarrier.arrive $0xFFFF  }
0x41: {  	[tilespmem:s21], [sflag:$0x2] =	stream.linear.gather [hbm4b:s2+s4], $0x80, $0x38;
	[tilespmem:$0x18100] =	vst v63  }
0x42: {  	_ =	swait.ge [sflag:s20], $0x80  }
0x43: {  	[sflag:s20] =	ssyncset.done $0x0  }
0x44: {  	[sflag:s20] =	ssyncadd.s32 $0xFFFFFF80  }
0x45: {  	[tilespmem:s26], [sflag:$0x2] =	stream.linear.gather [hbm4b:s0+s4], $0x80, $0x38;
	[tilespmem:$0x18100] =	vst v63  }
0x46: {  	_ =	swait.ge [sflag:s20], $0x80  }
0x47: {  	[sflag:s20] =	ssyncset.done $0x0  }
0x48: {  	[sflag:s20] =	ssyncadd.s32 $0xFFFFFF80  }
0x49: {  	[tilespmem:s19], [sflag:$0x1] =	stream.indirect.gather [hbm4b:s1+s28], $0x80, s21, s28, $0xb8;
	[tilespmem:$0x18100] =	vst v63  }
0x4a: {  	p0 =	sne.s32 s6, $0x1;
	_ =	swait.ge [sflag:s29], $0x4000  }
.Ltmp1:
0x4b: {  	[sflag:s29] =	ssyncset.done $0x0;
	(pc) =	sbr.rel @!p0 .LBB2_5-.Ltmp1, $4  }
0x4c: {  	[sflag:s29] =	ssyncadd.s32 $0xFFFFC000  }
0x4d: {  	[spmem:s3] =	stream.indirect.scatter.add.f32 [tilespmem:s19], [sflag:$0x2], $0x80, s26, s28, $0xb8;
	[tilespmem:$0x18100] =	vst v63  }
0x4e: {  	s31 =	sadd.s32 $0xFFFFFFFF, s6;
	_ =	swait.ge [sflag:s20], $0x4000  }
0x4f: {  	s17 =	smov.u32 s0;
	s18 =	smov.u32 s2;
	[sflag:s20] =	ssyncset.done $0x0  }
.LBB2_4:
0x50: {  	[sflag:s20] =	ssyncadd.s32 $0xFFFFC000;
	s17 =	sadd.s32 $0x200, s17;
	s18 =	sadd.s32 $0x200, s18  }
0x51: {  	[tilespmem:s21], [sflag:$0x2] =	stream.linear.gather [hbm4b:s18+s4], $0x80, $0x38;
	[tilespmem:$0x18100] =	vst v63  }
0x52: {  	p0 =	sne.s32 s31, $0x1;
	s31 =	sadd.s32 $0xFFFFFFFF, s31;
	_ =	swait.ge [sflag:s20], $0x80  }
0x53: {  	[sflag:s20] =	ssyncset.done $0x0  }
0x54: {  	[sflag:s20] =	ssyncadd.s32 $0xFFFFFF80  }
0x55: {  	[tilespmem:s26], [sflag:$0x2] =	stream.linear.gather [hbm4b:s17+s4], $0x80, $0x38;
	[tilespmem:$0x18100] =	vst v63  }
0x56: {  	_ =	swait.ge [sflag:s20], $0x80  }
0x57: {  	[sflag:s20] =	ssyncset.done $0x0  }
0x58: {  	[sflag:s20] =	ssyncadd.s32 $0xFFFFFF80  }
0x59: {  	[tilespmem:s19], [sflag:$0x1] =	stream.indirect.gather [hbm4b:s1+s28], $0x80, s21, s28, $0xb8;
	[tilespmem:$0x18100] =	vst v63  }
0x5a: {  	_ =	swait.ge [sflag:s29], $0x4000  }
.Ltmp2:
0x5b: {  	[sflag:s29] =	ssyncset.done $0x0;
	(pc) =	sbr.rel @p0 .LBB2_4-.Ltmp2, $4  }
0x5c: {  	[sflag:s29] =	ssyncadd.s32 $0xFFFFC000  }
0x5d: {  	[spmem:s3] =	stream.indirect.scatter.add.f32 [tilespmem:s19], [sflag:$0x2], $0x80, s26, s28, $0xb8;
	[tilespmem:$0x18100] =	vst v63  }
0x5e: {  	_ =	swait.ge [sflag:s20], $0x4000  }
0x5f: {  	[sflag:s20] =	ssyncset.done $0x0  }
.LBB2_5:
0x60: {  	s17 =	stileid.u32  }
0x61: {  	[sflag:s20] =	ssyncadd.s32 $0xFFFFC000;
	s17 =	sshll.u32 s17, $0x6  }
0x62: {  	s18 =	sshrl.u32 s5, $0x3;
	[bflag:$0x0] =	sbarrier.arrive $0xFFFF;
	s17 =	sor.u32 $0x1C02, s17  }
0x63: {  	[hbm:s7], [sflag:s17] =	dma.local [spmem:s18], $0x800  }
0x64: {  	_ =	swait.ge [sflag:s20], $0x800  }
0x65: {  	[sflag:s20] =	ssyncset.done $0x0  }
0x66: {  	[sflag:s20] =	ssyncadd.s32 $0xFFFFF800  }
0x67: {  	[hbm:s13], [sflag:s17] =	dma.local [spmem:s22], $0x800  }
0x68: {  	_ =	swait.ge [sflag:s20], $0x800  }
0x69: {  	[sflag:s20] =	ssyncset.done $0x0  }
0x6a: {  	[sflag:s20] =	ssyncadd.s32 $0xFFFFF800  }
0x6b: {  	[hbm:s14], [sflag:s17] =	dma.local [spmem:s23], $0x800  }
0x6c: {  	_ =	swait.ge [sflag:s20], $0x800  }
0x6d: {  	[sflag:s20] =	ssyncset.done $0x0  }
0x6e: {  	[sflag:s20] =	ssyncadd.s32 $0xFFFFF800  }
0x6f: {  	[hbm:s15], [sflag:s17] =	dma.local [spmem:s24], $0x800  }
0x70: {  	s30 =	sadd.s32 $0x1, s30;
	_ =	swait.ge [sflag:s20], $0x800  }
0x71: {  	p0 =	sne.s32 s30, s8;
	[sflag:s20] =	ssyncset.done $0x0  }
.Ltmp3:
0x72: {  	[sflag:s20] =	ssyncadd.s32 $0xFFFFF800;
	(pc) =	sbr.rel @p0 .LBB2_1-.Ltmp3, $4  }
0x73: {  	[hbm:s16], [sflag:s17] =	dma.local [spmem:s25], $0x800  }
0x74: {  	_ =	swait.ge [sflag:s20], $0x800  }
0x75: {  	[sflag:s20] =	ssyncset.done $0x0  }
0x76: {  	[sflag:s20] =	ssyncadd.s32 $0xFFFFF800  }
0x77: {  	_ =	sfence.sel $0x180000  }
0x78: {  	[bflag:$0x0] =	sbarrier.arrive $0xFFFF  }
0x79: {  	_ =	strace $0x9000004A  }
0x7a: {  	s0 =	stileid.u32;
	[bflag:$0x2] =	sbarrier.arrive $0xFFFF  }
0x7b: {  	p0 =	sne.s32 s0, $0x0;
	s0 =	rddreg [dreg:$0x5]  }
0x7c: {  	s0 =	sadd.s32 @!p0 $0x100000, s0  }
0x7d: {  	[sflag:s0] =	ssyncadd.tile.s32 @!p0 $0x1;
	_ =	shalt  }
.Lfunc_end2:
_tile_overlayer_lowered:
.L_overlay_start_2:
0x7e: {  	(tag) =	ssettag $0x2  }
0x7f: {  	s0 =	rddreg [dreg:$0x0];
	s2 =	stileid.u32  }
0x80: {  	s1 =	rddreg [dreg:$0x1];
	p0 =	sne.s32 s2, $0x0  }
0x81: {  	s3 =	rddreg [dreg:$0x2];
	[bflag:$0x3] =	sbarrier.arrive $0xFFFF;
	s2 =	simm.s32 @!p0 $0x1C02  }
0x82: {  	[timem:s3], [sflag:s2] =	dma.local @!p0 [hbm:s0], s1  }
0x83: {  	s0 =	simm.s32 @!p0 $0x2  }
0x84: {  	_ =	swait.ge @!p0 [sflag:s0], s1  }
0x85: {  	s1 =	ssub.s32 @!p0 $0x0, s1;
	[sflag:s0] =	ssyncset.done @!p0 $0x0  }
0x86: {  	[sflag:s0] =	ssyncadd.s32 @!p0 s1  }
0x87: {  	[bflag:$0x3] =	sbarrier.arrive $0xFFFF  }
0x88: {  	_ =	shalt  }

// kernel: kernel.13.cloned.1.call-start
scs
__scs_entry_jumppad:
0x0: {  	(pc) =	sbr.rel $0x88, $3  }
0x1: {  	(tag) =	ssettag $0x0;
	lr =	simm.s32 $0x1  }
0x2: {  	[smem:$0x3F8F] =	sst lr;
	_ =	strace $0xD0000000  }
0x3: {  	_ = 	snop  }
0x4: {  	_ = 	snop  }
0x5: {  	_ = 	snop  }
0x6: {  	_ = 	snop  }
0x7: {  	_ = 	snop  }
__scs_overlays_trampoline_lowered:
0x8: {  	[smem:$0x3F9E] =	sst s0  }
0x9: {  	[smem:$0x3F9F] =	sst s1  }
0xa: {  	[smem:$0x3FA0] =	sst s2  }
0xb: {  	[smem:$0x3FA1] =	sst s3  }
0xc: {  	[smem:$0x3FA2] =	sst s4  }
0xd: {  	[smem:$0x3FA3] =	sst s5  }
0xe: {  	[smem:$0x3FA4] =	sst s6  }
0xf: {  	[smem:$0x3FA5] =	sst s7  }
0x10: {  	[smem:$0x3FA6] =	sst s8  }
0x11: {  	[smem:$0x3FA7] =	sst s9;
	s0 =	simm.s32 @!p0 $0x0  }
0x12: {  	s1 =	sld [smem:$0x3F8D];
	s0 =	simm.s32 @p0 $0x1  }
0x13: {  	[smem:$0x3FA8] =	sst s0;
	s0 =	simm.s32 @!p1 $0x0  }
0x14: {  	s2 =	sld [smem:$0x3F8C];
	s0 =	simm.s32 @p1 $0x1  }
0x15: {  	[smem:$0x3FA9] =	sst s0;
	s0 =	simm.s32 @!p2 $0x0  }
0x16: {  	s3 =	sld [smem:$0x3FDB];
	s0 =	simm.s32 @p2 $0x1  }
0x17: {  	s4 =	simm.s32 $0x1BF5;
	[smem:$0x3FAB] =	sst s0  }
0x18: {  	s0 =	sld [smem:$0x3F8E];
	_ =	swait.ge [sflag:s4], $0x0  }
0x19: {  	s7 =	sld [smem:$0x3F8F]  }
0x1a: {  	s8 =	sadd.s32 $0xFFFFE003, lr  }
0x1b: {  	s9 =	sadd.s32 $0xFFFFFEF7, lr;
	s5 =	simm.s32 $0xFFFFFFFF;
	p2 =	slt.u32 s8, $0xFFFFF086  }
0x1c: {  	p1 =	slt.u32 s9, $0xF7A;
	s5 =	simm.s32 @!p2 $0x0  }
0x1d: {  	s5 =	simm.s32 @p1 $0x1;
	p0 =	seq.s32 s7, s2  }
0x1e: {  	s7 =	smul.u32 @!p0 $0xF7A, s2;
	p2 =	seq.s32 @!p0 s5, $0x0  }
0x1f: {  	s9 =	smul.u32 $0xF7A, s1;
	s8 =	simm.s32 @!p0 $0x1BF5;
	p2 =	por !p2, p0  }
0x20: {  	[sflag:s8] =	ssyncset.s32 @!p0 $0xFFFFF086;
	s6 =	sadd.s32 @!p0 s3, s7;
	s7 =	simm.s32 @!p0 $0x108  }
0x21: {  	s3 =	sadd.s32 s3, s9;
	s6 =	sadd.s32 @!p0 $0x88, s6;
	s7 =	simm.s32 @p2 $0x1082  }
0x22: {  	[simem:s7], [sflag:s8] =	dma.local @!p0 [hbm:s6], $0xF7A  }
0x23: {  	s9 =	sor.u32 $0xD0000000, s2;
	s6 =	simm.s32 $0x108;
	_ =	swait.ge @!p0 [sflag:s8], $0x0  }
0x24: {  	s3 =	sadd.s32 $0x88, s3;
	s6 =	simm.s32 @!p1 $0x1082;
	[sflag:s4] =	ssyncset.s32 $0xFFFFF086  }
0x25: {  	[simem:s6], [sflag:s4] =	dma.local [hbm:s3], $0xF7A  }
0x26: {  	[smem:$0x3F8F] =	sst s1;
	(tag) =	ssettag s2;
	_ =	strace s9  }
0x27: {  	s1 =	sld [smem:$0x3F9F]  }
0x28: {  	s2 =	sld [smem:$0x3FA0]  }
0x29: {  	s4 =	sld [smem:$0x3FA2]  }
0x2a: {  	p0 =	seq.s32 s5, $0x0;
	s5 =	sld [smem:$0x3FA3]  }
0x2b: {  	s6 =	sld [smem:$0x3FA4]  }
0x2c: {  	s7 =	sld [smem:$0x3FA5]  }
0x2d: {  	s3 =	simm.s32 $0x108;
	s8 =	sld [smem:$0x3FA6]  }
0x2e: {  	s3 =	simm.s32 @!p0 $0x1082;
	s9 =	sld [smem:$0x3FA7]  }
0x2f: {  	lr =	sadd.s32 s0, s3;
	s0 =	sld [smem:$0x3F9E]  }
0x30: {  	s3 =	sld [smem:$0x3FA1]  }
0x31: {  	[smem:$0x3FAA] =	sst s10  }
0x32: {  	s10 =	sld [smem:$0x3FA8];
	_ =	sdelay $0x3  }
0x33: {  	p0 =	seq.s32 s10, $0x1;
	s10 =	sld [smem:$0x3FAA];
	_ =	sdelay $0x3  }
0x34: {  	[smem:$0x3FAA] =	sst s10  }
0x35: {  	s10 =	sld [smem:$0x3FA9];
	_ =	sdelay $0x3  }
0x36: {  	p1 =	seq.s32 s10, $0x1;
	s10 =	sld [smem:$0x3FAA];
	_ =	sdelay $0x3  }
0x37: {  	[smem:$0x3FAA] =	sst s10  }
0x38: {  	s10 =	sld [smem:$0x3FAB]  }
0x39: {  	_ = 	snop;
	(pc) =	sbr.ind lr, $3  }
0x3a: {  	_ = 	snop  }
0x3b: {  	_ = 	snop  }
0x3c: {  	p2 =	seq.s32 s10, $0x1;
	s10 =	sld [smem:$0x3FAA]  }
0x3d: {  	_ =	shalt  }
0x3e: {  	_ =	shalt  }
0x3f: {  	_ =	shalt  }
0x40: {  	_ =	shalt  }
0x41: {  	_ =	shalt  }
0x42: {  	_ =	shalt  }
0x43: {  	_ =	shalt  }
0x44: {  	_ =	shalt  }
0x45: {  	_ =	shalt  }
0x46: {  	_ =	shalt  }
0x47: {  	_ =	shalt  }
0x48: {  	_ =	shalt  }
0x49: {  	_ =	shalt  }
0x4a: {  	_ =	shalt  }
0x4b: {  	_ =	shalt  }
0x4c: {  	_ =	shalt  }
0x4d: {  	_ =	shalt  }
0x4e: {  	_ =	shalt  }
0x4f: {  	_ =	shalt  }
0x50: {  	_ =	shalt  }
0x51: {  	_ =	shalt  }
0x52: {  	_ =	shalt  }
0x53: {  	_ =	shalt  }
0x54: {  	_ =	shalt  }
0x55: {  	_ =	shalt  }
0x56: {  	_ =	shalt  }
0x57: {  	_ =	shalt  }
0x58: {  	_ =	shalt  }
0x59: {  	_ =	shalt  }
0x5a: {  	_ =	shalt  }
0x5b: {  	_ =	shalt  }
0x5c: {  	_ =	shalt  }
0x5d: {  	_ =	shalt  }
0x5e: {  	_ =	shalt  }
0x5f: {  	_ =	shalt  }
0x60: {  	_ =	shalt  }
0x61: {  	_ =	shalt  }
0x62: {  	_ =	shalt  }
0x63: {  	_ =	shalt  }
0x64: {  	_ =	shalt  }
0x65: {  	_ =	shalt  }
0x66: {  	_ =	shalt  }
0x67: {  	_ =	shalt  }
0x68: {  	_ =	shalt  }
0x69: {  	_ =	shalt  }
0x6a: {  	_ =	shalt  }
0x6b: {  	_ =	shalt  }
0x6c: {  	_ =	shalt  }
0x6d: {  	_ =	shalt  }
0x6e: {  	_ =	shalt  }
0x6f: {  	_ =	shalt  }
0x70: {  	_ =	shalt  }
0x71: {  	_ =	shalt  }
0x72: {  	_ =	shalt  }
0x73: {  	_ =	shalt  }
0x74: {  	_ =	shalt  }
0x75: {  	_ =	shalt  }
0x76: {  	_ =	shalt  }
0x77: {  	_ =	shalt  }
0x78: {  	_ =	shalt  }
0x79: {  	_ =	shalt  }
0x7a: {  	_ =	shalt  }
0x7b: {  	_ =	shalt  }
0x7c: {  	_ =	shalt  }
0x7d: {  	_ =	shalt  }
0x7e: {  	_ =	shalt  }
0x7f: {  	_ =	shalt  }
0x80: {  	_ =	shalt  }
0x81: {  	_ =	shalt  }
0x82: {  	_ =	shalt  }
0x83: {  	_ =	shalt  }
0x84: {  	_ =	shalt  }
0x85: {  	_ =	shalt  }
0x86: {  	_ =	shalt  }
0x87: {  	_ =	shalt  }
.Lfunc_end0:
.L_simem_size_0:
called_computation.1_lowered:
.L_overlay_start_0:
0x88: {  	s2 =	sld [smem:$0x3FD9]  }
0x89: {  	s3 =	sld [smem:$0x3FFE];
	_ =	sdelay $0x1  }
0x8a: {  	s1 =	srdreg.scid  }
0x8b: {  	s0 =	sand.u32 $0x1, s1  }
0x8c: {  	s17 =	sshll.u32 s0, $0xA;
	s2 =	sadd.s32 s3, s2  }
0x8d: {  	s2 =	sadd.s32 s2, s17  }
0x8e: {  	[smem:$0x3FB6] =	sst s2  }
0x8f: {  	_ = 	snop  }
0x90: {  	s2 =	sld [smem:$0x3FC0];
	(tm) =	ssettm $0x1  }
0x91: {  	s18 =	sld [smem:$0x3FFB];
	_ =	sdelay $0x3  }
0x92: {  	_ =	strace s18  }
0x93: {  	s3 =	sld [smem:$0x3FFC];
	_ =	sdelay $0x3  }
0x94: {  	_ =	strace s3  }
0x95: {  	s3 =	sld [smem:$0x3FFD];
	_ =	sdelay $0x3  }
0x96: {  	_ =	strace s3  }
0x97: {  	_ =	strace $0x8FFFFFFF  }
0x98: {  	s19 =	sld [smem:$0x3FDB];
	_ =	sdelay $0x1  }
0x99: {  	s4 =	simm.s32 $_scs_section_size  }
0x9a: {  	s5 =	simm.s32 $_size__tile_overlayer_lowered;
	s6 =	simm.s32 $_tile_overlayer_lowered  }
0x9b: {  	s22 =	simm.s32 $0x1BFF;
	s21 =	sshll.u32 s6, $0x1;
	s3 =	sadd.s32 s4, s19  }
0x9c: {  	s7 =	simm.s32 $0x0;
	s20 =	sshll.u32 s5, $0x1;
	s5 =	sadd.s32 s21, s3  }
0x9d: {  	[timem:s7], [sflag:s22] =	dma.local [hbm:s5], s20  }
0x9e: {  	_ =	swait.ge [sflag:s22], s20  }
0x9f: {  	s4 =	ssub.s32 $0x0, s20;
	[sflag:s22] =	ssyncset.done $0x0  }
0xa0: {  	[sflag:s22] =	ssyncadd.s32 s4;
	_ =	sdelay $0x1  }
0xa1: {  	s23 =	simm.s32 $0x1B8B  }
0xa2: {  	_ =	swait.ge [sflag:s23], $0x1  }
0xa3: {  	[sflag:s23] =	ssyncset.done $0x0  }
0xa4: {  	s25 =	simm.s32 $0x1B8E;
	s24 =	sld [smem:$0x3FFE];
	[sflag:s23] =	ssyncadd.s32 $0xFFFFFFFF  }
0xa5: {  	s26 =	simm.s32 $execute0_lowered;
	[smem:$0x3FD2] =	sst s25  }
0xa6: {  	s5 =	sshll.u32 s26, $0x1;
	_ =	strace $0x80000046;
	[dreg:$0x1] =	wrdreg $0xFFFFFFFF  }
0xa7: {  	s28 =	simm.s32 $_size_execute0_lowered;
	s3 =	sadd.s32 s3, s5;
	[dreg:$0x0] =	wrdreg $0x0  }
0xa8: {  	s5 =	sshll.u32 s28, $0x1;
	[dreg:$0x2] =	wrdreg s3  }
0xa9: {  	[dreg:$0x3] =	wrdreg s5  }
0xaa: {  	[dreg:$0x4] =	wrdreg $0xC0  }
0xab: {  	_ =	task [dreg:s7], $0x5FFFF  }
0xac: {  	[dreg:$0x1] =	wrdreg $0xFFFFFFFF  }
0xad: {  	[dreg:$0x0] =	wrdreg $0x60  }
0xae: {  	[dreg:$0x2] =	wrdreg s2  }
0xaf: {  	[dreg:$0x3] =	wrdreg s24  }
0xb0: {  	[dreg:$0x4] =	wrdreg $0x0  }
0xb1: {  	[dreg:$0x5] =	wrdreg $0xA  }
0xb2: {  	_ =	task.clear_ibuf [dreg:s7], $0x6FFFF;
	_ =	strace $0x90000046  }
0xb3: {  	s29 =	simm.s32 $0xA;
	_ =	strace $0x80000048  }
0xb4: {  	_ =	swait.ge [sflag:s29], $0x1  }
0xb5: {  	[sflag:s29] =	ssyncadd.s32 $0xFFFFFFFF  }
0xb6: {  	_ =	strace $0x90000048  }
0xb7: {  	_ =	sfence  }
0xb8: {  	s30 =	sld [smem:$0x0];
	_ =	sdelay $0x2  }
0xb9: {  	s31 =	sshll.u32 s1, $0xD;
	s1 =	sshrl.u32 s1, $0x2  }
0xba: {  	s3 =	sand.u32 $0x4000, s31;
	s1 =	sadd.s32 s1, s30  }
0xbb: {  	s0 =	sor.u32 s3, s0;
	s1 =	sshll.u32 s1, $0x11  }
0xbc: {  	s0 =	sor.u32 s1, s0  }
0xbd: {  	s0 =	sadd.s32 $0x8F2B, s0  }
0xbe: {  	[sflag:s0] =	ssyncadd.remote.s32 $0x1  }
0xbf: {  	_ =	sfence.sel $0xFFFF  }
0xc0: {  	[dreg:$0x0] =	wrdreg $0xFFFFFFFF;
	(pc) =	sbr.abs _section_cstart, $3  }
0xc1: {  	[dreg:$0x1] =	wrdreg $0xFFFFFFFF  }
0xc2: {  	_ =	task.clear_ibuf [dreg:s7], $0x2FFFF;
	_ =	strace $0x9FFFFFFF  }
0xc3: {  	(tm) =	ssettm $0x7FFFFFFF  }
tec
execute0_lowered:
.L_overlay_start_1:
0x0: {  	(tag) =	ssettag $0x1  }
0x1: {  	s17 =	rddreg [dreg:$0x0]  }
0x2: {  	s4 =	rddreg [dreg:$0x1]  }
0x3: {  	s1 =	rddreg [dreg:$0x2]  }
0x4: {  	s0 =	rddreg [dreg:$0x3]  }
0x5: {  	s3 =	simm.s32 $0x0;
	s2 =	stileid.u32;
	s5 =	srdreg.scid  }
0x6: {  	[smem:$0x7FF] =	sst s3;
	s28 =	smul.u32 $0x50000, s2  }
0x7: {  	s6 =	sshll.u32 s2, $0xC;
	s15 =	sand.u32 $0x1, s5;
	s14 =	smul.u32 $0x14000, s2  }
0x8: {  	s19 =	sadd.s32 $0x3400, s4;
	p0 =	slt.u32 s2, $0x2;
	s20 =	sshll.u32 s2, $0x8  }
0x9: {  	_ =	strace $0x80000047;
	s16 =	sadd.s32 s6, s4;
	s29 =	ssub.s32 $0x2, s15  }
0xa: {  	s18 =	smul.u32 $0x140000, s15;
	s21 =	sshll.u32 s15, $0x7;
	s7 =	sshrl.u32 s29, $0x1  }
0xb: {  	s5 =	sshrl.u32 s28, $0x2;
	s13 =	sadd.s32 $0x4000, s14;
	s22 =	sadd.s32 $0x8000, s14  }
0xc: {  	s24 =	sadd.s32 $0xC000, s14;
	s20 =	sor.u32 s21, s20;
	s21 =	simm.s32 $0x80  }
0xd: {  	s7 =	ssub.s32 s29, s7;
	s4 =	sadd.s32 s5, s1;
	s5 =	simm.s32 $0x4F  }
0xe: {  	s30 =	sadd.s32 s18, s14;
	s12 =	sadd.s32 s18, s13;
	s23 =	sadd.s32 s18, s22  }
0xf: {  	s25 =	sadd.s32 s13, s1;
	s31 =	sadd.s32 s18, s24;
	s26 =	sadd.s32 s22, s1  }
0x10: {  	s29 =	sadd.s32 $0x10000, s14;
	s24 =	sadd.s32 s24, s1;
	s5 =	simm.s32 @!p0 $0x4E  }
0x11: {  	s6 =	sshrl.u32 s30, $0x3;
	s7 =	smax.u32 s7, $0x1;
	s8 =	sadd.s32 $0x4000, s4  }
0x12: {  	s9 =	sadd.s32 $0x8000, s4;
	s10 =	sadd.s32 $0xC000, s4;
	s11 =	sadd.s32 $0x10000, s4  }
0x13: {  	s12 =	sshrl.u32 s12, $0x3;
	s23 =	sshrl.u32 s23, $0x3;
	s28 =	sshrl.u32 s31, $0x3  }
0x14: {  	s18 =	sadd.s32 s18, s29;
	s30 =	sshll.u32 s15, $0xB;
	s31 =	sshrl.u32 s20, $0x3  }
0x15: {  	s20 =	simm.s32 $0x14000;
	s22 =	sshrl.u32 s25, $0x3;
	s24 =	sshrl.u32 s24, $0x3  }
0x16: {  	s6 =	sadd.s32 s19, s6;
	s12 =	sadd.s32 s19, s12;
	s13 =	sadd.s32 s19, s23  }
0x17: {  	s14 =	sadd.s32 s19, s28;
	s18 =	sshrl.u32 s18, $0x3;
	s16 =	sadd.s32 s30, s16  }
0x18: {  	s28 =	sadd.s32 s29, s1;
	s17 =	sadd.s32 s31, s17;
	s23 =	sshrl.u32 s26, $0x3  }
0x19: {  	s26 =	simm.s32 $0x0;
	s15 =	sadd.s32 s19, s18;
	s16 =	sadd.s32 $0x9C7400, s16  }
0x1a: {  	v0 =	vimm.f32 $0.0e+00;
	s18 =	simm.s32 $0x14080;
	s19 =	simm.s32 $0x1;
	s25 =	sshrl.u32 s28, $0x3  }
.LBB2_1:
0x1b: {  	s28 =	simm.s32 $0x0;
	s29 =	simm.s32 $0x200  }
.LBB2_2:
0x1c: {  	p0 =	sne.s32 s29, $0xFE00;
	[tilespmem:s28+$0x140F0] =	vst v0  }
0x1d: {  	[tilespmem:s28+$0x14080] =	vst v0  }
0x1e: {  	[tilespmem:s28+$0x14090] =	vst v0  }
.Ltmp0:
0x1f: {  	[tilespmem:s28+$0x140A0] =	vst v0;
	(pc) =	sbr.rel @p0 .LBB2_2-.Ltmp0, $4  }
0x20: {  	[tilespmem:s28+$0x140B0] =	vst v0  }
0x21: {  	[tilespmem:s28+$0x140C0] =	vst v0  }
0x22: {  	[tilespmem:s28+$0x140D0] =	vst v0  }
0x23: {  	[tilespmem:s28+$0x140E0] =	vst v0;
	s28 =	sshra.s32 s29, $0x2;
	s29 =	sadd.s32 $0x200, s29  }
0x24: {  	[tilespmem:s28+$0x140F0] =	vst v0  }
0x25: {  	[tilespmem:s28+$0x14080] =	vst v0  }
0x26: {  	[tilespmem:s28+$0x14090] =	vst v0  }
0x27: {  	[tilespmem:s28+$0x140A0] =	vst v0  }
0x28: {  	[tilespmem:s28+$0x140B0] =	vst v0  }
0x29: {  	[tilespmem:s28+$0x140C0] =	vst v0  }
0x2a: {  	[tilespmem:s28+$0x140D0] =	vst v0  }
0x2b: {  	[tilespmem:s28+$0x140E0] =	vst v0  }
0x2c: {  	[spmem:s4] =	stream.linear.scatter [tilespmem:s18], [sflag:$0x1], $0x4000, $0x38;
	[tilespmem:$0x18080] =	vst v63  }
0x2d: {  	_ =	swait.ge [sflag:s19], $0x4000  }
0x2e: {  	[sflag:s19] =	ssyncset.done $0x0  }
0x2f: {  	[sflag:s19] =	ssyncadd.s32 $0xFFFFC000  }
0x30: {  	[spmem:s8] =	stream.linear.scatter [tilespmem:s18], [sflag:$0x1], $0x4000, $0x38;
	[tilespmem:$0x18080] =	vst v63  }
0x31: {  	_ =	swait.ge [sflag:s19], $0x4000  }
0x32: {  	[sflag:s19] =	ssyncset.done $0x0  }
0x33: {  	[sflag:s19] =	ssyncadd.s32 $0xFFFFC000  }
0x34: {  	[spmem:s9] =	stream.linear.scatter [tilespmem:s18], [sflag:$0x1], $0x4000, $0x38;
	[tilespmem:$0x18080] =	vst v63  }
0x35: {  	_ =	swait.ge [sflag:s19], $0x4000  }
0x36: {  	[sflag:s19] =	ssyncset.done $0x0  }
0x37: {  	[sflag:s19] =	ssyncadd.s32 $0xFFFFC000  }
0x38: {  	[spmem:s10] =	stream.linear.scatter [tilespmem:s18], [sflag:$0x1], $0x4000, $0x38;
	[tilespmem:$0x18080] =	vst v63  }
0x39: {  	_ =	swait.ge [sflag:s19], $0x4000  }
0x3a: {  	[sflag:s19] =	ssyncset.done $0x0  }
0x3b: {  	[sflag:s19] =	ssyncadd.s32 $0xFFFFC000  }
0x3c: {  	[spmem:s11] =	stream.linear.scatter [tilespmem:s18], [sflag:$0x1], $0x4000, $0x38;
	[tilespmem:$0x18080] =	vst v63  }
0x3d: {  	_ =	swait.ge [sflag:s19], $0x4000  }
0x3e: {  	[sflag:s19] =	ssyncset.done $0x0  }
0x3f: {  	[sflag:s19] =	ssyncadd.s32 $0xFFFFC000  }
0x40: {  	[bflag:$0x0] =	sbarrier.arrive $0xFFFF  }
0x41: {  	[tilespmem:s20], [sflag:$0x1] =	stream.linear.gather [hbm4b:s17+s3], $0x80, $0x38;
	[tilespmem:$0x18080] =	vst v63  }
0x42: {  	_ =	swait.ge [sflag:s19], $0x80  }
0x43: {  	[sflag:s19] =	ssyncset.done $0x0  }
0x44: {  	[sflag:s19] =	ssyncadd.s32 $0xFFFFFF80  }
0x45: {  	[tilespmem:s18], [sflag:$0x1] =	stream.linear.gather [hbm4b:s16+s3], $0x4000, $0x38;
	[tilespmem:$0x18080] =	vst v63  }
0x46: {  	p0 =	sne.s32 s5, $0x1;
	_ =	swait.ge [sflag:s19], $0x4000  }
.Ltmp1:
0x47: {  	[sflag:s19] =	ssyncset.done $0x0;
	(pc) =	sbr.rel @!p0 .LBB2_5-.Ltmp1, $4  }
0x48: {  	[sflag:s19] =	ssyncadd.s32 $0xFFFFC000  }
0x49: {  	[spmem:s1] =	stream.indirect.scatter.add.f32 [tilespmem:s18], [sflag:$0x1], $0x80, s20, s21, $0xb8;
	[tilespmem:$0x18080] =	vst v63  }
0x4a: {  	s28 =	sadd.s32 $0xFFFFFFFF, s5;
	_ =	swait.ge [sflag:s19], $0x4000  }
0x4b: {  	s29 =	smov.u32 s16;
	s30 =	smov.u32 s17;
	[sflag:s19] =	ssyncset.done $0x0  }
.LBB2_4:
0x4c: {  	[sflag:s19] =	ssyncadd.s32 $0xFFFFC000;
	s29 =	sadd.s32 $0x10000, s29;
	s30 =	sadd.s32 $0x200, s30  }
0x4d: {  	[tilespmem:s20], [sflag:$0x1] =	stream.linear.gather [hbm4b:s30+s3], $0x80, $0x38;
	[tilespmem:$0x18080] =	vst v63  }
0x4e: {  	p0 =	sne.s32 s28, $0x1;
	s28 =	sadd.s32 $0xFFFFFFFF, s28;
	_ =	swait.ge [sflag:s19], $0x80  }
0x4f: {  	[sflag:s19] =	ssyncset.done $0x0  }
0x50: {  	[sflag:s19] =	ssyncadd.s32 $0xFFFFFF80  }
0x51: {  	[tilespmem:s18], [sflag:$0x1] =	stream.linear.gather [hbm4b:s29+s3], $0x4000, $0x38;
	[tilespmem:$0x18080] =	vst v63  }
0x52: {  	_ =	swait.ge [sflag:s19], $0x4000  }
.Ltmp2:
0x53: {  	[sflag:s19] =	ssyncset.done $0x0;
	(pc) =	sbr.rel @p0 .LBB2_4-.Ltmp2, $4  }
0x54: {  	[sflag:s19] =	ssyncadd.s32 $0xFFFFC000  }
0x55: {  	[spmem:s1] =	stream.indirect.scatter.add.f32 [tilespmem:s18], [sflag:$0x1], $0x80, s20, s21, $0xb8;
	[tilespmem:$0x18080] =	vst v63  }
0x56: {  	_ =	swait.ge [sflag:s19], $0x4000  }
0x57: {  	[sflag:s19] =	ssyncset.done $0x0  }
.LBB2_5:
0x58: {  	[sflag:s19] =	ssyncadd.s32 $0xFFFFC000;
	s28 =	sshll.u32 s2, $0x6  }
0x59: {  	s29 =	sshrl.u32 s4, $0x3;
	[bflag:$0x0] =	sbarrier.arrive $0xFFFF;
	s28 =	sor.u32 $0x1C01, s28  }
0x5a: {  	[hbm:s6], [sflag:s28] =	dma.local [spmem:s29], $0x800  }
0x5b: {  	_ =	swait.ge [sflag:s19], $0x800  }
0x5c: {  	[sflag:s19] =	ssyncset.done $0x0  }
0x5d: {  	[sflag:s19] =	ssyncadd.s32 $0xFFFFF800  }
0x5e: {  	[hbm:s12], [sflag:s28] =	dma.local [spmem:s22], $0x800  }
0x5f: {  	_ =	swait.ge [sflag:s19], $0x800  }
0x60: {  	[sflag:s19] =	ssyncset.done $0x0  }
0x61: {  	[sflag:s19] =	ssyncadd.s32 $0xFFFFF800  }
0x62: {  	[hbm:s13], [sflag:s28] =	dma.local [spmem:s23], $0x800  }
0x63: {  	_ =	swait.ge [sflag:s19], $0x800  }
0x64: {  	[sflag:s19] =	ssyncset.done $0x0  }
0x65: {  	[sflag:s19] =	ssyncadd.s32 $0xFFFFF800  }
0x66: {  	[hbm:s14], [sflag:s28] =	dma.local [spmem:s24], $0x800  }
0x67: {  	s26 =	sadd.s32 $0x1, s26;
	_ =	swait.ge [sflag:s19], $0x800  }
0x68: {  	p0 =	sne.s32 s26, s7;
	[sflag:s19] =	ssyncset.done $0x0  }
.Ltmp3:
0x69: {  	[sflag:s19] =	ssyncadd.s32 $0xFFFFF800;
	(pc) =	sbr.rel @p0 .LBB2_1-.Ltmp3, $4  }
0x6a: {  	[hbm:s15], [sflag:s28] =	dma.local [spmem:s25], $0x800  }
0x6b: {  	_ =	swait.ge [sflag:s19], $0x800  }
0x6c: {  	[sflag:s19] =	ssyncset.done $0x0  }
0x6d: {  	[sflag:s19] =	ssyncadd.s32 $0xFFFFF800  }
0x6e: {  	_ =	sfence.sel $0x180000  }
0x6f: {  	[bflag:$0x0] =	sbarrier.arrive $0xFFFF  }
0x70: {  	p0 =	sne.s32 s2, $0x0;
	_ =	strace $0x90000047  }
0x71: {  	s0 =	sadd.s32 @!p0 $0x100000, s0;
	[bflag:$0x2] =	sbarrier.arrive $0xFFFF  }
0x72: {  	[sflag:s0] =	ssyncadd.tile.s32 @!p0 $0x1;
	_ =	shalt  }
.Lfunc_end2:
_tile_overlayer_lowered:
.L_overlay_start_2:
0x73: {  	(tag) =	ssettag $0x2  }
0x74: {  	s0 =	rddreg [dreg:$0x0];
	s2 =	stileid.u32  }
0x75: {  	s1 =	rddreg [dreg:$0x1];
	p0 =	sne.s32 s2, $0x0  }
0x76: {  	s3 =	rddreg [dreg:$0x2];
	[bflag:$0x3] =	sbarrier.arrive $0xFFFF;
	s2 =	simm.s32 @!p0 $0x1C01  }
0x77: {  	[timem:s3], [sflag:s2] =	dma.local @!p0 [hbm:s0], s1  }
0x78: {  	s0 =	simm.s32 @!p0 $0x1  }
0x79: {  	_ =	swait.ge @!p0 [sflag:s0], s1  }
0x7a: {  	s1 =	ssub.s32 @!p0 $0x0, s1;
	[sflag:s0] =	ssyncset.done @!p0 $0x0  }
0x7b: {  	[sflag:s0] =	ssyncadd.s32 @!p0 s1  }
0x7c: {  	[bflag:$0x3] =	sbarrier.arrive $0xFFFF  }
0x7d: {  	_ =	shalt  }

// kernel: kernel.16.cloned.1.call-start
scs
__scs_entry_jumppad:
0x0: {  	(pc) =	sbr.rel $0x88, $3  }
0x1: {  	(tag) =	ssettag $0x0;
	lr =	simm.s32 $0x1  }
0x2: {  	[smem:$0x3F8F] =	sst lr;
	_ =	strace $0xD0000000  }
0x3: {  	_ = 	snop  }
0x4: {  	_ = 	snop  }
0x5: {  	_ = 	snop  }
0x6: {  	_ = 	snop  }
0x7: {  	_ = 	snop  }
__scs_overlays_trampoline_lowered:
0x8: {  	[smem:$0x3F9E] =	sst s0  }
0x9: {  	[smem:$0x3F9F] =	sst s1  }
0xa: {  	[smem:$0x3FA0] =	sst s2  }
0xb: {  	[smem:$0x3FA1] =	sst s3  }
0xc: {  	[smem:$0x3FA2] =	sst s4  }
0xd: {  	[smem:$0x3FA3] =	sst s5  }
0xe: {  	[smem:$0x3FA4] =	sst s6  }
0xf: {  	[smem:$0x3FA5] =	sst s7  }
0x10: {  	[smem:$0x3FA6] =	sst s8  }
0x11: {  	[smem:$0x3FA7] =	sst s9;
	s0 =	simm.s32 @!p0 $0x0  }
0x12: {  	s1 =	sld [smem:$0x3F8D];
	s0 =	simm.s32 @p0 $0x1  }
0x13: {  	[smem:$0x3FA8] =	sst s0;
	s0 =	simm.s32 @!p1 $0x0  }
0x14: {  	s2 =	sld [smem:$0x3F8C];
	s0 =	simm.s32 @p1 $0x1  }
0x15: {  	[smem:$0x3FA9] =	sst s0;
	s0 =	simm.s32 @!p2 $0x0  }
0x16: {  	s3 =	sld [smem:$0x3FDB];
	s0 =	simm.s32 @p2 $0x1  }
0x17: {  	s4 =	simm.s32 $0x1BF5;
	[smem:$0x3FAB] =	sst s0  }
0x18: {  	s0 =	sld [smem:$0x3F8E];
	_ =	swait.ge [sflag:s4], $0x0  }
0x19: {  	s7 =	sld [smem:$0x3F8F]  }
0x1a: {  	s8 =	sadd.s32 $0xFFFFE003, lr  }
0x1b: {  	s9 =	sadd.s32 $0xFFFFFEF7, lr;
	s5 =	simm.s32 $0xFFFFFFFF;
	p2 =	slt.u32 s8, $0xFFFFF086  }
0x1c: {  	p1 =	slt.u32 s9, $0xF7A;
	s5 =	simm.s32 @!p2 $0x0  }
0x1d: {  	s5 =	simm.s32 @p1 $0x1;
	p0 =	seq.s32 s7, s2  }
0x1e: {  	s7 =	smul.u32 @!p0 $0xF7A, s2;
	p2 =	seq.s32 @!p0 s5, $0x0  }
0x1f: {  	s9 =	smul.u32 $0xF7A, s1;
	s8 =	simm.s32 @!p0 $0x1BF5;
	p2 =	por !p2, p0  }
0x20: {  	[sflag:s8] =	ssyncset.s32 @!p0 $0xFFFFF086;
	s6 =	sadd.s32 @!p0 s3, s7;
	s7 =	simm.s32 @!p0 $0x108  }
0x21: {  	s3 =	sadd.s32 s3, s9;
	s6 =	sadd.s32 @!p0 $0x88, s6;
	s7 =	simm.s32 @p2 $0x1082  }
0x22: {  	[simem:s7], [sflag:s8] =	dma.local @!p0 [hbm:s6], $0xF7A  }
0x23: {  	s9 =	sor.u32 $0xD0000000, s2;
	s6 =	simm.s32 $0x108;
	_ =	swait.ge @!p0 [sflag:s8], $0x0  }
0x24: {  	s3 =	sadd.s32 $0x88, s3;
	s6 =	simm.s32 @!p1 $0x1082;
	[sflag:s4] =	ssyncset.s32 $0xFFFFF086  }
0x25: {  	[simem:s6], [sflag:s4] =	dma.local [hbm:s3], $0xF7A  }
0x26: {  	[smem:$0x3F8F] =	sst s1;
	(tag) =	ssettag s2;
	_ =	strace s9  }
0x27: {  	s1 =	sld [smem:$0x3F9F]  }
0x28: {  	s2 =	sld [smem:$0x3FA0]  }
0x29: {  	s4 =	sld [smem:$0x3FA2]  }
0x2a: {  	p0 =	seq.s32 s5, $0x0;
	s5 =	sld [smem:$0x3FA3]  }
0x2b: {  	s6 =	sld [smem:$0x3FA4]  }
0x2c: {  	s7 =	sld [smem:$0x3FA5]  }
0x2d: {  	s3 =	simm.s32 $0x108;
	s8 =	sld [smem:$0x3FA6]  }
0x2e: {  	s3 =	simm.s32 @!p0 $0x1082;
	s9 =	sld [smem:$0x3FA7]  }
0x2f: {  	lr =	sadd.s32 s0, s3;
	s0 =	sld [smem:$0x3F9E]  }
0x30: {  	s3 =	sld [smem:$0x3FA1]  }
0x31: {  	[smem:$0x3FAA] =	sst s10  }
0x32: {  	s10 =	sld [smem:$0x3FA8];
	_ =	sdelay $0x3  }
0x33: {  	p0 =	seq.s32 s10, $0x1;
	s10 =	sld [smem:$0x3FAA];
	_ =	sdelay $0x3  }
0x34: {  	[smem:$0x3FAA] =	sst s10  }
0x35: {  	s10 =	sld [smem:$0x3FA9];
	_ =	sdelay $0x3  }
0x36: {  	p1 =	seq.s32 s10, $0x1;
	s10 =	sld [smem:$0x3FAA];
	_ =	sdelay $0x3  }
0x37: {  	[smem:$0x3FAA] =	sst s10  }
0x38: {  	s10 =	sld [smem:$0x3FAB]  }
0x39: {  	_ = 	snop;
	(pc) =	sbr.ind lr, $3  }
0x3a: {  	_ = 	snop  }
0x3b: {  	_ = 	snop  }
0x3c: {  	p2 =	seq.s32 s10, $0x1;
	s10 =	sld [smem:$0x3FAA]  }
0x3d: {  	_ =	shalt  }
0x3e: {  	_ =	shalt  }
0x3f: {  	_ =	shalt  }
0x40: {  	_ =	shalt  }
0x41: {  	_ =	shalt  }
0x42: {  	_ =	shalt  }
0x43: {  	_ =	shalt  }
0x44: {  	_ =	shalt  }
0x45: {  	_ =	shalt  }
0x46: {  	_ =	shalt  }
0x47: {  	_ =	shalt  }
0x48: {  	_ =	shalt  }
0x49: {  	_ =	shalt  }
0x4a: {  	_ =	shalt  }
0x4b: {  	_ =	shalt  }
0x4c: {  	_ =	shalt  }
0x4d: {  	_ =	shalt  }
0x4e: {  	_ =	shalt  }
0x4f: {  	_ =	shalt  }
0x50: {  	_ =	shalt  }
0x51: {  	_ =	shalt  }
0x52: {  	_ =	shalt  }
0x53: {  	_ =	shalt  }
0x54: {  	_ =	shalt  }
0x55: {  	_ =	shalt  }
0x56: {  	_ =	shalt  }
0x57: {  	_ =	shalt  }
0x58: {  	_ =	shalt  }
0x59: {  	_ =	shalt  }
0x5a: {  	_ =	shalt  }
0x5b: {  	_ =	shalt  }
0x5c: {  	_ =	shalt  }
0x5d: {  	_ =	shalt  }
0x5e: {  	_ =	shalt  }
0x5f: {  	_ =	shalt  }
0x60: {  	_ =	shalt  }
0x61: {  	_ =	shalt  }
0x62: {  	_ =	shalt  }
0x63: {  	_ =	shalt  }
0x64: {  	_ =	shalt  }
0x65: {  	_ =	shalt  }
0x66: {  	_ =	shalt  }
0x67: {  	_ =	shalt  }
0x68: {  	_ =	shalt  }
0x69: {  	_ =	shalt  }
0x6a: {  	_ =	shalt  }
0x6b: {  	_ =	shalt  }
0x6c: {  	_ =	shalt  }
0x6d: {  	_ =	shalt  }
0x6e: {  	_ =	shalt  }
0x6f: {  	_ =	shalt  }
0x70: {  	_ =	shalt  }
0x71: {  	_ =	shalt  }
0x72: {  	_ =	shalt  }
0x73: {  	_ =	shalt  }
0x74: {  	_ =	shalt  }
0x75: {  	_ =	shalt  }
0x76: {  	_ =	shalt  }
0x77: {  	_ =	shalt  }
0x78: {  	_ =	shalt  }
0x79: {  	_ =	shalt  }
0x7a: {  	_ =	shalt  }
0x7b: {  	_ =	shalt  }
0x7c: {  	_ =	shalt  }
0x7d: {  	_ =	shalt  }
0x7e: {  	_ =	shalt  }
0x7f: {  	_ =	shalt  }
0x80: {  	_ =	shalt  }
0x81: {  	_ =	shalt  }
0x82: {  	_ =	shalt  }
0x83: {  	_ =	shalt  }
0x84: {  	_ =	shalt  }
0x85: {  	_ =	shalt  }
0x86: {  	_ =	shalt  }
0x87: {  	_ =	shalt  }
.Lfunc_end0:
.L_simem_size_0:
called_computation.2_lowered:
.L_overlay_start_0:
0x88: {  	s2 =	sld [smem:$0x3FD9]  }
0x89: {  	s3 =	sld [smem:$0x3FFE];
	_ =	sdelay $0x1  }
0x8a: {  	s1 =	srdreg.scid  }
0x8b: {  	s0 =	sand.u32 $0x1, s1  }
0x8c: {  	s17 =	sshll.u32 s0, $0xA;
	s2 =	sadd.s32 s3, s2  }
0x8d: {  	s2 =	sadd.s32 s2, s17  }
0x8e: {  	[smem:$0x3FB6] =	sst s2  }
0x8f: {  	_ = 	snop  }
0x90: {  	s18 =	sld [smem:$0x3FC7]  }
0x91: {  	s4 =	sld [smem:$0x3FBF]  }
0x92: {  	s5 =	sld [smem:$0x3FBE];
	(tm) =	ssettm $0x1  }
0x93: {  	s19 =	sld [smem:$0x3FFB];
	_ =	sdelay $0x3  }
0x94: {  	_ =	strace s19  }
0x95: {  	s2 =	sld [smem:$0x3FFC];
	_ =	sdelay $0x3  }
0x96: {  	_ =	strace s2  }
0x97: {  	s2 =	sld [smem:$0x3FFD];
	_ =	sdelay $0x3  }
0x98: {  	_ =	strace s2  }
0x99: {  	_ =	strace $0x8FFFFFFF  }
0x9a: {  	s20 =	sld [smem:$0x3FDB];
	_ =	sdelay $0x1  }
0x9b: {  	s6 =	simm.s32 $_scs_section_size  }
0x9c: {  	s7 =	simm.s32 $_size__tile_overlayer_lowered;
	s8 =	simm.s32 $_tile_overlayer_lowered  }
0x9d: {  	s9 =	simm.s32 $0x1BFF;
	s21 =	sshll.u32 s8, $0x1;
	s6 =	sadd.s32 s6, s20  }
0x9e: {  	s22 =	simm.s32 $0x0;
	s7 =	sshll.u32 s7, $0x1;
	s8 =	sadd.s32 s21, s6  }
0x9f: {  	[timem:s22], [sflag:s9] =	dma.local [hbm:s8], s7  }
0xa0: {  	_ =	swait.ge [sflag:s9], s7  }
0xa1: {  	s7 =	ssub.s32 $0x0, s7;
	[sflag:s9] =	ssyncset.done $0x0  }
0xa2: {  	[sflag:s9] =	ssyncadd.s32 s7;
	_ =	sdelay $0x1  }
0xa3: {  	s23 =	simm.s32 $0x1B8B  }
0xa4: {  	_ =	swait.ge [sflag:s23], $0x1  }
0xa5: {  	[sflag:s23] =	ssyncset.done $0x0  }
0xa6: {  	[sflag:s23] =	ssyncadd.s32 $0xFFFFFFFF  }
0xa7: {  	s7 =	sld [smem:$0x0]  }
0xa8: {  	s8 =	sand.u32 $0xFFFFFFFE, s1  }
0xa9: {  	p0 =	sne.s32 s1, s8  }
0xaa: {  	s8 =	sshll.u32 @p0 s8, $0xE  }
0xab: {  	s8 =	sadd.s32 @p0 $0x11B8D, s8;
	s9 =	sshll.u32 @p0 s7, $0x11  }
0xac: {  	s8 =	sor.u32 @p0 s9, s8  }
0xad: {  	[sflag:s8] =	ssyncadd.remote.s32 @p0 $0x1;
	_ =	sdelay $0x1  }
0xae: {  	s8 =	simm.s32 @p0 $0x1B8D  }
0xaf: {  	_ =	swait.eq @p0 [sflag:s8], $0x1  }
0xb0: {  	[sflag:s8] =	ssyncadd.s32 @p0 $0xFFFFFFFF  }
0xb1: {  	s9 =	sshll.u32 @!p0 s1, $0xE  }
0xb2: {  	s9 =	sor.u32 @!p0 $0x4000, s9;
	s8 =	simm.s32 @!p0 $0x1B8D  }
0xb3: {  	s7 =	sshll.u32 @!p0 s7, $0x11;
	s9 =	sadd.s32 @!p0 $0x11B8D, s9;
	_ =	swait.eq @!p0 [sflag:s8], $0x1  }
0xb4: {  	s7 =	sor.u32 @!p0 s7, s9;
	[sflag:s8] =	ssyncadd.s32 @!p0 $0xFFFFFFFF  }
0xb5: {  	s25 =	simm.s32 $0x1B8E;
	s24 =	sld [smem:$0x3FFE];
	[sflag:s7] =	ssyncadd.remote.s32 @!p0 $0x1  }
0xb6: {  	s26 =	simm.s32 $execute0_lowered;
	[smem:$0x3FD2] =	sst s25  }
0xb7: {  	s8 =	sshll.u32 s26, $0x1;
	_ =	strace $0x8000004F;
	[dreg:$0x1] =	wrdreg $0xFFFFFFFF  }
0xb8: {  	s28 =	simm.s32 $_size_execute0_lowered;
	s6 =	sadd.s32 s6, s8;
	[dreg:$0x0] =	wrdreg $0x0  }
0xb9: {  	s8 =	sshll.u32 s28, $0x1;
	[dreg:$0x2] =	wrdreg s6  }
0xba: {  	[dreg:$0x3] =	wrdreg s8  }
0xbb: {  	[dreg:$0x4] =	wrdreg $0xC0  }
0xbc: {  	_ =	task [dreg:s22], $0x5FFFF  }
0xbd: {  	[dreg:$0x1] =	wrdreg $0xFFFFFFFF  }
0xbe: {  	[dreg:$0x0] =	wrdreg $0x60  }
0xbf: {  	[dreg:$0x2] =	wrdreg s18  }
0xc0: {  	[dreg:$0x3] =	wrdreg s4  }
0xc1: {  	[dreg:$0x4] =	wrdreg s5  }
0xc2: {  	[dreg:$0x5] =	wrdreg s24  }
0xc3: {  	[dreg:$0x6] =	wrdreg $0x0  }
0xc4: {  	[dreg:$0x7] =	wrdreg $0xB  }
0xc5: {  	_ =	task.clear_ibuf [dreg:s22], $0x8FFFF;
	_ =	strace $0x9000004F  }
0xc6: {  	s29 =	simm.s32 $0xB;
	_ =	strace $0x80000051  }
0xc7: {  	_ =	swait.ge [sflag:s29], $0x1  }
0xc8: {  	[sflag:s29] =	ssyncadd.s32 $0xFFFFFFFF  }
0xc9: {  	_ =	strace $0x90000051  }
0xca: {  	_ =	sfence  }
0xcb: {  	s30 =	sld [smem:$0x0];
	_ =	sdelay $0x2  }
0xcc: {  	s31 =	sshll.u32 s1, $0xD;
	s1 =	sshrl.u32 s1, $0x2  }
0xcd: {  	s4 =	sand.u32 $0x4000, s31;
	s1 =	sadd.s32 s1, s30  }
0xce: {  	s0 =	sor.u32 s4, s0;
	s1 =	sshll.u32 s1, $0x11  }
0xcf: {  	s0 =	sor.u32 s1, s0  }
0xd0: {  	s0 =	sadd.s32 $0x8F2B, s0  }
0xd1: {  	[sflag:s0] =	ssyncadd.remote.s32 $0x1  }
0xd2: {  	_ =	sfence.sel $0xFFFF  }
0xd3: {  	[dreg:$0x0] =	wrdreg $0xFFFFFFFF;
	(pc) =	sbr.abs _section_cstart, $3  }
0xd4: {  	[dreg:$0x1] =	wrdreg $0xFFFFFFFF  }
0xd5: {  	_ =	task.clear_ibuf [dreg:s22], $0x2FFFF;
	_ =	strace $0x9FFFFFFF  }
0xd6: {  	(tm) =	ssettm $0x7FFFFFFF  }
0xd7: {  	_ =	shalt  }
tec
execute0_lowered:
.L_overlay_start_1:
0x0: {  	(tag) =	ssettag $0x1  }
0x1: {  	s1 =	rddreg [dreg:$0x0]  }
0x2: {  	s2 =	rddreg [dreg:$0x1]  }
0x3: {  	s0 =	rddreg [dreg:$0x2]  }
0x4: {  	s5 =	rddreg [dreg:$0x3]  }
0x5: {  	s3 =	rddreg [dreg:$0x4]  }
0x6: {  	s4 =	simm.s32 $0x0;
	s6 =	srdreg.scid;
	s10 =	stileid.u32  }
0x7: {  	s28 =	simm.s32 $0x80;
	s29 =	simm.s32 $0x1;
	s30 =	simm.s32 $0x0  }
0x8: {  	[smem:$0x7FF] =	sst s4;
	s7 =	sand.u32 $0x1, s6;
	s25 =	smul.u32 $0x50000, s10  }
0x9: {  	s15 =	smul.u32 $0x14000, s10;
	s17 =	sadd.s32 $0xEF9400, s5;
	p0 =	slt.u32 s10, $0x2  }
0xa: {  	s18 =	sshll.u32 s10, $0x8;
	_ =	strace $0x80000050;
	s8 =	ssub.s32 $0x2, s7  }
0xb: {  	s16 =	smul.u32 $0x140000, s7;
	s19 =	sshll.u32 s7, $0x7;
	s9 =	sshrl.u32 s8, $0x1  }
0xc: {  	s6 =	sshrl.u32 s25, $0x2;
	s14 =	sadd.s32 $0x4000, s15;
	s20 =	sadd.s32 $0x8000, s15  }
0xd: {  	s22 =	sadd.s32 $0xC000, s15;
	s18 =	sor.u32 s19, s18;
	s19 =	simm.s32 $0x14100  }
0xe: {  	s8 =	ssub.s32 s8, s9;
	s5 =	sadd.s32 s6, s3;
	s6 =	simm.s32 $0x4F  }
0xf: {  	s26 =	sadd.s32 s16, s15;
	s13 =	sadd.s32 s16, s14;
	s21 =	sadd.s32 s16, s20  }
0x10: {  	s23 =	sadd.s32 s14, s3;
	s31 =	sadd.s32 s16, s22;
	s24 =	sadd.s32 s20, s3  }
0x11: {  	s18 =	sshrl.u32 s18, $0x3;
	s20 =	simm.s32 $0x2;
	s6 =	simm.s32 @!p0 $0x4E  }
0x12: {  	s9 =	sshrl.u32 s26, $0x3;
	s8 =	smax.u32 s8, $0x1;
	s10 =	sadd.s32 $0x8000, s5  }
0x13: {  	s11 =	sadd.s32 $0xC000, s5;
	s12 =	sadd.s32 $0x10000, s5;
	s13 =	sshrl.u32 s13, $0x3  }
0x14: {  	s21 =	sshrl.u32 s21, $0x3;
	s25 =	sshrl.u32 s31, $0x3;
	s26 =	sadd.s32 $0x10000, s15  }
0x15: {  	s0 =	sadd.s32 s18, s0;
	s2 =	sadd.s32 s18, s2;
	s7 =	sadd.s32 s17, s9  }
0x16: {  	s9 =	sadd.s32 $0x4000, s5;
	s13 =	sadd.s32 s17, s13;
	s14 =	sadd.s32 s17, s21  }
0x17: {  	s15 =	sadd.s32 s17, s25;
	s16 =	sadd.s32 s16, s26;
	s25 =	sadd.s32 s22, s3  }
0x18: {  	s31 =	sadd.s32 s26, s3;
	s21 =	simm.s32 $0x14000;
	s22 =	sshrl.u32 s23, $0x3  }
0x19: {  	s23 =	sshrl.u32 s24, $0x3;
	s26 =	simm.s32 $0x14080;
	s16 =	sshrl.u32 s16, $0x3  }
0x1a: {  	v0 =	vimm.f32 $0.0e+00;
	s24 =	sshrl.u32 s25, $0x3;
	s25 =	sshrl.u32 s31, $0x3;
	s16 =	sadd.s32 s17, s16  }
.LBB2_1:
0x1b: {  	s17 =	simm.s32 $0x0;
	s18 =	simm.s32 $0x200  }
.LBB2_2:
0x1c: {  	p0 =	sne.s32 s18, $0xFE00;
	[tilespmem:s17+$0x14170] =	vst v0  }
0x1d: {  	[tilespmem:s17+$0x14100] =	vst v0  }
0x1e: {  	[tilespmem:s17+$0x14110] =	vst v0  }
.Ltmp0:
0x1f: {  	[tilespmem:s17+$0x14120] =	vst v0;
	(pc) =	sbr.rel @p0 .LBB2_2-.Ltmp0, $4  }
0x20: {  	[tilespmem:s17+$0x14130] =	vst v0  }
0x21: {  	[tilespmem:s17+$0x14140] =	vst v0  }
0x22: {  	[tilespmem:s17+$0x14150] =	vst v0  }
0x23: {  	[tilespmem:s17+$0x14160] =	vst v0;
	s17 =	sshra.s32 s18, $0x2;
	s18 =	sadd.s32 $0x200, s18  }
0x24: {  	[tilespmem:s17+$0x14170] =	vst v0  }
0x25: {  	[tilespmem:s17+$0x14100] =	vst v0  }
0x26: {  	[tilespmem:s17+$0x14110] =	vst v0  }
0x27: {  	[tilespmem:s17+$0x14120] =	vst v0  }
0x28: {  	[tilespmem:s17+$0x14130] =	vst v0  }
0x29: {  	[tilespmem:s17+$0x14140] =	vst v0  }
0x2a: {  	[tilespmem:s17+$0x14150] =	vst v0  }
0x2b: {  	[tilespmem:s17+$0x14160] =	vst v0  }
0x2c: {  	[spmem:s5] =	stream.linear.scatter [tilespmem:s19], [sflag:$0x2], $0x4000, $0x38;
	[tilespmem:$0x18100] =	vst v63  }
0x2d: {  	_ =	swait.ge [sflag:s20], $0x4000  }
0x2e: {  	[sflag:s20] =	ssyncset.done $0x0  }
0x2f: {  	[sflag:s20] =	ssyncadd.s32 $0xFFFFC000  }
0x30: {  	[spmem:s9] =	stream.linear.scatter [tilespmem:s19], [sflag:$0x2], $0x4000, $0x38;
	[tilespmem:$0x18100] =	vst v63  }
0x31: {  	_ =	swait.ge [sflag:s20], $0x4000  }
0x32: {  	[sflag:s20] =	ssyncset.done $0x0  }
0x33: {  	[sflag:s20] =	ssyncadd.s32 $0xFFFFC000  }
0x34: {  	[spmem:s10] =	stream.linear.scatter [tilespmem:s19], [sflag:$0x2], $0x4000, $0x38;
	[tilespmem:$0x18100] =	vst v63  }
0x35: {  	_ =	swait.ge [sflag:s20], $0x4000  }
0x36: {  	[sflag:s20] =	ssyncset.done $0x0  }
0x37: {  	[sflag:s20] =	ssyncadd.s32 $0xFFFFC000  }
0x38: {  	[spmem:s11] =	stream.linear.scatter [tilespmem:s19], [sflag:$0x2], $0x4000, $0x38;
	[tilespmem:$0x18100] =	vst v63  }
0x39: {  	_ =	swait.ge [sflag:s20], $0x4000  }
0x3a: {  	[sflag:s20] =	ssyncset.done $0x0  }
0x3b: {  	[sflag:s20] =	ssyncadd.s32 $0xFFFFC000  }
0x3c: {  	[spmem:s12] =	stream.linear.scatter [tilespmem:s19], [sflag:$0x2], $0x4000, $0x38;
	[tilespmem:$0x18100] =	vst v63  }
0x3d: {  	_ =	swait.ge [sflag:s20], $0x4000  }
0x3e: {  	[sflag:s20] =	ssyncset.done $0x0  }
0x3f: {  	[sflag:s20] =	ssyncadd.s32 $0xFFFFC000  }
0x40: {  	[bflag:$0x0] =	sbarrier.arrive $0xFFFF  }
0x41: {  	[tilespmem:s21], [sflag:$0x2] =	stream.linear.gather [hbm4b:s2+s4], $0x80, $0x38;
	[tilespmem:$0x18100] =	vst v63  }
0x42: {  	_ =	swait.ge [sflag:s20], $0x80  }
0x43: {  	[sflag:s20] =	ssyncset.done $0x0  }
0x44: {  	[sflag:s20] =	ssyncadd.s32 $0xFFFFFF80  }
0x45: {  	[tilespmem:s26], [sflag:$0x2] =	stream.linear.gather [hbm4b:s0+s4], $0x80, $0x38;
	[tilespmem:$0x18100] =	vst v63  }
0x46: {  	_ =	swait.ge [sflag:s20], $0x80  }
0x47: {  	[sflag:s20] =	ssyncset.done $0x0  }
0x48: {  	[sflag:s20] =	ssyncadd.s32 $0xFFFFFF80  }
0x49: {  	[tilespmem:s19], [sflag:$0x1] =	stream.indirect.gather [hbm4b:s1+s28], $0x80, s21, s28, $0xb8;
	[tilespmem:$0x18100] =	vst v63  }
0x4a: {  	p0 =	sne.s32 s6, $0x1;
	_ =	swait.ge [sflag:s29], $0x4000  }
.Ltmp1:
0x4b: {  	[sflag:s29] =	ssyncset.done $0x0;
	(pc) =	sbr.rel @!p0 .LBB2_5-.Ltmp1, $4  }
0x4c: {  	[sflag:s29] =	ssyncadd.s32 $0xFFFFC000  }
0x4d: {  	[spmem:s3] =	stream.indirect.scatter.add.f32 [tilespmem:s19], [sflag:$0x2], $0x80, s26, s28, $0xb8;
	[tilespmem:$0x18100] =	vst v63  }
0x4e: {  	s31 =	sadd.s32 $0xFFFFFFFF, s6;
	_ =	swait.ge [sflag:s20], $0x4000  }
0x4f: {  	s17 =	smov.u32 s0;
	s18 =	smov.u32 s2;
	[sflag:s20] =	ssyncset.done $0x0  }
.LBB2_4:
0x50: {  	[sflag:s20] =	ssyncadd.s32 $0xFFFFC000;
	s17 =	sadd.s32 $0x200, s17;
	s18 =	sadd.s32 $0x200, s18  }
0x51: {  	[tilespmem:s21], [sflag:$0x2] =	stream.linear.gather [hbm4b:s18+s4], $0x80, $0x38;
	[tilespmem:$0x18100] =	vst v63  }
0x52: {  	p0 =	sne.s32 s31, $0x1;
	s31 =	sadd.s32 $0xFFFFFFFF, s31;
	_ =	swait.ge [sflag:s20], $0x80  }
0x53: {  	[sflag:s20] =	ssyncset.done $0x0  }
0x54: {  	[sflag:s20] =	ssyncadd.s32 $0xFFFFFF80  }
0x55: {  	[tilespmem:s26], [sflag:$0x2] =	stream.linear.gather [hbm4b:s17+s4], $0x80, $0x38;
	[tilespmem:$0x18100] =	vst v63  }
0x56: {  	_ =	swait.ge [sflag:s20], $0x80  }
0x57: {  	[sflag:s20] =	ssyncset.done $0x0  }
0x58: {  	[sflag:s20] =	ssyncadd.s32 $0xFFFFFF80  }
0x59: {  	[tilespmem:s19], [sflag:$0x1] =	stream.indirect.gather [hbm4b:s1+s28], $0x80, s21, s28, $0xb8;
	[tilespmem:$0x18100] =	vst v63  }
0x5a: {  	_ =	swait.ge [sflag:s29], $0x4000  }
.Ltmp2:
0x5b: {  	[sflag:s29] =	ssyncset.done $0x0;
	(pc) =	sbr.rel @p0 .LBB2_4-.Ltmp2, $4  }
0x5c: {  	[sflag:s29] =	ssyncadd.s32 $0xFFFFC000  }
0x5d: {  	[spmem:s3] =	stream.indirect.scatter.add.f32 [tilespmem:s19], [sflag:$0x2], $0x80, s26, s28, $0xb8;
	[tilespmem:$0x18100] =	vst v63  }
0x5e: {  	_ =	swait.ge [sflag:s20], $0x4000  }
0x5f: {  	[sflag:s20] =	ssyncset.done $0x0  }
.LBB2_5:
0x60: {  	s17 =	stileid.u32  }
0x61: {  	[sflag:s20] =	ssyncadd.s32 $0xFFFFC000;
	s17 =	sshll.u32 s17, $0x6  }
0x62: {  	s18 =	sshrl.u32 s5, $0x3;
	[bflag:$0x0] =	sbarrier.arrive $0xFFFF;
	s17 =	sor.u32 $0x1C02, s17  }
0x63: {  	[hbm:s7], [sflag:s17] =	dma.local [spmem:s18], $0x800  }
0x64: {  	_ =	swait.ge [sflag:s20], $0x800  }
0x65: {  	[sflag:s20] =	ssyncset.done $0x0  }
0x66: {  	[sflag:s20] =	ssyncadd.s32 $0xFFFFF800  }
0x67: {  	[hbm:s13], [sflag:s17] =	dma.local [spmem:s22], $0x800  }
0x68: {  	_ =	swait.ge [sflag:s20], $0x800  }
0x69: {  	[sflag:s20] =	ssyncset.done $0x0  }
0x6a: {  	[sflag:s20] =	ssyncadd.s32 $0xFFFFF800  }
0x6b: {  	[hbm:s14], [sflag:s17] =	dma.local [spmem:s23], $0x800  }
0x6c: {  	_ =	swait.ge [sflag:s20], $0x800  }
0x6d: {  	[sflag:s20] =	ssyncset.done $0x0  }
0x6e: {  	[sflag:s20] =	ssyncadd.s32 $0xFFFFF800  }
0x6f: {  	[hbm:s15], [sflag:s17] =	dma.local [spmem:s24], $0x800  }
0x70: {  	s30 =	sadd.s32 $0x1, s30;
	_ =	swait.ge [sflag:s20], $0x800  }
0x71: {  	p0 =	sne.s32 s30, s8;
	[sflag:s20] =	ssyncset.done $0x0  }
.Ltmp3:
0x72: {  	[sflag:s20] =	ssyncadd.s32 $0xFFFFF800;
	(pc) =	sbr.rel @p0 .LBB2_1-.Ltmp3, $4  }
0x73: {  	[hbm:s16], [sflag:s17] =	dma.local [spmem:s25], $0x800  }
0x74: {  	_ =	swait.ge [sflag:s20], $0x800  }
0x75: {  	[sflag:s20] =	ssyncset.done $0x0  }
0x76: {  	[sflag:s20] =	ssyncadd.s32 $0xFFFFF800  }
0x77: {  	_ =	sfence.sel $0x180000  }
0x78: {  	[bflag:$0x0] =	sbarrier.arrive $0xFFFF  }
0x79: {  	_ =	strace $0x90000050  }
0x7a: {  	s0 =	stileid.u32;
	[bflag:$0x2] =	sbarrier.arrive $0xFFFF  }
0x7b: {  	p0 =	sne.s32 s0, $0x0;
	s0 =	rddreg [dreg:$0x5]  }
0x7c: {  	s0 =	sadd.s32 @!p0 $0x100000, s0  }
0x7d: {  	[sflag:s0] =	ssyncadd.tile.s32 @!p0 $0x1;
	_ =	shalt  }
.Lfunc_end2:
_tile_overlayer_lowered:
.L_overlay_start_2:
0x7e: {  	(tag) =	ssettag $0x2  }
0x7f: {  	s0 =	rddreg [dreg:$0x0];
	s2 =	stileid.u32  }
0x80: {  	s1 =	rddreg [dreg:$0x1];
	p0 =	sne.s32 s2, $0x0  }
0x81: {  	s3 =	rddreg [dreg:$0x2];
	[bflag:$0x3] =	sbarrier.arrive $0xFFFF;
	s2 =	simm.s32 @!p0 $0x1C02  }
0x82: {  	[timem:s3], [sflag:s2] =	dma.local @!p0 [hbm:s0], s1  }
0x83: {  	s0 =	simm.s32 @!p0 $0x2  }
0x84: {  	_ =	swait.ge @!p0 [sflag:s0], s1  }
0x85: {  	s1 =	ssub.s32 @!p0 $0x0, s1;
	[sflag:s0] =	ssyncset.done @!p0 $0x0  }
0x86: {  	[sflag:s0] =	ssyncadd.s32 @!p0 s1  }
0x87: {  	[bflag:$0x3] =	sbarrier.arrive $0xFFFF  }
0x88: {  	_ =	shalt  }

// kernel: kernel.19.cloned.1.call-start
scs
__scs_entry_jumppad:
0x0: {  	(pc) =	sbr.rel $0x88, $3  }
0x1: {  	(tag) =	ssettag $0x0;
	lr =	simm.s32 $0x1  }
0x2: {  	[smem:$0x3F8F] =	sst lr;
	_ =	strace $0xD0000000  }
0x3: {  	_ = 	snop  }
0x4: {  	_ = 	snop  }
0x5: {  	_ = 	snop  }
0x6: {  	_ = 	snop  }
0x7: {  	_ = 	snop  }
__scs_overlays_trampoline_lowered:
0x8: {  	[smem:$0x3F9E] =	sst s0  }
0x9: {  	[smem:$0x3F9F] =	sst s1  }
0xa: {  	[smem:$0x3FA0] =	sst s2  }
0xb: {  	[smem:$0x3FA1] =	sst s3  }
0xc: {  	[smem:$0x3FA2] =	sst s4  }
0xd: {  	[smem:$0x3FA3] =	sst s5  }
0xe: {  	[smem:$0x3FA4] =	sst s6  }
0xf: {  	[smem:$0x3FA5] =	sst s7  }
0x10: {  	[smem:$0x3FA6] =	sst s8  }
0x11: {  	[smem:$0x3FA7] =	sst s9;
	s0 =	simm.s32 @!p0 $0x0  }
0x12: {  	s1 =	sld [smem:$0x3F8D];
	s0 =	simm.s32 @p0 $0x1  }
0x13: {  	[smem:$0x3FA8] =	sst s0;
	s0 =	simm.s32 @!p1 $0x0  }
0x14: {  	s2 =	sld [smem:$0x3F8C];
	s0 =	simm.s32 @p1 $0x1  }
0x15: {  	[smem:$0x3FA9] =	sst s0;
	s0 =	simm.s32 @!p2 $0x0  }
0x16: {  	s3 =	sld [smem:$0x3FDB];
	s0 =	simm.s32 @p2 $0x1  }
0x17: {  	s4 =	simm.s32 $0x1BF5;
	[smem:$0x3FAB] =	sst s0  }
0x18: {  	s0 =	sld [smem:$0x3F8E];
	_ =	swait.ge [sflag:s4], $0x0  }
0x19: {  	s7 =	sld [smem:$0x3F8F]  }
0x1a: {  	s8 =	sadd.s32 $0xFFFFE003, lr  }
0x1b: {  	s9 =	sadd.s32 $0xFFFFFEF7, lr;
	s5 =	simm.s32 $0xFFFFFFFF;
	p2 =	slt.u32 s8, $0xFFFFF086  }
0x1c: {  	p1 =	slt.u32 s9, $0xF7A;
	s5 =	simm.s32 @!p2 $0x0  }
0x1d: {  	s5 =	simm.s32 @p1 $0x1;
	p0 =	seq.s32 s7, s2  }
0x1e: {  	s7 =	smul.u32 @!p0 $0xF7A, s2;
	p2 =	seq.s32 @!p0 s5, $0x0  }
0x1f: {  	s9 =	smul.u32 $0xF7A, s1;
	s8 =	simm.s32 @!p0 $0x1BF5;
	p2 =	por !p2, p0  }
0x20: {  	[sflag:s8] =	ssyncset.s32 @!p0 $0xFFFFF086;
	s6 =	sadd.s32 @!p0 s3, s7;
	s7 =	simm.s32 @!p0 $0x108  }
0x21: {  	s3 =	sadd.s32 s3, s9;
	s6 =	sadd.s32 @!p0 $0x88, s6;
	s7 =	simm.s32 @p2 $0x1082  }
0x22: {  	[simem:s7], [sflag:s8] =	dma.local @!p0 [hbm:s6], $0xF7A  }
0x23: {  	s9 =	sor.u32 $0xD0000000, s2;
	s6 =	simm.s32 $0x108;
	_ =	swait.ge @!p0 [sflag:s8], $0x0  }
0x24: {  	s3 =	sadd.s32 $0x88, s3;
	s6 =	simm.s32 @!p1 $0x1082;
	[sflag:s4] =	ssyncset.s32 $0xFFFFF086  }
0x25: {  	[simem:s6], [sflag:s4] =	dma.local [hbm:s3], $0xF7A  }
0x26: {  	[smem:$0x3F8F] =	sst s1;
	(tag) =	ssettag s2;
	_ =	strace s9  }
0x27: {  	s1 =	sld [smem:$0x3F9F]  }
0x28: {  	s2 =	sld [smem:$0x3FA0]  }
0x29: {  	s4 =	sld [smem:$0x3FA2]  }
0x2a: {  	p0 =	seq.s32 s5, $0x0;
	s5 =	sld [smem:$0x3FA3]  }
0x2b: {  	s6 =	sld [smem:$0x3FA4]  }
0x2c: {  	s7 =	sld [smem:$0x3FA5]  }
0x2d: {  	s3 =	simm.s32 $0x108;
	s8 =	sld [smem:$0x3FA6]  }
0x2e: {  	s3 =	simm.s32 @!p0 $0x1082;
	s9 =	sld [smem:$0x3FA7]  }
0x2f: {  	lr =	sadd.s32 s0, s3;
	s0 =	sld [smem:$0x3F9E]  }
0x30: {  	s3 =	sld [smem:$0x3FA1]  }
0x31: {  	[smem:$0x3FAA] =	sst s10  }
0x32: {  	s10 =	sld [smem:$0x3FA8];
	_ =	sdelay $0x3  }
0x33: {  	p0 =	seq.s32 s10, $0x1;
	s10 =	sld [smem:$0x3FAA];
	_ =	sdelay $0x3  }
0x34: {  	[smem:$0x3FAA] =	sst s10  }
0x35: {  	s10 =	sld [smem:$0x3FA9];
	_ =	sdelay $0x3  }
0x36: {  	p1 =	seq.s32 s10, $0x1;
	s10 =	sld [smem:$0x3FAA];
	_ =	sdelay $0x3  }
0x37: {  	[smem:$0x3FAA] =	sst s10  }
0x38: {  	s10 =	sld [smem:$0x3FAB]  }
0x39: {  	_ = 	snop;
	(pc) =	sbr.ind lr, $3  }
0x3a: {  	_ = 	snop  }
0x3b: {  	_ = 	snop  }
0x3c: {  	p2 =	seq.s32 s10, $0x1;
	s10 =	sld [smem:$0x3FAA]  }
0x3d: {  	_ =	shalt  }
0x3e: {  	_ =	shalt  }
0x3f: {  	_ =	shalt  }
0x40: {  	_ =	shalt  }
0x41: {  	_ =	shalt  }
0x42: {  	_ =	shalt  }
0x43: {  	_ =	shalt  }
0x44: {  	_ =	shalt  }
0x45: {  	_ =	shalt  }
0x46: {  	_ =	shalt  }
0x47: {  	_ =	shalt  }
0x48: {  	_ =	shalt  }
0x49: {  	_ =	shalt  }
0x4a: {  	_ =	shalt  }
0x4b: {  	_ =	shalt  }
0x4c: {  	_ =	shalt  }
0x4d: {  	_ =	shalt  }
0x4e: {  	_ =	shalt  }
0x4f: {  	_ =	shalt  }
0x50: {  	_ =	shalt  }
0x51: {  	_ =	shalt  }
0x52: {  	_ =	shalt  }
0x53: {  	_ =	shalt  }
0x54: {  	_ =	shalt  }
0x55: {  	_ =	shalt  }
0x56: {  	_ =	shalt  }
0x57: {  	_ =	shalt  }
0x58: {  	_ =	shalt  }
0x59: {  	_ =	shalt  }
0x5a: {  	_ =	shalt  }
0x5b: {  	_ =	shalt  }
0x5c: {  	_ =	shalt  }
0x5d: {  	_ =	shalt  }
0x5e: {  	_ =	shalt  }
0x5f: {  	_ =	shalt  }
0x60: {  	_ =	shalt  }
0x61: {  	_ =	shalt  }
0x62: {  	_ =	shalt  }
0x63: {  	_ =	shalt  }
0x64: {  	_ =	shalt  }
0x65: {  	_ =	shalt  }
0x66: {  	_ =	shalt  }
0x67: {  	_ =	shalt  }
0x68: {  	_ =	shalt  }
0x69: {  	_ =	shalt  }
0x6a: {  	_ =	shalt  }
0x6b: {  	_ =	shalt  }
0x6c: {  	_ =	shalt  }
0x6d: {  	_ =	shalt  }
0x6e: {  	_ =	shalt  }
0x6f: {  	_ =	shalt  }
0x70: {  	_ =	shalt  }
0x71: {  	_ =	shalt  }
0x72: {  	_ =	shalt  }
0x73: {  	_ =	shalt  }
0x74: {  	_ =	shalt  }
0x75: {  	_ =	shalt  }
0x76: {  	_ =	shalt  }
0x77: {  	_ =	shalt  }
0x78: {  	_ =	shalt  }
0x79: {  	_ =	shalt  }
0x7a: {  	_ =	shalt  }
0x7b: {  	_ =	shalt  }
0x7c: {  	_ =	shalt  }
0x7d: {  	_ =	shalt  }
0x7e: {  	_ =	shalt  }
0x7f: {  	_ =	shalt  }
0x80: {  	_ =	shalt  }
0x81: {  	_ =	shalt  }
0x82: {  	_ =	shalt  }
0x83: {  	_ =	shalt  }
0x84: {  	_ =	shalt  }
0x85: {  	_ =	shalt  }
0x86: {  	_ =	shalt  }
0x87: {  	_ =	shalt  }
.Lfunc_end0:
.L_simem_size_0:
called_computation.3_lowered:
.L_overlay_start_0:
0x88: {  	s2 =	sld [smem:$0x3FD9]  }
0x89: {  	s3 =	sld [smem:$0x3FFE];
	_ =	sdelay $0x1  }
0x8a: {  	s1 =	srdreg.scid  }
0x8b: {  	s0 =	sand.u32 $0x1, s1  }
0x8c: {  	s17 =	sshll.u32 s0, $0xA;
	s2 =	sadd.s32 s3, s2  }
0x8d: {  	s2 =	sadd.s32 s2, s17  }
0x8e: {  	[smem:$0x3FB6] =	sst s2  }
0x8f: {  	_ = 	snop  }
0x90: {  	s18 =	sld [smem:$0x3FBE];
	(tm) =	ssettm $0x1  }
0x91: {  	s19 =	sld [smem:$0x3FFB];
	_ =	sdelay $0x3  }
0x92: {  	_ =	strace s19  }
0x93: {  	s2 =	sld [smem:$0x3FFC];
	_ =	sdelay $0x3  }
0x94: {  	_ =	strace s2  }
0x95: {  	s2 =	sld [smem:$0x3FFD];
	_ =	sdelay $0x3  }
0x96: {  	_ =	strace s2  }
0x97: {  	_ =	strace $0x8FFFFFFF  }
0x98: {  	s20 =	sld [smem:$0x3FDB];
	_ =	sdelay $0x1  }
0x99: {  	s4 =	simm.s32 $_scs_section_size  }
0x9a: {  	s5 =	simm.s32 $_size__tile_overlayer_lowered;
	s6 =	simm.s32 $_tile_overlayer_lowered  }
0x9b: {  	s7 =	simm.s32 $0x1BFF;
	s21 =	sshll.u32 s6, $0x1;
	s4 =	sadd.s32 s4, s20  }
0x9c: {  	s22 =	simm.s32 $0x0;
	s5 =	sshll.u32 s5, $0x1;
	s6 =	sadd.s32 s21, s4  }
0x9d: {  	[timem:s22], [sflag:s7] =	dma.local [hbm:s6], s5  }
0x9e: {  	_ =	swait.ge [sflag:s7], s5  }
0x9f: {  	s5 =	ssub.s32 $0x0, s5;
	[sflag:s7] =	ssyncset.done $0x0  }
0xa0: {  	[sflag:s7] =	ssyncadd.s32 s5;
	_ =	sdelay $0x1  }
0xa1: {  	s23 =	simm.s32 $0x1B8B  }
0xa2: {  	_ =	swait.ge [sflag:s23], $0x1  }
0xa3: {  	[sflag:s23] =	ssyncset.done $0x0  }
0xa4: {  	[sflag:s23] =	ssyncadd.s32 $0xFFFFFFFF  }
0xa5: {  	s5 =	sld [smem:$0x0]  }
0xa6: {  	s6 =	sand.u32 $0xFFFFFFFE, s1  }
0xa7: {  	p0 =	sne.s32 s1, s6  }
0xa8: {  	s6 =	sshll.u32 @p0 s6, $0xE  }
0xa9: {  	s6 =	sadd.s32 @p0 $0x11B8D, s6;
	s7 =	sshll.u32 @p0 s5, $0x11  }
0xaa: {  	s6 =	sor.u32 @p0 s7, s6  }
0xab: {  	[sflag:s6] =	ssyncadd.remote.s32 @p0 $0x1;
	_ =	sdelay $0x1  }
0xac: {  	s6 =	simm.s32 @p0 $0x1B8D  }
0xad: {  	_ =	swait.eq @p0 [sflag:s6], $0x1  }
0xae: {  	[sflag:s6] =	ssyncadd.s32 @p0 $0xFFFFFFFF  }
0xaf: {  	s7 =	sshll.u32 @!p0 s1, $0xE  }
0xb0: {  	s7 =	sor.u32 @!p0 $0x4000, s7;
	s6 =	simm.s32 @!p0 $0x1B8D  }
0xb1: {  	s5 =	sshll.u32 @!p0 s5, $0x11;
	s7 =	sadd.s32 @!p0 $0x11B8D, s7;
	_ =	swait.eq @!p0 [sflag:s6], $0x1  }
0xb2: {  	s5 =	sor.u32 @!p0 s5, s7;
	[sflag:s6] =	ssyncadd.s32 @!p0 $0xFFFFFFFF  }
0xb3: {  	s25 =	simm.s32 $0x1B8E;
	s24 =	sld [smem:$0x3FFE];
	[sflag:s5] =	ssyncadd.remote.s32 @!p0 $0x1  }
0xb4: {  	s26 =	simm.s32 $execute0_lowered;
	[smem:$0x3FD2] =	sst s25  }
0xb5: {  	s6 =	sshll.u32 s26, $0x1;
	_ =	strace $0x8000004C;
	[dreg:$0x1] =	wrdreg $0xFFFFFFFF  }
0xb6: {  	s28 =	simm.s32 $_size_execute0_lowered;
	s4 =	sadd.s32 s4, s6;
	[dreg:$0x0] =	wrdreg $0x0  }
0xb7: {  	s6 =	sshll.u32 s28, $0x1;
	[dreg:$0x2] =	wrdreg s4  }
0xb8: {  	[dreg:$0x3] =	wrdreg s6  }
0xb9: {  	[dreg:$0x4] =	wrdreg $0xC0  }
0xba: {  	_ =	task [dreg:s22], $0x5FFFF  }
0xbb: {  	[dreg:$0x1] =	wrdreg $0xFFFFFFFF  }
0xbc: {  	[dreg:$0x0] =	wrdreg $0x60  }
0xbd: {  	[dreg:$0x2] =	wrdreg s18  }
0xbe: {  	[dreg:$0x3] =	wrdreg s24  }
0xbf: {  	[dreg:$0x4] =	wrdreg $0x0  }
0xc0: {  	[dreg:$0x5] =	wrdreg $0xC  }
0xc1: {  	_ =	task.clear_ibuf [dreg:s22], $0x6FFFF;
	_ =	strace $0x9000004C  }
0xc2: {  	s29 =	simm.s32 $0xC;
	_ =	strace $0x8000004E  }
0xc3: {  	_ =	swait.ge [sflag:s29], $0x1  }
0xc4: {  	[sflag:s29] =	ssyncadd.s32 $0xFFFFFFFF  }
0xc5: {  	_ =	strace $0x9000004E  }
0xc6: {  	_ =	sfence  }
0xc7: {  	s30 =	sld [smem:$0x0];
	_ =	sdelay $0x2  }
0xc8: {  	s31 =	sshll.u32 s1, $0xD;
	s1 =	sshrl.u32 s1, $0x2  }
0xc9: {  	s4 =	sand.u32 $0x4000, s31;
	s1 =	sadd.s32 s1, s30  }
0xca: {  	s0 =	sor.u32 s4, s0;
	s1 =	sshll.u32 s1, $0x11  }
0xcb: {  	s0 =	sor.u32 s1, s0  }
0xcc: {  	s0 =	sadd.s32 $0x8F2B, s0  }
0xcd: {  	[sflag:s0] =	ssyncadd.remote.s32 $0x1  }
0xce: {  	_ =	sfence.sel $0xFFFF  }
0xcf: {  	[dreg:$0x0] =	wrdreg $0xFFFFFFFF;
	(pc) =	sbr.abs _section_cstart, $3  }
0xd0: {  	[dreg:$0x1] =	wrdreg $0xFFFFFFFF  }
0xd1: {  	_ =	task.clear_ibuf [dreg:s22], $0x2FFFF;
	_ =	strace $0x9FFFFFFF  }
0xd2: {  	(tm) =	ssettm $0x7FFFFFFF  }
0xd3: {  	_ =	shalt  }
tec
execute0_lowered:
.L_overlay_start_1:
0x0: {  	(tag) =	ssettag $0x1  }
0x1: {  	s17 =	rddreg [dreg:$0x0]  }
0x2: {  	s4 =	rddreg [dreg:$0x1]  }
0x3: {  	s1 =	rddreg [dreg:$0x2]  }
0x4: {  	s0 =	rddreg [dreg:$0x3]  }
0x5: {  	s3 =	simm.s32 $0x0;
	s2 =	stileid.u32;
	s5 =	srdreg.scid  }
0x6: {  	[smem:$0x7FF] =	sst s3;
	s28 =	smul.u32 $0x50000, s2  }
0x7: {  	s6 =	sshll.u32 s2, $0xC;
	s15 =	sand.u32 $0x1, s5;
	s14 =	smul.u32 $0x14000, s2  }
0x8: {  	s19 =	sadd.s32 $0xEA9400, s4;
	p0 =	slt.u32 s2, $0x2;
	s20 =	sshll.u32 s2, $0x8  }
0x9: {  	_ =	strace $0x8000004D;
	s16 =	sadd.s32 s6, s4;
	s29 =	ssub.s32 $0x2, s15  }
0xa: {  	s18 =	smul.u32 $0x140000, s15;
	s21 =	sshll.u32 s15, $0x7;
	s7 =	sshrl.u32 s29, $0x1  }
0xb: {  	s5 =	sshrl.u32 s28, $0x2;
	s13 =	sadd.s32 $0x4000, s14;
	s22 =	sadd.s32 $0x8000, s14  }
0xc: {  	s24 =	sadd.s32 $0xC000, s14;
	s20 =	sor.u32 s21, s20;
	s21 =	simm.s32 $0x80  }
0xd: {  	s7 =	ssub.s32 s29, s7;
	s4 =	sadd.s32 s5, s1;
	s5 =	simm.s32 $0x4F  }
0xe: {  	s30 =	sadd.s32 s18, s14;
	s12 =	sadd.s32 s18, s13;
	s23 =	sadd.s32 s18, s22  }
0xf: {  	s25 =	sadd.s32 s13, s1;
	s31 =	sadd.s32 s18, s24;
	s26 =	sadd.s32 s22, s1  }
0x10: {  	s29 =	sadd.s32 $0x10000, s14;
	s24 =	sadd.s32 s24, s1;
	s5 =	simm.s32 @!p0 $0x4E  }
0x11: {  	s6 =	sshrl.u32 s30, $0x3;
	s7 =	smax.u32 s7, $0x1;
	s8 =	sadd.s32 $0x4000, s4  }
0x12: {  	s9 =	sadd.s32 $0x8000, s4;
	s10 =	sadd.s32 $0xC000, s4;
	s11 =	sadd.s32 $0x10000, s4  }
0x13: {  	s12 =	sshrl.u32 s12, $0x3;
	s23 =	sshrl.u32 s23, $0x3;
	s28 =	sshrl.u32 s31, $0x3  }
0x14: {  	s18 =	sadd.s32 s18, s29;
	s30 =	sshll.u32 s15, $0xB;
	s31 =	sshrl.u32 s20, $0x3  }
0x15: {  	s20 =	simm.s32 $0x14000;
	s22 =	sshrl.u32 s25, $0x3;
	s24 =	sshrl.u32 s24, $0x3  }
0x16: {  	s6 =	sadd.s32 s19, s6;
	s12 =	sadd.s32 s19, s12;
	s13 =	sadd.s32 s19, s23  }
0x17: {  	s14 =	sadd.s32 s19, s28;
	s18 =	sshrl.u32 s18, $0x3;
	s16 =	sadd.s32 s30, s16  }
0x18: {  	s28 =	sadd.s32 s29, s1;
	s17 =	sadd.s32 s31, s17;
	s23 =	sshrl.u32 s26, $0x3  }
0x19: {  	s26 =	simm.s32 $0x0;
	s15 =	sadd.s32 s19, s18;
	s16 =	sadd.s32 $0x138B400, s16  }
0x1a: {  	v0 =	vimm.f32 $0.0e+00;
	s18 =	simm.s32 $0x14080;
	s19 =	simm.s32 $0x1;
	s25 =	sshrl.u32 s28, $0x3  }
.LBB2_1:
0x1b: {  	s28 =	simm.s32 $0x0;
	s29 =	simm.s32 $0x200  }
.LBB2_2:
0x1c: {  	p0 =	sne.s32 s29, $0xFE00;
	[tilespmem:s28+$0x140F0] =	vst v0  }
0x1d: {  	[tilespmem:s28+$0x14080] =	vst v0  }
0x1e: {  	[tilespmem:s28+$0x14090] =	vst v0  }
.Ltmp0:
0x1f: {  	[tilespmem:s28+$0x140A0] =	vst v0;
	(pc) =	sbr.rel @p0 .LBB2_2-.Ltmp0, $4  }
0x20: {  	[tilespmem:s28+$0x140B0] =	vst v0  }
0x21: {  	[tilespmem:s28+$0x140C0] =	vst v0  }
0x22: {  	[tilespmem:s28+$0x140D0] =	vst v0  }
0x23: {  	[tilespmem:s28+$0x140E0] =	vst v0;
	s28 =	sshra.s32 s29, $0x2;
	s29 =	sadd.s32 $0x200, s29  }
0x24: {  	[tilespmem:s28+$0x140F0] =	vst v0  }
0x25: {  	[tilespmem:s28+$0x14080] =	vst v0  }
0x26: {  	[tilespmem:s28+$0x14090] =	vst v0  }
0x27: {  	[tilespmem:s28+$0x140A0] =	vst v0  }
0x28: {  	[tilespmem:s28+$0x140B0] =	vst v0  }
0x29: {  	[tilespmem:s28+$0x140C0] =	vst v0  }
0x2a: {  	[tilespmem:s28+$0x140D0] =	vst v0  }
0x2b: {  	[tilespmem:s28+$0x140E0] =	vst v0  }
0x2c: {  	[spmem:s4] =	stream.linear.scatter [tilespmem:s18], [sflag:$0x1], $0x4000, $0x38;
	[tilespmem:$0x18080] =	vst v63  }
0x2d: {  	_ =	swait.ge [sflag:s19], $0x4000  }
0x2e: {  	[sflag:s19] =	ssyncset.done $0x0  }
0x2f: {  	[sflag:s19] =	ssyncadd.s32 $0xFFFFC000  }
0x30: {  	[spmem:s8] =	stream.linear.scatter [tilespmem:s18], [sflag:$0x1], $0x4000, $0x38;
	[tilespmem:$0x18080] =	vst v63  }
0x31: {  	_ =	swait.ge [sflag:s19], $0x4000  }
0x32: {  	[sflag:s19] =	ssyncset.done $0x0  }
0x33: {  	[sflag:s19] =	ssyncadd.s32 $0xFFFFC000  }
0x34: {  	[spmem:s9] =	stream.linear.scatter [tilespmem:s18], [sflag:$0x1], $0x4000, $0x38;
	[tilespmem:$0x18080] =	vst v63  }
0x35: {  	_ =	swait.ge [sflag:s19], $0x4000  }
0x36: {  	[sflag:s19] =	ssyncset.done $0x0  }
0x37: {  	[sflag:s19] =	ssyncadd.s32 $0xFFFFC000  }
0x38: {  	[spmem:s10] =	stream.linear.scatter [tilespmem:s18], [sflag:$0x1], $0x4000, $0x38;
	[tilespmem:$0x18080] =	vst v63  }
0x39: {  	_ =	swait.ge [sflag:s19], $0x4000  }
0x3a: {  	[sflag:s19] =	ssyncset.done $0x0  }
0x3b: {  	[sflag:s19] =	ssyncadd.s32 $0xFFFFC000  }
0x3c: {  	[spmem:s11] =	stream.linear.scatter [tilespmem:s18], [sflag:$0x1], $0x4000, $0x38;
	[tilespmem:$0x18080] =	vst v63  }
0x3d: {  	_ =	swait.ge [sflag:s19], $0x4000  }
0x3e: {  	[sflag:s19] =	ssyncset.done $0x0  }
0x3f: {  	[sflag:s19] =	ssyncadd.s32 $0xFFFFC000  }
0x40: {  	[bflag:$0x0] =	sbarrier.arrive $0xFFFF  }
0x41: {  	[tilespmem:s20], [sflag:$0x1] =	stream.linear.gather [hbm4b:s17+s3], $0x80, $0x38;
	[tilespmem:$0x18080] =	vst v63  }
0x42: {  	_ =	swait.ge [sflag:s19], $0x80  }
0x43: {  	[sflag:s19] =	ssyncset.done $0x0  }
0x44: {  	[sflag:s19] =	ssyncadd.s32 $0xFFFFFF80  }
0x45: {  	[tilespmem:s18], [sflag:$0x1] =	stream.linear.gather [hbm4b:s16+s3], $0x4000, $0x38;
	[tilespmem:$0x18080] =	vst v63  }
0x46: {  	p0 =	sne.s32 s5, $0x1;
	_ =	swait.ge [sflag:s19], $0x4000  }
.Ltmp1:
0x47: {  	[sflag:s19] =	ssyncset.done $0x0;
	(pc) =	sbr.rel @!p0 .LBB2_5-.Ltmp1, $4  }
0x48: {  	[sflag:s19] =	ssyncadd.s32 $0xFFFFC000  }
0x49: {  	[spmem:s1] =	stream.indirect.scatter.add.f32 [tilespmem:s18], [sflag:$0x1], $0x80, s20, s21, $0xb8;
	[tilespmem:$0x18080] =	vst v63  }
0x4a: {  	s28 =	sadd.s32 $0xFFFFFFFF, s5;
	_ =	swait.ge [sflag:s19], $0x4000  }
0x4b: {  	s29 =	smov.u32 s16;
	s30 =	smov.u32 s17;
	[sflag:s19] =	ssyncset.done $0x0  }
.LBB2_4:
0x4c: {  	[sflag:s19] =	ssyncadd.s32 $0xFFFFC000;
	s29 =	sadd.s32 $0x10000, s29;
	s30 =	sadd.s32 $0x200, s30  }
0x4d: {  	[tilespmem:s20], [sflag:$0x1] =	stream.linear.gather [hbm4b:s30+s3], $0x80, $0x38;
	[tilespmem:$0x18080] =	vst v63  }
0x4e: {  	p0 =	sne.s32 s28, $0x1;
	s28 =	sadd.s32 $0xFFFFFFFF, s28;
	_ =	swait.ge [sflag:s19], $0x80  }
0x4f: {  	[sflag:s19] =	ssyncset.done $0x0  }
0x50: {  	[sflag:s19] =	ssyncadd.s32 $0xFFFFFF80  }
0x51: {  	[tilespmem:s18], [sflag:$0x1] =	stream.linear.gather [hbm4b:s29+s3], $0x4000, $0x38;
	[tilespmem:$0x18080] =	vst v63  }
0x52: {  	_ =	swait.ge [sflag:s19], $0x4000  }
.Ltmp2:
0x53: {  	[sflag:s19] =	ssyncset.done $0x0;
	(pc) =	sbr.rel @p0 .LBB2_4-.Ltmp2, $4  }
0x54: {  	[sflag:s19] =	ssyncadd.s32 $0xFFFFC000  }
0x55: {  	[spmem:s1] =	stream.indirect.scatter.add.f32 [tilespmem:s18], [sflag:$0x1], $0x80, s20, s21, $0xb8;
	[tilespmem:$0x18080] =	vst v63  }
0x56: {  	_ =	swait.ge [sflag:s19], $0x4000  }
0x57: {  	[sflag:s19] =	ssyncset.done $0x0  }
.LBB2_5:
0x58: {  	[sflag:s19] =	ssyncadd.s32 $0xFFFFC000;
	s28 =	sshll.u32 s2, $0x6  }
0x59: {  	s29 =	sshrl.u32 s4, $0x3;
	[bflag:$0x0] =	sbarrier.arrive $0xFFFF;
	s28 =	sor.u32 $0x1C01, s28  }
0x5a: {  	[hbm:s6], [sflag:s28] =	dma.local [spmem:s29], $0x800  }
0x5b: {  	_ =	swait.ge [sflag:s19], $0x800  }
0x5c: {  	[sflag:s19] =	ssyncset.done $0x0  }
0x5d: {  	[sflag:s19] =	ssyncadd.s32 $0xFFFFF800  }
0x5e: {  	[hbm:s12], [sflag:s28] =	dma.local [spmem:s22], $0x800  }
0x5f: {  	_ =	swait.ge [sflag:s19], $0x800  }
0x60: {  	[sflag:s19] =	ssyncset.done $0x0  }
0x61: {  	[sflag:s19] =	ssyncadd.s32 $0xFFFFF800  }
0x62: {  	[hbm:s13], [sflag:s28] =	dma.local [spmem:s23], $0x800  }
0x63: {  	_ =	swait.ge [sflag:s19], $0x800  }
0x64: {  	[sflag:s19] =	ssyncset.done $0x0  }
0x65: {  	[sflag:s19] =	ssyncadd.s32 $0xFFFFF800  }
0x66: {  	[hbm:s14], [sflag:s28] =	dma.local [spmem:s24], $0x800  }
0x67: {  	s26 =	sadd.s32 $0x1, s26;
	_ =	swait.ge [sflag:s19], $0x800  }
0x68: {  	p0 =	sne.s32 s26, s7;
	[sflag:s19] =	ssyncset.done $0x0  }
.Ltmp3:
0x69: {  	[sflag:s19] =	ssyncadd.s32 $0xFFFFF800;
	(pc) =	sbr.rel @p0 .LBB2_1-.Ltmp3, $4  }
0x6a: {  	[hbm:s15], [sflag:s28] =	dma.local [spmem:s25], $0x800  }
0x6b: {  	_ =	swait.ge [sflag:s19], $0x800  }
0x6c: {  	[sflag:s19] =	ssyncset.done $0x0  }
0x6d: {  	[sflag:s19] =	ssyncadd.s32 $0xFFFFF800  }
0x6e: {  	_ =	sfence.sel $0x180000  }
0x6f: {  	[bflag:$0x0] =	sbarrier.arrive $0xFFFF  }
0x70: {  	p0 =	sne.s32 s2, $0x0;
	_ =	strace $0x9000004D  }
0x71: {  	s0 =	sadd.s32 @!p0 $0x100000, s0;
	[bflag:$0x2] =	sbarrier.arrive $0xFFFF  }
0x72: {  	[sflag:s0] =	ssyncadd.tile.s32 @!p0 $0x1;
	_ =	shalt  }
.Lfunc_end2:
_tile_overlayer_lowered:
.L_overlay_start_2:
0x73: {  	(tag) =	ssettag $0x2  }
0x74: {  	s0 =	rddreg [dreg:$0x0];
	s2 =	stileid.u32  }
0x75: {  	s1 =	rddreg [dreg:$0x1];
	p0 =	sne.s32 s2, $0x0  }
0x76: {  	s3 =	rddreg [dreg:$0x2];
	[bflag:$0x3] =	sbarrier.arrive $0xFFFF;
	s2 =	simm.s32 @!p0 $0x1C01  }
0x77: {  	[timem:s3], [sflag:s2] =	dma.local @!p0 [hbm:s0], s1  }
0x78: {  	s0 =	simm.s32 @!p0 $0x1  }
0x79: {  	_ =	swait.ge @!p0 [sflag:s0], s1  }
0x7a: {  	s1 =	ssub.s32 @!p0 $0x0, s1;
	[sflag:s0] =	ssyncset.done @!p0 $0x0  }
0x7b: {  	[sflag:s0] =	ssyncadd.s32 @!p0 s1  }
0x7c: {  	[bflag:$0x3] =	sbarrier.arrive $0xFFFF  }
0x7d: {  	_ =	shalt  }

</sc_bundles>
